<compile_context>
chip_gen: v7x
topology: tpu7x:2x2x1
jax: 0.10.2.dev20260603
libtpu: 0.0.44.dev20260713+nightly
codegen_flags: <defaults>
</compile_context>

<pallas_src>
import functools

import jax
import jax.numpy as jnp
import numpy as np
from jax import lax
from jax.experimental import pallas as pl
from jax.experimental.pallas import tpu as pltpu
from jax.experimental.pallas import tpu_sc as plsc

ROWS, COLS = 4096, 8192
LANES = 16
R = 2
CHUNKS = COLS // LANES
CPB = 4
BLOCKS = CHUNKS // CPB

_info = plsc.get_sparse_core_info()
NC, NS = _info.num_cores, _info.num_subcores
NW = NC * NS
ROWS_PER_W = ROWS // NW
GROUPS = ROWS_PER_W // R
NSLOT = 3

_GD = lax.GatherDimensionNumbers(
    offset_dims=(), collapsed_slice_dims=(0,), start_index_map=(0,))


def _body(x_hbm, m_hbm, out_hbm,
          xb0, xb1, xb2, mb0, mb1, mb2,
          sin0, sin1, sin2, sout0, sout1, sout2):
    wid = lax.axis_index("s") * NC + lax.axis_index("c")
    base = wid * ROWS_PER_W
    xbs = (xb0, xb1, xb2)
    mbs = (mb0, mb1, mb2)
    sins = (sin0, sin1, sin2)
    souts = (sout0, sout1, sout2)

    lane = lax.iota(jnp.int32, LANES)
    half0 = (lane // 8) * 8
    idxs = [jnp.maximum(lane - k, half0).reshape(LANES, 1) for k in (1, 2, 4)]
    zmasks = [((lane % 8) >= k).astype(jnp.float32) for k in (1, 2, 4)]
    himask = (lane >= 8).astype(jnp.float32)

    def start_load(g, slot):
        row0 = base + g * R
        pltpu.async_copy(x_hbm.at[pl.ds(row0, R)], xbs[slot], sins[slot])
        pltpu.async_copy(m_hbm.at[pl.ds(row0, R)], mbs[slot], sins[slot])

    def wait_load(slot):
        pltpu.make_async_copy(x_hbm.at[pl.ds(0, R)], xbs[slot], sins[slot]).wait()
        pltpu.make_async_copy(m_hbm.at[pl.ds(0, R)], mbs[slot], sins[slot]).wait()

    def start_store(g, slot):
        row0 = base + g * R
        pltpu.async_copy(xbs[slot], out_hbm.at[pl.ds(row0, R)], souts[slot])

    def wait_store(slot):
        pltpu.make_async_copy(xbs[slot], out_hbm.at[pl.ds(0, R)], souts[slot]).wait()

    def compute(slot):
        xb, mb = xbs[slot], mbs[slot]
        units = [(c, r) for c in range(CPB) for r in range(R)]

        def block(j, carries):
            carries = list(carries)
            offs = {(c, r): (j * CPB + c) * LANES for c, r in units}
            s = {u: xb[u[1], pl.ds(offs[u], LANES)]
                 * mb[u[1], pl.ds(offs[u], LANES)] for u in units}
            for t in range(3):
                sh = {u: lax.gather(
                    s[u], idxs[t], _GD, (1,),
                    mode=lax.GatherScatterMode.PROMISE_IN_BOUNDS)
                    for u in units}
                sh = {u: sh[u] * zmasks[t] for u in units}
                s = {u: s[u] + sh[u] for u in units}
            lo = {u: s[u][7] for u in units}
            hi = {u: s[u][LANES - 1] for u in units}
            s = {u: s[u] + lo[u] * himask for u in units}
            for c in range(CPB):
                for r in range(R):
                    xb[r, pl.ds(offs[(c, r)], LANES)] = s[(c, r)] + carries[r]
                    carries[r] = carries[r] + (lo[(c, r)] + hi[(c, r)])
            return tuple(carries)

        lax.fori_loop(0, BLOCKS, block, (jnp.float32(0),) * R, unroll=False)

    def step(g, slot, *, traced):
        when = pl.when if traced else (lambda p: (lambda f: f() if p else None))
        nxt = (slot + 1) % NSLOT

        @when(g >= 2)
        def _w():
            wait_store(nxt)

        @when(g < GROUPS - 1)
        def _l():
            start_load(g + 1, nxt)

        wait_load(slot)
        compute(slot)
        start_store(g, slot)

    start_load(0, 0)

    def ring(i, carry):
        for k in range(NSLOT):
            step(i * NSLOT + k, k, traced=True)
        return carry

    main_iters = GROUPS // NSLOT
    lax.fori_loop(0, main_iters, ring, 0, unroll=False)
    for g in range(main_iters * NSLOT, GROUPS):
        step(g, g % NSLOT, traced=False)
    wait_store((GROUPS - 2) % NSLOT)
    wait_store((GROUPS - 1) % NSLOT)


@jax.jit
def _masked_cumsum(x, mf):
    mesh = plsc.VectorSubcoreMesh(core_axis_name="c", subcore_axis_name="s")
    return pl.kernel(
        _body,
        out_type=jax.ShapeDtypeStruct((ROWS, COLS), jnp.float32),
        mesh=mesh,
        scratch_types=[
            pltpu.VMEM((R, COLS), jnp.float32),
            pltpu.VMEM((R, COLS), jnp.float32),
            pltpu.VMEM((R, COLS), jnp.float32),
            pltpu.VMEM((R, COLS), jnp.float32),
            pltpu.VMEM((R, COLS), jnp.float32),
            pltpu.VMEM((R, COLS), jnp.float32),
            pltpu.SemaphoreType.DMA,
            pltpu.SemaphoreType.DMA,
            pltpu.SemaphoreType.DMA,
            pltpu.SemaphoreType.DMA,
            pltpu.SemaphoreType.DMA,
            pltpu.SemaphoreType.DMA,
        ],
        compiler_params=pltpu.CompilerParams(needs_layout_passes=False),
    )(x, mf)


def kernel(x, mask):
    return _masked_cumsum(x, mask.astype(jnp.float32))

# --- scband reference (transcript-rebuilt; emitter-appended) ---
"""Pipeline reference for scband-model-new-73315091743784 (READ-ONLY COPY).

The authoritative reference and input builder live on the scoring server;
editing this copy changes nothing except your own understanding.
"""

import jax, jax.numpy as jnp
import numpy as np

def setup_inputs(seed: int = 0) -> dict:
    key = jax.random.key(seed)
    k1, k2 = jax.random.split(key)
    x = jax.random.normal(k1, (4096, 8192), dtype=jnp.float32)
    mask = jax.random.randint(k2, (4096, 8192), 0, 2).astype(jnp.bool_)
    return {"x": x, "mask": mask}

def reference(x, mask):
    # Faithful translation of the CUDA kernel: per-row (batch) inclusive cumulative
    # sum along dim=1 of x elementwise-multiplied by the binary mask.
    masked = x * mask.astype(x.dtype)
    return jnp.cumsum(masked, axis=1)

if __name__ == "__main__":
    import jax
    _d = setup_inputs()
    print(jax.jit(kernel)(*tuple(_d.values())))

</pallas_src>

<mosaic_0001>
#map = affine_map<(d0, d1) -> (0, 0)>
module attributes {stable_mosaic.version = 14 : i64} {
  func.func @_body(%arg0: i32, %arg1: i32, %arg2: memref<4096x8192xf32, #tpu.memory_space<hbm>>, %arg3: memref<4096x8192xf32, #tpu.memory_space<hbm>>, %arg4: memref<4096x8192xf32, #tpu.memory_space<hbm>>, %arg5: memref<2x8192xf32, #tpu.memory_space<vmem>>, %arg6: memref<2x8192xf32, #tpu.memory_space<vmem>>, %arg7: memref<2x8192xf32, #tpu.memory_space<vmem>>, %arg8: memref<2x8192xf32, #tpu.memory_space<vmem>>, %arg9: memref<2x8192xf32, #tpu.memory_space<vmem>>, %arg10: memref<2x8192xf32, #tpu.memory_space<vmem>>, %arg11: memref<!tpu.dma_semaphore, #tpu.memory_space<semaphore_mem>>, %arg12: memref<!tpu.dma_semaphore, #tpu.memory_space<semaphore_mem>>, %arg13: memref<!tpu.dma_semaphore, #tpu.memory_space<semaphore_mem>>, %arg14: memref<!tpu.dma_semaphore, #tpu.memory_space<semaphore_mem>>, %arg15: memref<!tpu.dma_semaphore, #tpu.memory_space<semaphore_mem>>, %arg16: memref<!tpu.dma_semaphore, #tpu.memory_space<semaphore_mem>>) attributes {dimension_semantics = [#tpu.dimension_semantics<core_parallel>, #tpu.dimension_semantics<subcore_parallel>], iteration_bounds = array<i64: 2, 16>, scalar_prefetch = 0 : i64, scratch_operands = 12 : i64, tpu.core_type = #tpu.core_type<sc_vector_subcore>, window_params = [{transform_indices = #map}, {transform_indices = #map}, {transform_indices = #map}]} {
    %mul3A = arith.constant 2 : i32
    %mul3A_0 = arith.muli %arg1, %mul3A : i32
    %add3A = arith.addi %mul3A_0, %arg0 : i32
    %mul3A_1 = arith.constant 128 : i32
    %mul3A_2 = arith.muli %add3A, %mul3A_1 : i32
    %iota3A = tpu.iota {dimensions = array<i32: 0>} : vector<16xi32>
    %jit3A = arith.constant 8 : i32
    %div3A = vector.broadcast %jit3A : i32 to vector<16xi32>
    %div3A_3 = arith.divsi %iota3A, %div3A : vector<16xi32>
    %sign3A = arith.constant 0 : i32
    %sign3A_4 = vector.broadcast %sign3A : i32 to vector<16xi32>
    %sign3A_5 = arith.cmpi sgt, %iota3A, %sign3A_4 : vector<16xi32>
    %sign3A_6 = arith.extui %sign3A_5 : vector<16xi1> to vector<16xi32>
    %sign3A_7 = arith.constant 0 : i32
    %sign3A_8 = vector.broadcast %sign3A_7 : i32 to vector<16xi32>
    %sign3A_9 = arith.cmpi slt, %iota3A, %sign3A_8 : vector<16xi32>
    %sign3A_10 = arith.extui %sign3A_9 : vector<16xi1> to vector<16xi32>
    %sign3A_11 = arith.subi %sign3A_6, %sign3A_10 : vector<16xi32>
    %sign3A_12 = arith.constant 0 : i32
    %sign3A_13 = arith.cmpi sgt, %jit3A, %sign3A_12 : i32
    %sign3A_14 = arith.extui %sign3A_13 : i1 to i32
    %sign3A_15 = arith.constant 0 : i32
    %sign3A_16 = arith.cmpi slt, %jit3A, %sign3A_15 : i32
    %sign3A_17 = arith.extui %sign3A_16 : i1 to i32
    %sign3A_18 = arith.subi %sign3A_14, %sign3A_17 : i32
    %ne3A = vector.broadcast %sign3A_18 : i32 to vector<16xi32>
    %ne3A_19 = arith.cmpi ne, %sign3A_11, %ne3A : vector<16xi32>
    %rem3A = vector.broadcast %jit3A : i32 to vector<16xi32>
    %rem3A_20 = arith.remsi %iota3A, %rem3A : vector<16xi32>
    %ne3A_21 = arith.constant 0 : i32
    %ne3A_22 = vector.broadcast %ne3A_21 : i32 to vector<16xi32>
    %ne3A_23 = arith.cmpi ne, %rem3A_20, %ne3A_22 : vector<16xi32>
    %and3A = arith.andi %ne3A_19, %ne3A_23 : vector<16xi1>
    %sub3A = arith.constant 1 : i32
    %sub3A_24 = vector.broadcast %sub3A : i32 to vector<16xi32>
    %sub3A_25 = arith.subi %div3A_3, %sub3A_24 : vector<16xi32>
    %select_n3A = arith.select %and3A, %sub3A_25, %div3A_3 : vector<16xi1>, vector<16xi32>
    %mul3A_26 = arith.constant 8 : i32
    %mul3A_27 = vector.broadcast %mul3A_26 : i32 to vector<16xi32>
    %mul3A_28 = arith.muli %select_n3A, %mul3A_27 : vector<16xi32>
    %sub3A_29 = arith.constant 1 : i32
    %sub3A_30 = vector.broadcast %sub3A_29 : i32 to vector<16xi32>
    %sub3A_31 = arith.subi %iota3A, %sub3A_30 : vector<16xi32>
    %max3A = arith.maxsi %sub3A_31, %mul3A_28 : vector<16xi32>
    %reshape3A = vector.shape_cast %max3A : vector<16xi32> to vector<16x1xi32>
    %sub3A_32 = arith.constant 2 : i32
    %sub3A_33 = vector.broadcast %sub3A_32 : i32 to vector<16xi32>
    %sub3A_34 = arith.subi %iota3A, %sub3A_33 : vector<16xi32>
    %max3A_35 = arith.maxsi %sub3A_34, %mul3A_28 : vector<16xi32>
    %reshape3A_36 = vector.shape_cast %max3A_35 : vector<16xi32> to vector<16x1xi32>
    %sub3A_37 = arith.constant 4 : i32
    %sub3A_38 = vector.broadcast %sub3A_37 : i32 to vector<16xi32>
    %sub3A_39 = arith.subi %iota3A, %sub3A_38 : vector<16xi32>
    %max3A_40 = arith.maxsi %sub3A_39, %mul3A_28 : vector<16xi32>
    %reshape3A_41 = vector.shape_cast %max3A_40 : vector<16xi32> to vector<16x1xi32>
    %jit3A_42 = arith.constant 8 : i32
    %eq3A = arith.constant 0 : i32
    %eq3A_43 = arith.cmpi eq, %jit3A_42, %eq3A : i32
    %jit3A_44 = arith.constant 1 : i32
    %select_n3A_45 = arith.select %eq3A_43, %jit3A_44, %jit3A_42 : i32
    %rem3A_46 = vector.broadcast %select_n3A_45 : i32 to vector<16xi32>
    %rem3A_47 = arith.remsi %iota3A, %rem3A_46 : vector<16xi32>
    %ne3A_48 = arith.constant 0 : i32
    %ne3A_49 = vector.broadcast %ne3A_48 : i32 to vector<16xi32>
    %ne3A_50 = arith.cmpi ne, %rem3A_47, %ne3A_49 : vector<16xi32>
    %lt3A = arith.constant 0 : i32
    %lt3A_51 = vector.broadcast %lt3A : i32 to vector<16xi32>
    %lt3A_52 = arith.cmpi slt, %rem3A_47, %lt3A_51 : vector<16xi32>
    %lt3A_53 = arith.constant 0 : i32
    %lt3A_54 = arith.cmpi slt, %select_n3A_45, %lt3A_53 : i32
    %ne3A_55 = vector.broadcast %lt3A_54 : i1 to vector<16xi1>
    %ne3A_56 = vector.broadcast %ne3A_55 : vector<16xi1> to vector<16xi1>
    %ne3A_57 = arith.xori %lt3A_52, %ne3A_56 : vector<16xi1>
    %and3A_58 = arith.andi %ne3A_57, %ne3A_50 : vector<16xi1>
    %add3A_59 = vector.broadcast %select_n3A_45 : i32 to vector<16xi32>
    %add3A_60 = arith.addi %rem3A_47, %add3A_59 : vector<16xi32>
    %select_n3A_61 = arith.select %and3A_58, %add3A_60, %rem3A_47 : vector<16xi1>, vector<16xi32>
    %ge3A = arith.constant 1 : i32
    %ge3A_62 = vector.broadcast %ge3A : i32 to vector<16xi32>
    %ge3A_63 = arith.cmpi sge, %select_n3A_61, %ge3A_62 : vector<16xi32>
    %convert_element_type3A = arith.extui %ge3A_63 : vector<16xi1> to vector<16xi32>
    %convert_element_type3A_64 = arith.sitofp %convert_element_type3A : vector<16xi32> to vector<16xf32>
    %jit3A_65 = arith.constant 8 : i32
    %eq3A_66 = arith.constant 0 : i32
    %eq3A_67 = arith.cmpi eq, %jit3A_65, %eq3A_66 : i32
    %jit3A_68 = arith.constant 1 : i32
    %select_n3A_69 = arith.select %eq3A_67, %jit3A_68, %jit3A_65 : i32
    %rem3A_70 = vector.broadcast %select_n3A_69 : i32 to vector<16xi32>
    %rem3A_71 = arith.remsi %iota3A, %rem3A_70 : vector<16xi32>
    %ne3A_72 = arith.constant 0 : i32
    %ne3A_73 = vector.broadcast %ne3A_72 : i32 to vector<16xi32>
    %ne3A_74 = arith.cmpi ne, %rem3A_71, %ne3A_73 : vector<16xi32>
    %lt3A_75 = arith.constant 0 : i32
    %lt3A_76 = vector.broadcast %lt3A_75 : i32 to vector<16xi32>
    %lt3A_77 = arith.cmpi slt, %rem3A_71, %lt3A_76 : vector<16xi32>
    %lt3A_78 = arith.constant 0 : i32
    %lt3A_79 = arith.cmpi slt, %select_n3A_69, %lt3A_78 : i32
    %ne3A_80 = vector.broadcast %lt3A_79 : i1 to vector<16xi1>
    %ne3A_81 = vector.broadcast %ne3A_80 : vector<16xi1> to vector<16xi1>
    %ne3A_82 = arith.xori %lt3A_77, %ne3A_81 : vector<16xi1>
    %and3A_83 = arith.andi %ne3A_82, %ne3A_74 : vector<16xi1>
    %add3A_84 = vector.broadcast %select_n3A_69 : i32 to vector<16xi32>
    %add3A_85 = arith.addi %rem3A_71, %add3A_84 : vector<16xi32>
    %select_n3A_86 = arith.select %and3A_83, %add3A_85, %rem3A_71 : vector<16xi1>, vector<16xi32>
    %ge3A_87 = arith.constant 2 : i32
    %ge3A_88 = vector.broadcast %ge3A_87 : i32 to vector<16xi32>
    %ge3A_89 = arith.cmpi sge, %select_n3A_86, %ge3A_88 : vector<16xi32>
    %convert_element_type3A_90 = arith.extui %ge3A_89 : vector<16xi1> to vector<16xi32>
    %convert_element_type3A_91 = arith.sitofp %convert_element_type3A_90 : vector<16xi32> to vector<16xf32>
    %jit3A_92 = arith.constant 8 : i32
    %eq3A_93 = arith.constant 0 : i32
    %eq3A_94 = arith.cmpi eq, %jit3A_92, %eq3A_93 : i32
    %jit3A_95 = arith.constant 1 : i32
    %select_n3A_96 = arith.select %eq3A_94, %jit3A_95, %jit3A_92 : i32
    %rem3A_97 = vector.broadcast %select_n3A_96 : i32 to vector<16xi32>
    %rem3A_98 = arith.remsi %iota3A, %rem3A_97 : vector<16xi32>
    %ne3A_99 = arith.constant 0 : i32
    %ne3A_100 = vector.broadcast %ne3A_99 : i32 to vector<16xi32>
    %ne3A_101 = arith.cmpi ne, %rem3A_98, %ne3A_100 : vector<16xi32>
    %lt3A_102 = arith.constant 0 : i32
    %lt3A_103 = vector.broadcast %lt3A_102 : i32 to vector<16xi32>
    %lt3A_104 = arith.cmpi slt, %rem3A_98, %lt3A_103 : vector<16xi32>
    %lt3A_105 = arith.constant 0 : i32
    %lt3A_106 = arith.cmpi slt, %select_n3A_96, %lt3A_105 : i32
    %ne3A_107 = vector.broadcast %lt3A_106 : i1 to vector<16xi1>
    %ne3A_108 = vector.broadcast %ne3A_107 : vector<16xi1> to vector<16xi1>
    %ne3A_109 = arith.xori %lt3A_104, %ne3A_108 : vector<16xi1>
    %and3A_110 = arith.andi %ne3A_109, %ne3A_101 : vector<16xi1>
    %add3A_111 = vector.broadcast %select_n3A_96 : i32 to vector<16xi32>
    %add3A_112 = arith.addi %rem3A_98, %add3A_111 : vector<16xi32>
    %select_n3A_113 = arith.select %and3A_110, %add3A_112, %rem3A_98 : vector<16xi1>, vector<16xi32>
    %ge3A_114 = arith.constant 4 : i32
    %ge3A_115 = vector.broadcast %ge3A_114 : i32 to vector<16xi32>
    %ge3A_116 = arith.cmpi sge, %select_n3A_113, %ge3A_115 : vector<16xi32>
    %convert_element_type3A_117 = arith.extui %ge3A_116 : vector<16xi1> to vector<16xi32>
    %convert_element_type3A_118 = arith.sitofp %convert_element_type3A_117 : vector<16xi32> to vector<16xf32>
    %ge3A_119 = arith.constant 8 : i32
    %ge3A_120 = vector.broadcast %ge3A_119 : i32 to vector<16xi32>
    %ge3A_121 = arith.cmpi sge, %iota3A, %ge3A_120 : vector<16xi32>
    %convert_element_type3A_122 = arith.extui %ge3A_121 : vector<16xi1> to vector<16xi32>
    %convert_element_type3A_123 = arith.sitofp %convert_element_type3A_122 : vector<16xi32> to vector<16xf32>
    %add3A_124 = arith.constant 0 : i32
    %add3A_125 = arith.addi %mul3A_2, %add3A_124 : i32
    %dma_start3A = arith.constant 0 : i32
    %dma_start3A_126 = tpu.memref_slice %arg2[%add3A_125, %dma_start3A] : memref<4096x8192xf32, #tpu.memory_space<hbm>> -> memref<2x8192xf32, #tpu.memory_space<hbm>>
    %dma_start3A_127 = arith.constant 0 : i32
    %dma_start3A_128 = tpu.memref_slice %arg2[%add3A_125, %dma_start3A_127] : memref<4096x8192xf32, #tpu.memory_space<hbm>> -> memref<2x8192xf32, #tpu.memory_space<hbm>>
    tpu.enqueue_dma source(%dma_start3A_128 : memref<2x8192xf32, #tpu.memory_space<hbm>>) target(%arg5 : memref<2x8192xf32, #tpu.memory_space<vmem>>) target_semaphore(%arg11 : memref<!tpu.dma_semaphore, #tpu.memory_space<semaphore_mem>>)
    %dma_start3A_129 = arith.constant 0 : i32
    %dma_start3A_130 = tpu.memref_slice %arg3[%add3A_125, %dma_start3A_129] : memref<4096x8192xf32, #tpu.memory_space<hbm>> -> memref<2x8192xf32, #tpu.memory_space<hbm>>
    %dma_start3A_131 = arith.constant 0 : i32
    %dma_start3A_132 = tpu.memref_slice %arg3[%add3A_125, %dma_start3A_131] : memref<4096x8192xf32, #tpu.memory_space<hbm>> -> memref<2x8192xf32, #tpu.memory_space<hbm>>
    tpu.enqueue_dma source(%dma_start3A_132 : memref<2x8192xf32, #tpu.memory_space<hbm>>) target(%arg8 : memref<2x8192xf32, #tpu.memory_space<vmem>>) target_semaphore(%arg11 : memref<!tpu.dma_semaphore, #tpu.memory_space<semaphore_mem>>)
    %scan3A = arith.constant 0 : i32
    %scan3A_133 = arith.constant 0 : i32
    %scan3A_134 = arith.constant 21 : i32
    %scan3A_135 = arith.addi %scan3A_133, %scan3A_134 : i32
    %scan3A_136 = arith.constant 1 : i32
    scf.for %scan3A_181 = %scan3A_133 to %scan3A_135 step %scan3A_136  : i32 {
      %mul3A_182 = arith.constant 3 : i32
      %mul3A_183 = arith.muli %scan3A_181, %mul3A_182 : i32
      %add3A_184 = arith.constant 0 : i32
      %add3A_185 = arith.addi %mul3A_183, %add3A_184 : i32
      %ge3A_186 = arith.constant 2 : i32
      %ge3A_187 = arith.cmpi sge, %add3A_185, %ge3A_186 : i32
      %convert_element_type3A_188 = arith.extui %ge3A_187 : i1 to i32
      %cond3A = arith.constant 0 : i32
      %cond3A_189 = arith.cmpi ne, %convert_element_type3A_188, %cond3A : i32
      scf.if %cond3A_189 {
        %dma_wait3A_304 = arith.constant 0 : i32
        %dma_wait3A_305 = arith.constant 0 : i32
        %dma_wait3A_306 = tpu.memref_slice %arg4[%dma_wait3A_304, %dma_wait3A_305] : memref<4096x8192xf32, #tpu.memory_space<hbm>> -> memref<2x8192xf32, #tpu.memory_space<hbm>>
        %dma_wait3A_307 = arith.constant 0 : i32
        %dma_wait3A_308 = arith.constant 0 : i32
        %dma_wait3A_309 = tpu.memref_slice %arg4[%dma_wait3A_307, %dma_wait3A_308] : memref<4096x8192xf32, #tpu.memory_space<hbm>> -> memref<2x8192xf32, #tpu.memory_space<hbm>>
        tpu.wait_dma2 semaphore(%arg15 : memref<!tpu.dma_semaphore, #tpu.memory_space<semaphore_mem>>) src(%arg6 : memref<2x8192xf32, #tpu.memory_space<vmem>>) dst(%dma_wait3A_309 : memref<2x8192xf32, #tpu.memory_space<hbm>>)
      } else {
      }
      %lt3A_190 = arith.constant 63 : i32
      %lt3A_191 = arith.cmpi slt, %add3A_185, %lt3A_190 : i32
      %convert_element_type3A_192 = arith.extui %lt3A_191 : i1 to i32
      %cond3A_193 = arith.constant 0 : i32
      %cond3A_194 = arith.cmpi ne, %convert_element_type3A_192, %cond3A_193 : i32
      scf.if %cond3A_194 {
        %add3A_304 = arith.constant 1 : i32
        %add3A_305 = arith.addi %add3A_185, %add3A_304 : i32
        %mul3A_306 = arith.constant 2 : i32
        %mul3A_307 = arith.muli %add3A_305, %mul3A_306 : i32
        %add3A_308 = arith.addi %mul3A_2, %mul3A_307 : i32
        %dma_start3A_309 = arith.constant 0 : i32
        %dma_start3A_310 = tpu.memref_slice %arg2[%add3A_308, %dma_start3A_309] : memref<4096x8192xf32, #tpu.memory_space<hbm>> -> memref<2x8192xf32, #tpu.memory_space<hbm>>
        %dma_start3A_311 = arith.constant 0 : i32
        %dma_start3A_312 = tpu.memref_slice %arg2[%add3A_308, %dma_start3A_311] : memref<4096x8192xf32, #tpu.memory_space<hbm>> -> memref<2x8192xf32, #tpu.memory_space<hbm>>
        tpu.enqueue_dma source(%dma_start3A_312 : memref<2x8192xf32, #tpu.memory_space<hbm>>) target(%arg6 : memref<2x8192xf32, #tpu.memory_space<vmem>>) target_semaphore(%arg12 : memref<!tpu.dma_semaphore, #tpu.memory_space<semaphore_mem>>)
        %dma_start3A_313 = arith.constant 0 : i32
        %dma_start3A_314 = tpu.memref_slice %arg3[%add3A_308, %dma_start3A_313] : memref<4096x8192xf32, #tpu.memory_space<hbm>> -> memref<2x8192xf32, #tpu.memory_space<hbm>>
        %dma_start3A_315 = arith.constant 0 : i32
        %dma_start3A_316 = tpu.memref_slice %arg3[%add3A_308, %dma_start3A_315] : memref<4096x8192xf32, #tpu.memory_space<hbm>> -> memref<2x8192xf32, #tpu.memory_space<hbm>>
        tpu.enqueue_dma source(%dma_start3A_316 : memref<2x8192xf32, #tpu.memory_space<hbm>>) target(%arg9 : memref<2x8192xf32, #tpu.memory_space<vmem>>) target_semaphore(%arg12 : memref<!tpu.dma_semaphore, #tpu.memory_space<semaphore_mem>>)
      } else {
      }
      %dma_wait3A_195 = arith.constant 0 : i32
      %dma_wait3A_196 = arith.constant 0 : i32
      %dma_wait3A_197 = tpu.memref_slice %arg2[%dma_wait3A_195, %dma_wait3A_196] : memref<4096x8192xf32, #tpu.memory_space<hbm>> -> memref<2x8192xf32, #tpu.memory_space<hbm>>
      %dma_wait3A_198 = arith.constant 0 : i32
      %dma_wait3A_199 = arith.constant 0 : i32
      %dma_wait3A_200 = tpu.memref_slice %arg2[%dma_wait3A_198, %dma_wait3A_199] : memref<4096x8192xf32, #tpu.memory_space<hbm>> -> memref<2x8192xf32, #tpu.memory_space<hbm>>
      tpu.wait_dma2 semaphore(%arg11 : memref<!tpu.dma_semaphore, #tpu.memory_space<semaphore_mem>>) src(%dma_wait3A_200 : memref<2x8192xf32, #tpu.memory_space<hbm>>) dst(%arg5 : memref<2x8192xf32, #tpu.memory_space<vmem>>)
      %dma_wait3A_201 = arith.constant 0 : i32
      %dma_wait3A_202 = arith.constant 0 : i32
      %dma_wait3A_203 = tpu.memref_slice %arg3[%dma_wait3A_201, %dma_wait3A_202] : memref<4096x8192xf32, #tpu.memory_space<hbm>> -> memref<2x8192xf32, #tpu.memory_space<hbm>>
      %dma_wait3A_204 = arith.constant 0 : i32
      %dma_wait3A_205 = arith.constant 0 : i32
      %dma_wait3A_206 = tpu.memref_slice %arg3[%dma_wait3A_204, %dma_wait3A_205] : memref<4096x8192xf32, #tpu.memory_space<hbm>> -> memref<2x8192xf32, #tpu.memory_space<hbm>>
      tpu.wait_dma2 semaphore(%arg11 : memref<!tpu.dma_semaphore, #tpu.memory_space<semaphore_mem>>) src(%dma_wait3A_206 : memref<2x8192xf32, #tpu.memory_space<hbm>>) dst(%arg8 : memref<2x8192xf32, #tpu.memory_space<vmem>>)
      %scan3A_207 = arith.constant 0.000000e+00 : f32
      %scan3A_208 = arith.constant 0.000000e+00 : f32
      %scan3A_209 = arith.constant 0 : i32
      %scan3A_210 = arith.constant 128 : i32
      %scan3A_211 = arith.addi %scan3A_209, %scan3A_210 : i32
      %scan3A_212 = arith.constant 1 : i32
      %scan3A_213:2 = scf.for %scan3A_304 = %scan3A_209 to %scan3A_211 step %scan3A_212 iter_args(%scan3A_305 = %scan3A_207, %scan3A_306 = %scan3A_208) -> (f32, f32)  : i32 {
        %mul3A_307 = arith.constant 4 : i32
        %mul3A_308 = arith.muli %scan3A_304, %mul3A_307 : i32
        %add3A_309 = arith.constant 0 : i32
        %add3A_310 = arith.addi %mul3A_308, %add3A_309 : i32
        %mul3A_311 = arith.constant 16 : i32
        %mul3A_312 = arith.muli %add3A_310, %mul3A_311 : i32
        %mul3A_313 = arith.constant 4 : i32
        %mul3A_314 = arith.muli %scan3A_304, %mul3A_313 : i32
        %add3A_315 = arith.constant 0 : i32
        %add3A_316 = arith.addi %mul3A_314, %add3A_315 : i32
        %mul3A_317 = arith.constant 16 : i32
        %mul3A_318 = arith.muli %add3A_316, %mul3A_317 : i32
        %mul3A_319 = arith.constant 4 : i32
        %mul3A_320 = arith.muli %scan3A_304, %mul3A_319 : i32
        %add3A_321 = arith.constant 1 : i32
        %add3A_322 = arith.addi %mul3A_320, %add3A_321 : i32
        %mul3A_323 = arith.constant 16 : i32
        %mul3A_324 = arith.muli %add3A_322, %mul3A_323 : i32
        %mul3A_325 = arith.constant 4 : i32
        %mul3A_326 = arith.muli %scan3A_304, %mul3A_325 : i32
        %add3A_327 = arith.constant 1 : i32
        %add3A_328 = arith.addi %mul3A_326, %add3A_327 : i32
        %mul3A_329 = arith.constant 16 : i32
        %mul3A_330 = arith.muli %add3A_328, %mul3A_329 : i32
        %mul3A_331 = arith.constant 4 : i32
        %mul3A_332 = arith.muli %scan3A_304, %mul3A_331 : i32
        %add3A_333 = arith.constant 2 : i32
        %add3A_334 = arith.addi %mul3A_332, %add3A_333 : i32
        %mul3A_335 = arith.constant 16 : i32
        %mul3A_336 = arith.muli %add3A_334, %mul3A_335 : i32
        %mul3A_337 = arith.constant 4 : i32
        %mul3A_338 = arith.muli %scan3A_304, %mul3A_337 : i32
        %add3A_339 = arith.constant 2 : i32
        %add3A_340 = arith.addi %mul3A_338, %add3A_339 : i32
        %mul3A_341 = arith.constant 16 : i32
        %mul3A_342 = arith.muli %add3A_340, %mul3A_341 : i32
        %mul3A_343 = arith.constant 4 : i32
        %mul3A_344 = arith.muli %scan3A_304, %mul3A_343 : i32
        %add3A_345 = arith.constant 3 : i32
        %add3A_346 = arith.addi %mul3A_344, %add3A_345 : i32
        %mul3A_347 = arith.constant 16 : i32
        %mul3A_348 = arith.muli %add3A_346, %mul3A_347 : i32
        %mul3A_349 = arith.constant 4 : i32
        %mul3A_350 = arith.muli %scan3A_304, %mul3A_349 : i32
        %add3A_351 = arith.constant 3 : i32
        %add3A_352 = arith.addi %mul3A_350, %add3A_351 : i32
        %mul3A_353 = arith.constant 16 : i32
        %mul3A_354 = arith.muli %add3A_352, %mul3A_353 : i32
        %get3A = arith.constant 0 : i32
        %get3A_355 = arith.index_cast %get3A : i32 to index
        %get3A_356 = arith.index_cast %mul3A_312 : i32 to index
        %get3A_357 = tpu.vector_load %arg5[%get3A_355, %get3A_356] {strides = array<i32>} : memref<2x8192xf32, #tpu.memory_space<vmem>>, vector<16xf32>,
        %get3A_358 = arith.constant 0 : i32
        %get3A_359 = arith.index_cast %get3A_358 : i32 to index
        %get3A_360 = arith.index_cast %mul3A_312 : i32 to index
        %get3A_361 = tpu.vector_load %arg8[%get3A_359, %get3A_360] {strides = array<i32>} : memref<2x8192xf32, #tpu.memory_space<vmem>>, vector<16xf32>,
        %mul3A_362 = arith.mulf %get3A_357, %get3A_361 : vector<16xf32>
        %get3A_363 = arith.constant 1 : i32
        %get3A_364 = arith.index_cast %get3A_363 : i32 to index
        %get3A_365 = arith.index_cast %mul3A_318 : i32 to index
        %get3A_366 = tpu.vector_load %arg5[%get3A_364, %get3A_365] {strides = array<i32>} : memref<2x8192xf32, #tpu.memory_space<vmem>>, vector<16xf32>,
        %get3A_367 = arith.constant 1 : i32
        %get3A_368 = arith.index_cast %get3A_367 : i32 to index
        %get3A_369 = arith.index_cast %mul3A_318 : i32 to index
        %get3A_370 = tpu.vector_load %arg8[%get3A_368, %get3A_369] {strides = array<i32>} : memref<2x8192xf32, #tpu.memory_space<vmem>>, vector<16xf32>,
        %mul3A_371 = arith.mulf %get3A_366, %get3A_370 : vector<16xf32>
        %get3A_372 = arith.constant 0 : i32
        %get3A_373 = arith.index_cast %get3A_372 : i32 to index
        %get3A_374 = arith.index_cast %mul3A_324 : i32 to index
        %get3A_375 = tpu.vector_load %arg5[%get3A_373, %get3A_374] {strides = array<i32>} : memref<2x8192xf32, #tpu.memory_space<vmem>>, vector<16xf32>,
        %get3A_376 = arith.constant 0 : i32
        %get3A_377 = arith.index_cast %get3A_376 : i32 to index
        %get3A_378 = arith.index_cast %mul3A_324 : i32 to index
        %get3A_379 = tpu.vector_load %arg8[%get3A_377, %get3A_378] {strides = array<i32>} : memref<2x8192xf32, #tpu.memory_space<vmem>>, vector<16xf32>,
        %mul3A_380 = arith.mulf %get3A_375, %get3A_379 : vector<16xf32>
        %get3A_381 = arith.constant 1 : i32
        %get3A_382 = arith.index_cast %get3A_381 : i32 to index
        %get3A_383 = arith.index_cast %mul3A_330 : i32 to index
        %get3A_384 = tpu.vector_load %arg5[%get3A_382, %get3A_383] {strides = array<i32>} : memref<2x8192xf32, #tpu.memory_space<vmem>>, vector<16xf32>,
        %get3A_385 = arith.constant 1 : i32
        %get3A_386 = arith.index_cast %get3A_385 : i32 to index
        %get3A_387 = arith.index_cast %mul3A_330 : i32 to index
        %get3A_388 = tpu.vector_load %arg8[%get3A_386, %get3A_387] {strides = array<i32>} : memref<2x8192xf32, #tpu.memory_space<vmem>>, vector<16xf32>,
        %mul3A_389 = arith.mulf %get3A_384, %get3A_388 : vector<16xf32>
        %get3A_390 = arith.constant 0 : i32
        %get3A_391 = arith.index_cast %get3A_390 : i32 to index
        %get3A_392 = arith.index_cast %mul3A_336 : i32 to index
        %get3A_393 = tpu.vector_load %arg5[%get3A_391, %get3A_392] {strides = array<i32>} : memref<2x8192xf32, #tpu.memory_space<vmem>>, vector<16xf32>,
        %get3A_394 = arith.constant 0 : i32
        %get3A_395 = arith.index_cast %get3A_394 : i32 to index
        %get3A_396 = arith.index_cast %mul3A_336 : i32 to index
        %get3A_397 = tpu.vector_load %arg8[%get3A_395, %get3A_396] {strides = array<i32>} : memref<2x8192xf32, #tpu.memory_space<vmem>>, vector<16xf32>,
        %mul3A_398 = arith.mulf %get3A_393, %get3A_397 : vector<16xf32>
        %get3A_399 = arith.constant 1 : i32
        %get3A_400 = arith.index_cast %get3A_399 : i32 to index
        %get3A_401 = arith.index_cast %mul3A_342 : i32 to index
        %get3A_402 = tpu.vector_load %arg5[%get3A_400, %get3A_401] {strides = array<i32>} : memref<2x8192xf32, #tpu.memory_space<vmem>>, vector<16xf32>,
        %get3A_403 = arith.constant 1 : i32
        %get3A_404 = arith.index_cast %get3A_403 : i32 to index
        %get3A_405 = arith.index_cast %mul3A_342 : i32 to index
        %get3A_406 = tpu.vector_load %arg8[%get3A_404, %get3A_405] {strides = array<i32>} : memref<2x8192xf32, #tpu.memory_space<vmem>>, vector<16xf32>,
        %mul3A_407 = arith.mulf %get3A_402, %get3A_406 : vector<16xf32>
        %get3A_408 = arith.constant 0 : i32
        %get3A_409 = arith.index_cast %get3A_408 : i32 to index
        %get3A_410 = arith.index_cast %mul3A_348 : i32 to index
        %get3A_411 = tpu.vector_load %arg5[%get3A_409, %get3A_410] {strides = array<i32>} : memref<2x8192xf32, #tpu.memory_space<vmem>>, vector<16xf32>,
        %get3A_412 = arith.constant 0 : i32
        %get3A_413 = arith.index_cast %get3A_412 : i32 to index
        %get3A_414 = arith.index_cast %mul3A_348 : i32 to index
        %get3A_415 = tpu.vector_load %arg8[%get3A_413, %get3A_414] {strides = array<i32>} : memref<2x8192xf32, #tpu.memory_space<vmem>>, vector<16xf32>,
        %mul3A_416 = arith.mulf %get3A_411, %get3A_415 : vector<16xf32>
        %get3A_417 = arith.constant 1 : i32
        %get3A_418 = arith.index_cast %get3A_417 : i32 to index
        %get3A_419 = arith.index_cast %mul3A_354 : i32 to index
        %get3A_420 = tpu.vector_load %arg5[%get3A_418, %get3A_419] {strides = array<i32>} : memref<2x8192xf32, #tpu.memory_space<vmem>>, vector<16xf32>,
        %get3A_421 = arith.constant 1 : i32
        %get3A_422 = arith.index_cast %get3A_421 : i32 to index
        %get3A_423 = arith.index_cast %mul3A_354 : i32 to index
        %get3A_424 = tpu.vector_load %arg8[%get3A_422, %get3A_423] {strides = array<i32>} : memref<2x8192xf32, #tpu.memory_space<vmem>>, vector<16xf32>,
        %mul3A_425 = arith.mulf %get3A_420, %get3A_424 : vector<16xf32>
        %gather3A = vector.shape_cast %reshape3A : vector<16x1xi32> to vector<16xi32>
        %gather3A_426 = tpu.dynamic_gather %mul3A_362[%gather3A] in [0] : vector<16xf32>, vector<16xi32> -> vector<16xf32>
        %gather3A_427 = vector.shape_cast %reshape3A : vector<16x1xi32> to vector<16xi32>
        %gather3A_428 = tpu.dynamic_gather %mul3A_371[%gather3A_427] in [0] : vector<16xf32>, vector<16xi32> -> vector<16xf32>
        %gather3A_429 = vector.shape_cast %reshape3A : vector<16x1xi32> to vector<16xi32>
        %gather3A_430 = tpu.dynamic_gather %mul3A_380[%gather3A_429] in [0] : vector<16xf32>, vector<16xi32> -> vector<16xf32>
        %gather3A_431 = vector.shape_cast %reshape3A : vector<16x1xi32> to vector<16xi32>
        %gather3A_432 = tpu.dynamic_gather %mul3A_389[%gather3A_431] in [0] : vector<16xf32>, vector<16xi32> -> vector<16xf32>
        %gather3A_433 = vector.shape_cast %reshape3A : vector<16x1xi32> to vector<16xi32>
        %gather3A_434 = tpu.dynamic_gather %mul3A_398[%gather3A_433] in [0] : vector<16xf32>, vector<16xi32> -> vector<16xf32>
        %gather3A_435 = vector.shape_cast %reshape3A : vector<16x1xi32> to vector<16xi32>
        %gather3A_436 = tpu.dynamic_gather %mul3A_407[%gather3A_435] in [0] : vector<16xf32>, vector<16xi32> -> vector<16xf32>
        %gather3A_437 = vector.shape_cast %reshape3A : vector<16x1xi32> to vector<16xi32>
        %gather3A_438 = tpu.dynamic_gather %mul3A_416[%gather3A_437] in [0] : vector<16xf32>, vector<16xi32> -> vector<16xf32>
        %gather3A_439 = vector.shape_cast %reshape3A : vector<16x1xi32> to vector<16xi32>
        %gather3A_440 = tpu.dynamic_gather %mul3A_425[%gather3A_439] in [0] : vector<16xf32>, vector<16xi32> -> vector<16xf32>
        %mul3A_441 = arith.mulf %gather3A_426, %convert_element_type3A_64 : vector<16xf32>
        %mul3A_442 = arith.mulf %gather3A_428, %convert_element_type3A_64 : vector<16xf32>
        %mul3A_443 = arith.mulf %gather3A_430, %convert_element_type3A_64 : vector<16xf32>
        %mul3A_444 = arith.mulf %gather3A_432, %convert_element_type3A_64 : vector<16xf32>
        %mul3A_445 = arith.mulf %gather3A_434, %convert_element_type3A_64 : vector<16xf32>
        %mul3A_446 = arith.mulf %gather3A_436, %convert_element_type3A_64 : vector<16xf32>
        %mul3A_447 = arith.mulf %gather3A_438, %convert_element_type3A_64 : vector<16xf32>
        %mul3A_448 = arith.mulf %gather3A_440, %convert_element_type3A_64 : vector<16xf32>
        %add3A_449 = arith.addf %mul3A_362, %mul3A_441 : vector<16xf32>
        %add3A_450 = arith.addf %mul3A_371, %mul3A_442 : vector<16xf32>
        %add3A_451 = arith.addf %mul3A_380, %mul3A_443 : vector<16xf32>
        %add3A_452 = arith.addf %mul3A_389, %mul3A_444 : vector<16xf32>
        %add3A_453 = arith.addf %mul3A_398, %mul3A_445 : vector<16xf32>
        %add3A_454 = arith.addf %mul3A_407, %mul3A_446 : vector<16xf32>
        %add3A_455 = arith.addf %mul3A_416, %mul3A_447 : vector<16xf32>
        %add3A_456 = arith.addf %mul3A_425, %mul3A_448 : vector<16xf32>
        %gather3A_457 = vector.shape_cast %reshape3A_36 : vector<16x1xi32> to vector<16xi32>
        %gather3A_458 = tpu.dynamic_gather %add3A_449[%gather3A_457] in [0] : vector<16xf32>, vector<16xi32> -> vector<16xf32>
        %gather3A_459 = vector.shape_cast %reshape3A_36 : vector<16x1xi32> to vector<16xi32>
        %gather3A_460 = tpu.dynamic_gather %add3A_450[%gather3A_459] in [0] : vector<16xf32>, vector<16xi32> -> vector<16xf32>
        %gather3A_461 = vector.shape_cast %reshape3A_36 : vector<16x1xi32> to vector<16xi32>
        %gather3A_462 = tpu.dynamic_gather %add3A_451[%gather3A_461] in [0] : vector<16xf32>, vector<16xi32> -> vector<16xf32>
        %gather3A_463 = vector.shape_cast %reshape3A_36 : vector<16x1xi32> to vector<16xi32>
        %gather3A_464 = tpu.dynamic_gather %add3A_452[%gather3A_463] in [0] : vector<16xf32>, vector<16xi32> -> vector<16xf32>
        %gather3A_465 = vector.shape_cast %reshape3A_36 : vector<16x1xi32> to vector<16xi32>
        %gather3A_466 = tpu.dynamic_gather %add3A_453[%gather3A_465] in [0] : vector<16xf32>, vector<16xi32> -> vector<16xf32>
        %gather3A_467 = vector.shape_cast %reshape3A_36 : vector<16x1xi32> to vector<16xi32>
        %gather3A_468 = tpu.dynamic_gather %add3A_454[%gather3A_467] in [0] : vector<16xf32>, vector<16xi32> -> vector<16xf32>
        %gather3A_469 = vector.shape_cast %reshape3A_36 : vector<16x1xi32> to vector<16xi32>
        %gather3A_470 = tpu.dynamic_gather %add3A_455[%gather3A_469] in [0] : vector<16xf32>, vector<16xi32> -> vector<16xf32>
        %gather3A_471 = vector.shape_cast %reshape3A_36 : vector<16x1xi32> to vector<16xi32>
        %gather3A_472 = tpu.dynamic_gather %add3A_456[%gather3A_471] in [0] : vector<16xf32>, vector<16xi32> -> vector<16xf32>
        %mul3A_473 = arith.mulf %gather3A_458, %convert_element_type3A_91 : vector<16xf32>
        %mul3A_474 = arith.mulf %gather3A_460, %convert_element_type3A_91 : vector<16xf32>
        %mul3A_475 = arith.mulf %gather3A_462, %convert_element_type3A_91 : vector<16xf32>
        %mul3A_476 = arith.mulf %gather3A_464, %convert_element_type3A_91 : vector<16xf32>
        %mul3A_477 = arith.mulf %gather3A_466, %convert_element_type3A_91 : vector<16xf32>
        %mul3A_478 = arith.mulf %gather3A_468, %convert_element_type3A_91 : vector<16xf32>
        %mul3A_479 = arith.mulf %gather3A_470, %convert_element_type3A_91 : vector<16xf32>
        %mul3A_480 = arith.mulf %gather3A_472, %convert_element_type3A_91 : vector<16xf32>
        %add3A_481 = arith.addf %add3A_449, %mul3A_473 : vector<16xf32>
        %add3A_482 = arith.addf %add3A_450, %mul3A_474 : vector<16xf32>
        %add3A_483 = arith.addf %add3A_451, %mul3A_475 : vector<16xf32>
        %add3A_484 = arith.addf %add3A_452, %mul3A_476 : vector<16xf32>
        %add3A_485 = arith.addf %add3A_453, %mul3A_477 : vector<16xf32>
        %add3A_486 = arith.addf %add3A_454, %mul3A_478 : vector<16xf32>
        %add3A_487 = arith.addf %add3A_455, %mul3A_479 : vector<16xf32>
        %add3A_488 = arith.addf %add3A_456, %mul3A_480 : vector<16xf32>
        %gather3A_489 = vector.shape_cast %reshape3A_41 : vector<16x1xi32> to vector<16xi32>
        %gather3A_490 = tpu.dynamic_gather %add3A_481[%gather3A_489] in [0] : vector<16xf32>, vector<16xi32> -> vector<16xf32>
        %gather3A_491 = vector.shape_cast %reshape3A_41 : vector<16x1xi32> to vector<16xi32>
        %gather3A_492 = tpu.dynamic_gather %add3A_482[%gather3A_491] in [0] : vector<16xf32>, vector<16xi32> -> vector<16xf32>
        %gather3A_493 = vector.shape_cast %reshape3A_41 : vector<16x1xi32> to vector<16xi32>
        %gather3A_494 = tpu.dynamic_gather %add3A_483[%gather3A_493] in [0] : vector<16xf32>, vector<16xi32> -> vector<16xf32>
        %gather3A_495 = vector.shape_cast %reshape3A_41 : vector<16x1xi32> to vector<16xi32>
        %gather3A_496 = tpu.dynamic_gather %add3A_484[%gather3A_495] in [0] : vector<16xf32>, vector<16xi32> -> vector<16xf32>
        %gather3A_497 = vector.shape_cast %reshape3A_41 : vector<16x1xi32> to vector<16xi32>
        %gather3A_498 = tpu.dynamic_gather %add3A_485[%gather3A_497] in [0] : vector<16xf32>, vector<16xi32> -> vector<16xf32>
        %gather3A_499 = vector.shape_cast %reshape3A_41 : vector<16x1xi32> to vector<16xi32>
        %gather3A_500 = tpu.dynamic_gather %add3A_486[%gather3A_499] in [0] : vector<16xf32>, vector<16xi32> -> vector<16xf32>
        %gather3A_501 = vector.shape_cast %reshape3A_41 : vector<16x1xi32> to vector<16xi32>
        %gather3A_502 = tpu.dynamic_gather %add3A_487[%gather3A_501] in [0] : vector<16xf32>, vector<16xi32> -> vector<16xf32>
        %gather3A_503 = vector.shape_cast %reshape3A_41 : vector<16x1xi32> to vector<16xi32>
        %gather3A_504 = tpu.dynamic_gather %add3A_488[%gather3A_503] in [0] : vector<16xf32>, vector<16xi32> -> vector<16xf32>
        %mul3A_505 = arith.mulf %gather3A_490, %convert_element_type3A_118 : vector<16xf32>
        %mul3A_506 = arith.mulf %gather3A_492, %convert_element_type3A_118 : vector<16xf32>
        %mul3A_507 = arith.mulf %gather3A_494, %convert_element_type3A_118 : vector<16xf32>
        %mul3A_508 = arith.mulf %gather3A_496, %convert_element_type3A_118 : vector<16xf32>
        %mul3A_509 = arith.mulf %gather3A_498, %convert_element_type3A_118 : vector<16xf32>
        %mul3A_510 = arith.mulf %gather3A_500, %convert_element_type3A_118 : vector<16xf32>
        %mul3A_511 = arith.mulf %gather3A_502, %convert_element_type3A_118 : vector<16xf32>
        %mul3A_512 = arith.mulf %gather3A_504, %convert_element_type3A_118 : vector<16xf32>
        %add3A_513 = arith.addf %add3A_481, %mul3A_505 : vector<16xf32>
        %add3A_514 = arith.addf %add3A_482, %mul3A_506 : vector<16xf32>
        %add3A_515 = arith.addf %add3A_483, %mul3A_507 : vector<16xf32>
        %add3A_516 = arith.addf %add3A_484, %mul3A_508 : vector<16xf32>
        %add3A_517 = arith.addf %add3A_485, %mul3A_509 : vector<16xf32>
        %add3A_518 = arith.addf %add3A_486, %mul3A_510 : vector<16xf32>
        %add3A_519 = arith.addf %add3A_487, %mul3A_511 : vector<16xf32>
        %add3A_520 = arith.addf %add3A_488, %mul3A_512 : vector<16xf32>
        %slice3A = vector.extract_strided_slice %add3A_513 {offsets = [7], sizes = [1], strides = [1]} : vector<16xf32> to vector<1xf32>
        %squeeze3A = vector.extract %slice3A[0] : f32 from vector<1xf32>
        %slice3A_521 = vector.extract_strided_slice %add3A_514 {offsets = [7], sizes = [1], strides = [1]} : vector<16xf32> to vector<1xf32>
        %squeeze3A_522 = vector.extract %slice3A_521[0] : f32 from vector<1xf32>
        %slice3A_523 = vector.extract_strided_slice %add3A_515 {offsets = [7], sizes = [1], strides = [1]} : vector<16xf32> to vector<1xf32>
        %squeeze3A_524 = vector.extract %slice3A_523[0] : f32 from vector<1xf32>
        %slice3A_525 = vector.extract_strided_slice %add3A_516 {offsets = [7], sizes = [1], strides = [1]} : vector<16xf32> to vector<1xf32>
        %squeeze3A_526 = vector.extract %slice3A_525[0] : f32 from vector<1xf32>
        %slice3A_527 = vector.extract_strided_slice %add3A_517 {offsets = [7], sizes = [1], strides = [1]} : vector<16xf32> to vector<1xf32>
        %squeeze3A_528 = vector.extract %slice3A_527[0] : f32 from vector<1xf32>
        %slice3A_529 = vector.extract_strided_slice %add3A_518 {offsets = [7], sizes = [1], strides = [1]} : vector<16xf32> to vector<1xf32>
        %squeeze3A_530 = vector.extract %slice3A_529[0] : f32 from vector<1xf32>
        %slice3A_531 = vector.extract_strided_slice %add3A_519 {offsets = [7], sizes = [1], strides = [1]} : vector<16xf32> to vector<1xf32>
        %squeeze3A_532 = vector.extract %slice3A_531[0] : f32 from vector<1xf32>
        %slice3A_533 = vector.extract_strided_slice %add3A_520 {offsets = [7], sizes = [1], strides = [1]} : vector<16xf32> to vector<1xf32>
        %squeeze3A_534 = vector.extract %slice3A_533[0] : f32 from vector<1xf32>
        %slice3A_535 = vector.extract_strided_slice %add3A_513 {offsets = [15], sizes = [1], strides = [1]} : vector<16xf32> to vector<1xf32>
        %squeeze3A_536 = vector.extract %slice3A_535[0] : f32 from vector<1xf32>
        %slice3A_537 = vector.extract_strided_slice %add3A_514 {offsets = [15], sizes = [1], strides = [1]} : vector<16xf32> to vector<1xf32>
        %squeeze3A_538 = vector.extract %slice3A_537[0] : f32 from vector<1xf32>
        %slice3A_539 = vector.extract_strided_slice %add3A_515 {offsets = [15], sizes = [1], strides = [1]} : vector<16xf32> to vector<1xf32>
        %squeeze3A_540 = vector.extract %slice3A_539[0] : f32 from vector<1xf32>
        %slice3A_541 = vector.extract_strided_slice %add3A_516 {offsets = [15], sizes = [1], strides = [1]} : vector<16xf32> to vector<1xf32>
        %squeeze3A_542 = vector.extract %slice3A_541[0] : f32 from vector<1xf32>
        %slice3A_543 = vector.extract_strided_slice %add3A_517 {offsets = [15], sizes = [1], strides = [1]} : vector<16xf32> to vector<1xf32>
        %squeeze3A_544 = vector.extract %slice3A_543[0] : f32 from vector<1xf32>
        %slice3A_545 = vector.extract_strided_slice %add3A_518 {offsets = [15], sizes = [1], strides = [1]} : vector<16xf32> to vector<1xf32>
        %squeeze3A_546 = vector.extract %slice3A_545[0] : f32 from vector<1xf32>
        %slice3A_547 = vector.extract_strided_slice %add3A_519 {offsets = [15], sizes = [1], strides = [1]} : vector<16xf32> to vector<1xf32>
        %squeeze3A_548 = vector.extract %slice3A_547[0] : f32 from vector<1xf32>
        %slice3A_549 = vector.extract_strided_slice %add3A_520 {offsets = [15], sizes = [1], strides = [1]} : vector<16xf32> to vector<1xf32>
        %squeeze3A_550 = vector.extract %slice3A_549[0] : f32 from vector<1xf32>
        %mul3A_551 = vector.broadcast %squeeze3A : f32 to vector<16xf32>
        %mul3A_552 = arith.mulf %mul3A_551, %convert_element_type3A_123 : vector<16xf32>
        %add3A_553 = arith.addf %add3A_513, %mul3A_552 : vector<16xf32>
        %mul3A_554 = vector.broadcast %squeeze3A_522 : f32 to vector<16xf32>
        %mul3A_555 = arith.mulf %mul3A_554, %convert_element_type3A_123 : vector<16xf32>
        %add3A_556 = arith.addf %add3A_514, %mul3A_555 : vector<16xf32>
        %mul3A_557 = vector.broadcast %squeeze3A_524 : f32 to vector<16xf32>
        %mul3A_558 = arith.mulf %mul3A_557, %convert_element_type3A_123 : vector<16xf32>
        %add3A_559 = arith.addf %add3A_515, %mul3A_558 : vector<16xf32>
        %mul3A_560 = vector.broadcast %squeeze3A_526 : f32 to vector<16xf32>
        %mul3A_561 = arith.mulf %mul3A_560, %convert_element_type3A_123 : vector<16xf32>
        %add3A_562 = arith.addf %add3A_516, %mul3A_561 : vector<16xf32>
        %mul3A_563 = vector.broadcast %squeeze3A_528 : f32 to vector<16xf32>
        %mul3A_564 = arith.mulf %mul3A_563, %convert_element_type3A_123 : vector<16xf32>
        %add3A_565 = arith.addf %add3A_517, %mul3A_564 : vector<16xf32>
        %mul3A_566 = vector.broadcast %squeeze3A_530 : f32 to vector<16xf32>
        %mul3A_567 = arith.mulf %mul3A_566, %convert_element_type3A_123 : vector<16xf32>
        %add3A_568 = arith.addf %add3A_518, %mul3A_567 : vector<16xf32>
        %mul3A_569 = vector.broadcast %squeeze3A_532 : f32 to vector<16xf32>
        %mul3A_570 = arith.mulf %mul3A_569, %convert_element_type3A_123 : vector<16xf32>
        %add3A_571 = arith.addf %add3A_519, %mul3A_570 : vector<16xf32>
        %mul3A_572 = vector.broadcast %squeeze3A_534 : f32 to vector<16xf32>
        %mul3A_573 = arith.mulf %mul3A_572, %convert_element_type3A_123 : vector<16xf32>
        %add3A_574 = arith.addf %add3A_520, %mul3A_573 : vector<16xf32>
        %add3A_575 = vector.broadcast %scan3A_305 : f32 to vector<16xf32>
        %add3A_576 = arith.addf %add3A_553, %add3A_575 : vector<16xf32>
        %swap3A = arith.constant 0 : i32
        %swap3A_577 = arith.index_cast %swap3A : i32 to index
        %swap3A_578 = arith.index_cast %mul3A_312 : i32 to index
        %swap3A_579 = tpu.vector_load %arg5[%swap3A_577, %swap3A_578] {strides = array<i32>} : memref<2x8192xf32, #tpu.memory_space<vmem>>, vector<16xf32>,
        tpu.vector_store %arg5[%swap3A_577, %swap3A_578], %add3A_576 {strides = array<i32>} : memref<2x8192xf32, #tpu.memory_space<vmem>>, vector<16xf32>,
        %add3A_580 = arith.addf %squeeze3A, %squeeze3A_536 : f32
        %add3A_581 = arith.addf %scan3A_305, %add3A_580 : f32
        %add3A_582 = vector.broadcast %scan3A_306 : f32 to vector<16xf32>
        %add3A_583 = arith.addf %add3A_556, %add3A_582 : vector<16xf32>
        %swap3A_584 = arith.constant 1 : i32
        %swap3A_585 = arith.index_cast %swap3A_584 : i32 to index
        %swap3A_586 = arith.index_cast %mul3A_318 : i32 to index
        %swap3A_587 = tpu.vector_load %arg5[%swap3A_585, %swap3A_586] {strides = array<i32>} : memref<2x8192xf32, #tpu.memory_space<vmem>>, vector<16xf32>,
        tpu.vector_store %arg5[%swap3A_585, %swap3A_586], %add3A_583 {strides = array<i32>} : memref<2x8192xf32, #tpu.memory_space<vmem>>, vector<16xf32>,
        %add3A_588 = arith.addf %squeeze3A_522, %squeeze3A_538 : f32
        %add3A_589 = arith.addf %scan3A_306, %add3A_588 : f32
        %add3A_590 = vector.broadcast %add3A_581 : f32 to vector<16xf32>
        %add3A_591 = arith.addf %add3A_559, %add3A_590 : vector<16xf32>
        %swap3A_592 = arith.constant 0 : i32
        %swap3A_593 = arith.index_cast %swap3A_592 : i32 to index
        %swap3A_594 = arith.index_cast %mul3A_324 : i32 to index
        %swap3A_595 = tpu.vector_load %arg5[%swap3A_593, %swap3A_594] {strides = array<i32>} : memref<2x8192xf32, #tpu.memory_space<vmem>>, vector<16xf32>,
        tpu.vector_store %arg5[%swap3A_593, %swap3A_594], %add3A_591 {strides = array<i32>} : memref<2x8192xf32, #tpu.memory_space<vmem>>, vector<16xf32>,
        %add3A_596 = arith.addf %squeeze3A_524, %squeeze3A_540 : f32
        %add3A_597 = arith.addf %add3A_581, %add3A_596 : f32
        %add3A_598 = vector.broadcast %add3A_589 : f32 to vector<16xf32>
        %add3A_599 = arith.addf %add3A_562, %add3A_598 : vector<16xf32>
        %swap3A_600 = arith.constant 1 : i32
        %swap3A_601 = arith.index_cast %swap3A_600 : i32 to index
        %swap3A_602 = arith.index_cast %mul3A_330 : i32 to index
        %swap3A_603 = tpu.vector_load %arg5[%swap3A_601, %swap3A_602] {strides = array<i32>} : memref<2x8192xf32, #tpu.memory_space<vmem>>, vector<16xf32>,
        tpu.vector_store %arg5[%swap3A_601, %swap3A_602], %add3A_599 {strides = array<i32>} : memref<2x8192xf32, #tpu.memory_space<vmem>>, vector<16xf32>,
        %add3A_604 = arith.addf %squeeze3A_526, %squeeze3A_542 : f32
        %add3A_605 = arith.addf %add3A_589, %add3A_604 : f32
        %add3A_606 = vector.broadcast %add3A_597 : f32 to vector<16xf32>
        %add3A_607 = arith.addf %add3A_565, %add3A_606 : vector<16xf32>
        %swap3A_608 = arith.constant 0 : i32
        %swap3A_609 = arith.index_cast %swap3A_608 : i32 to index
        %swap3A_610 = arith.index_cast %mul3A_336 : i32 to index
        %swap3A_611 = tpu.vector_load %arg5[%swap3A_609, %swap3A_610] {strides = array<i32>} : memref<2x8192xf32, #tpu.memory_space<vmem>>, vector<16xf32>,
        tpu.vector_store %arg5[%swap3A_609, %swap3A_610], %add3A_607 {strides = array<i32>} : memref<2x8192xf32, #tpu.memory_space<vmem>>, vector<16xf32>,
        %add3A_612 = arith.addf %squeeze3A_528, %squeeze3A_544 : f32
        %add3A_613 = arith.addf %add3A_597, %add3A_612 : f32
        %add3A_614 = vector.broadcast %add3A_605 : f32 to vector<16xf32>
        %add3A_615 = arith.addf %add3A_568, %add3A_614 : vector<16xf32>
        %swap3A_616 = arith.constant 1 : i32
        %swap3A_617 = arith.index_cast %swap3A_616 : i32 to index
        %swap3A_618 = arith.index_cast %mul3A_342 : i32 to index
        %swap3A_619 = tpu.vector_load %arg5[%swap3A_617, %swap3A_618] {strides = array<i32>} : memref<2x8192xf32, #tpu.memory_space<vmem>>, vector<16xf32>,
        tpu.vector_store %arg5[%swap3A_617, %swap3A_618], %add3A_615 {strides = array<i32>} : memref<2x8192xf32, #tpu.memory_space<vmem>>, vector<16xf32>,
        %add3A_620 = arith.addf %squeeze3A_530, %squeeze3A_546 : f32
        %add3A_621 = arith.addf %add3A_605, %add3A_620 : f32
        %add3A_622 = vector.broadcast %add3A_613 : f32 to vector<16xf32>
        %add3A_623 = arith.addf %add3A_571, %add3A_622 : vector<16xf32>
        %swap3A_624 = arith.constant 0 : i32
        %swap3A_625 = arith.index_cast %swap3A_624 : i32 to index
        %swap3A_626 = arith.index_cast %mul3A_348 : i32 to index
        %swap3A_627 = tpu.vector_load %arg5[%swap3A_625, %swap3A_626] {strides = array<i32>} : memref<2x8192xf32, #tpu.memory_space<vmem>>, vector<16xf32>,
        tpu.vector_store %arg5[%swap3A_625, %swap3A_626], %add3A_623 {strides = array<i32>} : memref<2x8192xf32, #tpu.memory_space<vmem>>, vector<16xf32>,
        %add3A_628 = arith.addf %squeeze3A_532, %squeeze3A_548 : f32
        %add3A_629 = arith.addf %add3A_613, %add3A_628 : f32
        %add3A_630 = vector.broadcast %add3A_621 : f32 to vector<16xf32>
        %add3A_631 = arith.addf %add3A_574, %add3A_630 : vector<16xf32>
        %swap3A_632 = arith.constant 1 : i32
        %swap3A_633 = arith.index_cast %swap3A_632 : i32 to index
        %swap3A_634 = arith.index_cast %mul3A_354 : i32 to index
        %swap3A_635 = tpu.vector_load %arg5[%swap3A_633, %swap3A_634] {strides = array<i32>} : memref<2x8192xf32, #tpu.memory_space<vmem>>, vector<16xf32>,
        tpu.vector_store %arg5[%swap3A_633, %swap3A_634], %add3A_631 {strides = array<i32>} : memref<2x8192xf32, #tpu.memory_space<vmem>>, vector<16xf32>,
        %add3A_636 = arith.addf %squeeze3A_534, %squeeze3A_550 : f32
        %add3A_637 = arith.addf %add3A_621, %add3A_636 : f32
        scf.yield %add3A_629, %add3A_637 : f32, f32
      }
      %scan3A_214 = arith.constant 128 : i32
      %mul3A_215 = arith.constant 2 : i32
      %mul3A_216 = arith.muli %add3A_185, %mul3A_215 : i32
      %add3A_217 = arith.addi %mul3A_2, %mul3A_216 : i32
      %dma_start3A_218 = arith.constant 0 : i32
      %dma_start3A_219 = tpu.memref_slice %arg4[%add3A_217, %dma_start3A_218] : memref<4096x8192xf32, #tpu.memory_space<hbm>> -> memref<2x8192xf32, #tpu.memory_space<hbm>>
      %dma_start3A_220 = arith.constant 0 : i32
      %dma_start3A_221 = tpu.memref_slice %arg4[%add3A_217, %dma_start3A_220] : memref<4096x8192xf32, #tpu.memory_space<hbm>> -> memref<2x8192xf32, #tpu.memory_space<hbm>>
      tpu.enqueue_dma source(%arg5 : memref<2x8192xf32, #tpu.memory_space<vmem>>) target(%dma_start3A_221 : memref<2x8192xf32, #tpu.memory_space<hbm>>) target_semaphore(%arg14 : memref<!tpu.dma_semaphore, #tpu.memory_space<semaphore_mem>>)
      %mul3A_222 = arith.constant 3 : i32
      %mul3A_223 = arith.muli %scan3A_181, %mul3A_222 : i32
      %add3A_224 = arith.constant 1 : i32
      %add3A_225 = arith.addi %mul3A_223, %add3A_224 : i32
      %ge3A_226 = arith.constant 2 : i32
      %ge3A_227 = arith.cmpi sge, %add3A_225, %ge3A_226 : i32
      %convert_element_type3A_228 = arith.extui %ge3A_227 : i1 to i32
      %cond3A_229 = arith.constant 0 : i32
      %cond3A_230 = arith.cmpi ne, %convert_element_type3A_228, %cond3A_229 : i32
      scf.if %cond3A_230 {
        %dma_wait3A_304 = arith.constant 0 : i32
        %dma_wait3A_305 = arith.constant 0 : i32
        %dma_wait3A_306 = tpu.memref_slice %arg4[%dma_wait3A_304, %dma_wait3A_305] : memref<4096x8192xf32, #tpu.memory_space<hbm>> -> memref<2x8192xf32, #tpu.memory_space<hbm>>
        %dma_wait3A_307 = arith.constant 0 : i32
        %dma_wait3A_308 = arith.constant 0 : i32
        %dma_wait3A_309 = tpu.memref_slice %arg4[%dma_wait3A_307, %dma_wait3A_308] : memref<4096x8192xf32, #tpu.memory_space<hbm>> -> memref<2x8192xf32, #tpu.memory_space<hbm>>
        tpu.wait_dma2 semaphore(%arg16 : memref<!tpu.dma_semaphore, #tpu.memory_space<semaphore_mem>>) src(%arg7 : memref<2x8192xf32, #tpu.memory_space<vmem>>) dst(%dma_wait3A_309 : memref<2x8192xf32, #tpu.memory_space<hbm>>)
      } else {
      }
      %lt3A_231 = arith.constant 63 : i32
      %lt3A_232 = arith.cmpi slt, %add3A_225, %lt3A_231 : i32
      %convert_element_type3A_233 = arith.extui %lt3A_232 : i1 to i32
      %cond3A_234 = arith.constant 0 : i32
      %cond3A_235 = arith.cmpi ne, %convert_element_type3A_233, %cond3A_234 : i32
      scf.if %cond3A_235 {
        %add3A_304 = arith.constant 1 : i32
        %add3A_305 = arith.addi %add3A_225, %add3A_304 : i32
        %mul3A_306 = arith.constant 2 : i32
        %mul3A_307 = arith.muli %add3A_305, %mul3A_306 : i32
        %add3A_308 = arith.addi %mul3A_2, %mul3A_307 : i32
        %dma_start3A_309 = arith.constant 0 : i32
        %dma_start3A_310 = tpu.memref_slice %arg2[%add3A_308, %dma_start3A_309] : memref<4096x8192xf32, #tpu.memory_space<hbm>> -> memref<2x8192xf32, #tpu.memory_space<hbm>>
        %dma_start3A_311 = arith.constant 0 : i32
        %dma_start3A_312 = tpu.memref_slice %arg2[%add3A_308, %dma_start3A_311] : memref<4096x8192xf32, #tpu.memory_space<hbm>> -> memref<2x8192xf32, #tpu.memory_space<hbm>>
        tpu.enqueue_dma source(%dma_start3A_312 : memref<2x8192xf32, #tpu.memory_space<hbm>>) target(%arg7 : memref<2x8192xf32, #tpu.memory_space<vmem>>) target_semaphore(%arg13 : memref<!tpu.dma_semaphore, #tpu.memory_space<semaphore_mem>>)
        %dma_start3A_313 = arith.constant 0 : i32
        %dma_start3A_314 = tpu.memref_slice %arg3[%add3A_308, %dma_start3A_313] : memref<4096x8192xf32, #tpu.memory_space<hbm>> -> memref<2x8192xf32, #tpu.memory_space<hbm>>
        %dma_start3A_315 = arith.constant 0 : i32
        %dma_start3A_316 = tpu.memref_slice %arg3[%add3A_308, %dma_start3A_315] : memref<4096x8192xf32, #tpu.memory_space<hbm>> -> memref<2x8192xf32, #tpu.memory_space<hbm>>
        tpu.enqueue_dma source(%dma_start3A_316 : memref<2x8192xf32, #tpu.memory_space<hbm>>) target(%arg10 : memref<2x8192xf32, #tpu.memory_space<vmem>>) target_semaphore(%arg13 : memref<!tpu.dma_semaphore, #tpu.memory_space<semaphore_mem>>)
      } else {
      }
      %dma_wait3A_236 = arith.constant 0 : i32
      %dma_wait3A_237 = arith.constant 0 : i32
      %dma_wait3A_238 = tpu.memref_slice %arg2[%dma_wait3A_236, %dma_wait3A_237] : memref<4096x8192xf32, #tpu.memory_space<hbm>> -> memref<2x8192xf32, #tpu.memory_space<hbm>>
      %dma_wait3A_239 = arith.constant 0 : i32
      %dma_wait3A_240 = arith.constant 0 : i32
      %dma_wait3A_241 = tpu.memref_slice %arg2[%dma_wait3A_239, %dma_wait3A_240] : memref<4096x8192xf32, #tpu.memory_space<hbm>> -> memref<2x8192xf32, #tpu.memory_space<hbm>>
      tpu.wait_dma2 semaphore(%arg12 : memref<!tpu.dma_semaphore, #tpu.memory_space<semaphore_mem>>) src(%dma_wait3A_241 : memref<2x8192xf32, #tpu.memory_space<hbm>>) dst(%arg6 : memref<2x8192xf32, #tpu.memory_space<vmem>>)
      %dma_wait3A_242 = arith.constant 0 : i32
      %dma_wait3A_243 = arith.constant 0 : i32
      %dma_wait3A_244 = tpu.memref_slice %arg3[%dma_wait3A_242, %dma_wait3A_243] : memref<4096x8192xf32, #tpu.memory_space<hbm>> -> memref<2x8192xf32, #tpu.memory_space<hbm>>
      %dma_wait3A_245 = arith.constant 0 : i32
      %dma_wait3A_246 = arith.constant 0 : i32
      %dma_wait3A_247 = tpu.memref_slice %arg3[%dma_wait3A_245, %dma_wait3A_246] : memref<4096x8192xf32, #tpu.memory_space<hbm>> -> memref<2x8192xf32, #tpu.memory_space<hbm>>
      tpu.wait_dma2 semaphore(%arg12 : memref<!tpu.dma_semaphore, #tpu.memory_space<semaphore_mem>>) src(%dma_wait3A_247 : memref<2x8192xf32, #tpu.memory_space<hbm>>) dst(%arg9 : memref<2x8192xf32, #tpu.memory_space<vmem>>)
      %scan3A_248 = arith.constant 0.000000e+00 : f32
      %scan3A_249 = arith.constant 0.000000e+00 : f32
      %scan3A_250 = arith.constant 0 : i32
      %scan3A_251 = arith.constant 128 : i32
      %scan3A_252 = arith.addi %scan3A_250, %scan3A_251 : i32
      %scan3A_253 = arith.constant 1 : i32
      %scan3A_254:2 = scf.for %scan3A_304 = %scan3A_250 to %scan3A_252 step %scan3A_253 iter_args(%scan3A_305 = %scan3A_248, %scan3A_306 = %scan3A_249) -> (f32, f32)  : i32 {
        %mul3A_307 = arith.constant 4 : i32
        %mul3A_308 = arith.muli %scan3A_304, %mul3A_307 : i32
        %add3A_309 = arith.constant 0 : i32
        %add3A_310 = arith.addi %mul3A_308, %add3A_309 : i32
        %mul3A_311 = arith.constant 16 : i32
        %mul3A_312 = arith.muli %add3A_310, %mul3A_311 : i32
        %mul3A_313 = arith.constant 4 : i32
        %mul3A_314 = arith.muli %scan3A_304, %mul3A_313 : i32
        %add3A_315 = arith.constant 0 : i32
        %add3A_316 = arith.addi %mul3A_314, %add3A_315 : i32
        %mul3A_317 = arith.constant 16 : i32
        %mul3A_318 = arith.muli %add3A_316, %mul3A_317 : i32
        %mul3A_319 = arith.constant 4 : i32
        %mul3A_320 = arith.muli %scan3A_304, %mul3A_319 : i32
        %add3A_321 = arith.constant 1 : i32
        %add3A_322 = arith.addi %mul3A_320, %add3A_321 : i32
        %mul3A_323 = arith.constant 16 : i32
        %mul3A_324 = arith.muli %add3A_322, %mul3A_323 : i32
        %mul3A_325 = arith.constant 4 : i32
        %mul3A_326 = arith.muli %scan3A_304, %mul3A_325 : i32
        %add3A_327 = arith.constant 1 : i32
        %add3A_328 = arith.addi %mul3A_326, %add3A_327 : i32
        %mul3A_329 = arith.constant 16 : i32
        %mul3A_330 = arith.muli %add3A_328, %mul3A_329 : i32
        %mul3A_331 = arith.constant 4 : i32
        %mul3A_332 = arith.muli %scan3A_304, %mul3A_331 : i32
        %add3A_333 = arith.constant 2 : i32
        %add3A_334 = arith.addi %mul3A_332, %add3A_333 : i32
        %mul3A_335 = arith.constant 16 : i32
        %mul3A_336 = arith.muli %add3A_334, %mul3A_335 : i32
        %mul3A_337 = arith.constant 4 : i32
        %mul3A_338 = arith.muli %scan3A_304, %mul3A_337 : i32
        %add3A_339 = arith.constant 2 : i32
        %add3A_340 = arith.addi %mul3A_338, %add3A_339 : i32
        %mul3A_341 = arith.constant 16 : i32
        %mul3A_342 = arith.muli %add3A_340, %mul3A_341 : i32
        %mul3A_343 = arith.constant 4 : i32
        %mul3A_344 = arith.muli %scan3A_304, %mul3A_343 : i32
        %add3A_345 = arith.constant 3 : i32
        %add3A_346 = arith.addi %mul3A_344, %add3A_345 : i32
        %mul3A_347 = arith.constant 16 : i32
        %mul3A_348 = arith.muli %add3A_346, %mul3A_347 : i32
        %mul3A_349 = arith.constant 4 : i32
        %mul3A_350 = arith.muli %scan3A_304, %mul3A_349 : i32
        %add3A_351 = arith.constant 3 : i32
        %add3A_352 = arith.addi %mul3A_350, %add3A_351 : i32
        %mul3A_353 = arith.constant 16 : i32
        %mul3A_354 = arith.muli %add3A_352, %mul3A_353 : i32
        %get3A = arith.constant 0 : i32
        %get3A_355 = arith.index_cast %get3A : i32 to index
        %get3A_356 = arith.index_cast %mul3A_312 : i32 to index
        %get3A_357 = tpu.vector_load %arg6[%get3A_355, %get3A_356] {strides = array<i32>} : memref<2x8192xf32, #tpu.memory_space<vmem>>, vector<16xf32>,
        %get3A_358 = arith.constant 0 : i32
        %get3A_359 = arith.index_cast %get3A_358 : i32 to index
        %get3A_360 = arith.index_cast %mul3A_312 : i32 to index
        %get3A_361 = tpu.vector_load %arg9[%get3A_359, %get3A_360] {strides = array<i32>} : memref<2x8192xf32, #tpu.memory_space<vmem>>, vector<16xf32>,
        %mul3A_362 = arith.mulf %get3A_357, %get3A_361 : vector<16xf32>
        %get3A_363 = arith.constant 1 : i32
        %get3A_364 = arith.index_cast %get3A_363 : i32 to index
        %get3A_365 = arith.index_cast %mul3A_318 : i32 to index
        %get3A_366 = tpu.vector_load %arg6[%get3A_364, %get3A_365] {strides = array<i32>} : memref<2x8192xf32, #tpu.memory_space<vmem>>, vector<16xf32>,
        %get3A_367 = arith.constant 1 : i32
        %get3A_368 = arith.index_cast %get3A_367 : i32 to index
        %get3A_369 = arith.index_cast %mul3A_318 : i32 to index
        %get3A_370 = tpu.vector_load %arg9[%get3A_368, %get3A_369] {strides = array<i32>} : memref<2x8192xf32, #tpu.memory_space<vmem>>, vector<16xf32>,
        %mul3A_371 = arith.mulf %get3A_366, %get3A_370 : vector<16xf32>
        %get3A_372 = arith.constant 0 : i32
        %get3A_373 = arith.index_cast %get3A_372 : i32 to index
        %get3A_374 = arith.index_cast %mul3A_324 : i32 to index
        %get3A_375 = tpu.vector_load %arg6[%get3A_373, %get3A_374] {strides = array<i32>} : memref<2x8192xf32, #tpu.memory_space<vmem>>, vector<16xf32>,
        %get3A_376 = arith.constant 0 : i32
        %get3A_377 = arith.index_cast %get3A_376 : i32 to index
        %get3A_378 = arith.index_cast %mul3A_324 : i32 to index
        %get3A_379 = tpu.vector_load %arg9[%get3A_377, %get3A_378] {strides = array<i32>} : memref<2x8192xf32, #tpu.memory_space<vmem>>, vector<16xf32>,
        %mul3A_380 = arith.mulf %get3A_375, %get3A_379 : vector<16xf32>
        %get3A_381 = arith.constant 1 : i32
        %get3A_382 = arith.index_cast %get3A_381 : i32 to index
        %get3A_383 = arith.index_cast %mul3A_330 : i32 to index
        %get3A_384 = tpu.vector_load %arg6[%get3A_382, %get3A_383] {strides = array<i32>} : memref<2x8192xf32, #tpu.memory_space<vmem>>, vector<16xf32>,
        %get3A_385 = arith.constant 1 : i32
        %get3A_386 = arith.index_cast %get3A_385 : i32 to index
        %get3A_387 = arith.index_cast %mul3A_330 : i32 to index
        %get3A_388 = tpu.vector_load %arg9[%get3A_386, %get3A_387] {strides = array<i32>} : memref<2x8192xf32, #tpu.memory_space<vmem>>, vector<16xf32>,
        %mul3A_389 = arith.mulf %get3A_384, %get3A_388 : vector<16xf32>
        %get3A_390 = arith.constant 0 : i32
        %get3A_391 = arith.index_cast %get3A_390 : i32 to index
        %get3A_392 = arith.index_cast %mul3A_336 : i32 to index
        %get3A_393 = tpu.vector_load %arg6[%get3A_391, %get3A_392] {strides = array<i32>} : memref<2x8192xf32, #tpu.memory_space<vmem>>, vector<16xf32>,
        %get3A_394 = arith.constant 0 : i32
        %get3A_395 = arith.index_cast %get3A_394 : i32 to index
        %get3A_396 = arith.index_cast %mul3A_336 : i32 to index
        %get3A_397 = tpu.vector_load %arg9[%get3A_395, %get3A_396] {strides = array<i32>} : memref<2x8192xf32, #tpu.memory_space<vmem>>, vector<16xf32>,
        %mul3A_398 = arith.mulf %get3A_393, %get3A_397 : vector<16xf32>
        %get3A_399 = arith.constant 1 : i32
        %get3A_400 = arith.index_cast %get3A_399 : i32 to index
        %get3A_401 = arith.index_cast %mul3A_342 : i32 to index
        %get3A_402 = tpu.vector_load %arg6[%get3A_400, %get3A_401] {strides = array<i32>} : memref<2x8192xf32, #tpu.memory_space<vmem>>, vector<16xf32>,
        %get3A_403 = arith.constant 1 : i32
        %get3A_404 = arith.index_cast %get3A_403 : i32 to index
        %get3A_405 = arith.index_cast %mul3A_342 : i32 to index
        %get3A_406 = tpu.vector_load %arg9[%get3A_404, %get3A_405] {strides = array<i32>} : memref<2x8192xf32, #tpu.memory_space<vmem>>, vector<16xf32>,
        %mul3A_407 = arith.mulf %get3A_402, %get3A_406 : vector<16xf32>
        %get3A_408 = arith.constant 0 : i32
        %get3A_409 = arith.index_cast %get3A_408 : i32 to index
        %get3A_410 = arith.index_cast %mul3A_348 : i32 to index
        %get3A_411 = tpu.vector_load %arg6[%get3A_409, %get3A_410] {strides = array<i32>} : memref<2x8192xf32, #tpu.memory_space<vmem>>, vector<16xf32>,
        %get3A_412 = arith.constant 0 : i32
        %get3A_413 = arith.index_cast %get3A_412 : i32 to index
        %get3A_414 = arith.index_cast %mul3A_348 : i32 to index
        %get3A_415 = tpu.vector_load %arg9[%get3A_413, %get3A_414] {strides = array<i32>} : memref<2x8192xf32, #tpu.memory_space<vmem>>, vector<16xf32>,
        %mul3A_416 = arith.mulf %get3A_411, %get3A_415 : vector<16xf32>
        %get3A_417 = arith.constant 1 : i32
        %get3A_418 = arith.index_cast %get3A_417 : i32 to index
        %get3A_419 = arith.index_cast %mul3A_354 : i32 to index
        %get3A_420 = tpu.vector_load %arg6[%get3A_418, %get3A_419] {strides = array<i32>} : memref<2x8192xf32, #tpu.memory_space<vmem>>, vector<16xf32>,
        %get3A_421 = arith.constant 1 : i32
        %get3A_422 = arith.index_cast %get3A_421 : i32 to index
        %get3A_423 = arith.index_cast %mul3A_354 : i32 to index
        %get3A_424 = tpu.vector_load %arg9[%get3A_422, %get3A_423] {strides = array<i32>} : memref<2x8192xf32, #tpu.memory_space<vmem>>, vector<16xf32>,
        %mul3A_425 = arith.mulf %get3A_420, %get3A_424 : vector<16xf32>
        %gather3A = vector.shape_cast %reshape3A : vector<16x1xi32> to vector<16xi32>
        %gather3A_426 = tpu.dynamic_gather %mul3A_362[%gather3A] in [0] : vector<16xf32>, vector<16xi32> -> vector<16xf32>
        %gather3A_427 = vector.shape_cast %reshape3A : vector<16x1xi32> to vector<16xi32>
        %gather3A_428 = tpu.dynamic_gather %mul3A_371[%gather3A_427] in [0] : vector<16xf32>, vector<16xi32> -> vector<16xf32>
        %gather3A_429 = vector.shape_cast %reshape3A : vector<16x1xi32> to vector<16xi32>
        %gather3A_430 = tpu.dynamic_gather %mul3A_380[%gather3A_429] in [0] : vector<16xf32>, vector<16xi32> -> vector<16xf32>
        %gather3A_431 = vector.shape_cast %reshape3A : vector<16x1xi32> to vector<16xi32>
        %gather3A_432 = tpu.dynamic_gather %mul3A_389[%gather3A_431] in [0] : vector<16xf32>, vector<16xi32> -> vector<16xf32>
        %gather3A_433 = vector.shape_cast %reshape3A : vector<16x1xi32> to vector<16xi32>
        %gather3A_434 = tpu.dynamic_gather %mul3A_398[%gather3A_433] in [0] : vector<16xf32>, vector<16xi32> -> vector<16xf32>
        %gather3A_435 = vector.shape_cast %reshape3A : vector<16x1xi32> to vector<16xi32>
        %gather3A_436 = tpu.dynamic_gather %mul3A_407[%gather3A_435] in [0] : vector<16xf32>, vector<16xi32> -> vector<16xf32>
        %gather3A_437 = vector.shape_cast %reshape3A : vector<16x1xi32> to vector<16xi32>
        %gather3A_438 = tpu.dynamic_gather %mul3A_416[%gather3A_437] in [0] : vector<16xf32>, vector<16xi32> -> vector<16xf32>
        %gather3A_439 = vector.shape_cast %reshape3A : vector<16x1xi32> to vector<16xi32>
        %gather3A_440 = tpu.dynamic_gather %mul3A_425[%gather3A_439] in [0] : vector<16xf32>, vector<16xi32> -> vector<16xf32>
        %mul3A_441 = arith.mulf %gather3A_426, %convert_element_type3A_64 : vector<16xf32>
        %mul3A_442 = arith.mulf %gather3A_428, %convert_element_type3A_64 : vector<16xf32>
        %mul3A_443 = arith.mulf %gather3A_430, %convert_element_type3A_64 : vector<16xf32>
        %mul3A_444 = arith.mulf %gather3A_432, %convert_element_type3A_64 : vector<16xf32>
        %mul3A_445 = arith.mulf %gather3A_434, %convert_element_type3A_64 : vector<16xf32>
        %mul3A_446 = arith.mulf %gather3A_436, %convert_element_type3A_64 : vector<16xf32>
        %mul3A_447 = arith.mulf %gather3A_438, %convert_element_type3A_64 : vector<16xf32>
        %mul3A_448 = arith.mulf %gather3A_440, %convert_element_type3A_64 : vector<16xf32>
        %add3A_449 = arith.addf %mul3A_362, %mul3A_441 : vector<16xf32>
        %add3A_450 = arith.addf %mul3A_371, %mul3A_442 : vector<16xf32>
        %add3A_451 = arith.addf %mul3A_380, %mul3A_443 : vector<16xf32>
        %add3A_452 = arith.addf %mul3A_389, %mul3A_444 : vector<16xf32>
        %add3A_453 = arith.addf %mul3A_398, %mul3A_445 : vector<16xf32>
        %add3A_454 = arith.addf %mul3A_407, %mul3A_446 : vector<16xf32>
        %add3A_455 = arith.addf %mul3A_416, %mul3A_447 : vector<16xf32>
        %add3A_456 = arith.addf %mul3A_425, %mul3A_448 : vector<16xf32>
        %gather3A_457 = vector.shape_cast %reshape3A_36 : vector<16x1xi32> to vector<16xi32>
        %gather3A_458 = tpu.dynamic_gather %add3A_449[%gather3A_457] in [0] : vector<16xf32>, vector<16xi32> -> vector<16xf32>
        %gather3A_459 = vector.shape_cast %reshape3A_36 : vector<16x1xi32> to vector<16xi32>
        %gather3A_460 = tpu.dynamic_gather %add3A_450[%gather3A_459] in [0] : vector<16xf32>, vector<16xi32> -> vector<16xf32>
        %gather3A_461 = vector.shape_cast %reshape3A_36 : vector<16x1xi32> to vector<16xi32>
        %gather3A_462 = tpu.dynamic_gather %add3A_451[%gather3A_461] in [0] : vector<16xf32>, vector<16xi32> -> vector<16xf32>
        %gather3A_463 = vector.shape_cast %reshape3A_36 : vector<16x1xi32> to vector<16xi32>
        %gather3A_464 = tpu.dynamic_gather %add3A_452[%gather3A_463] in [0] : vector<16xf32>, vector<16xi32> -> vector<16xf32>
        %gather3A_465 = vector.shape_cast %reshape3A_36 : vector<16x1xi32> to vector<16xi32>
        %gather3A_466 = tpu.dynamic_gather %add3A_453[%gather3A_465] in [0] : vector<16xf32>, vector<16xi32> -> vector<16xf32>
        %gather3A_467 = vector.shape_cast %reshape3A_36 : vector<16x1xi32> to vector<16xi32>
        %gather3A_468 = tpu.dynamic_gather %add3A_454[%gather3A_467] in [0] : vector<16xf32>, vector<16xi32> -> vector<16xf32>
        %gather3A_469 = vector.shape_cast %reshape3A_36 : vector<16x1xi32> to vector<16xi32>
        %gather3A_470 = tpu.dynamic_gather %add3A_455[%gather3A_469] in [0] : vector<16xf32>, vector<16xi32> -> vector<16xf32>
        %gather3A_471 = vector.shape_cast %reshape3A_36 : vector<16x1xi32> to vector<16xi32>
        %gather3A_472 = tpu.dynamic_gather %add3A_456[%gather3A_471] in [0] : vector<16xf32>, vector<16xi32> -> vector<16xf32>
        %mul3A_473 = arith.mulf %gather3A_458, %convert_element_type3A_91 : vector<16xf32>
        %mul3A_474 = arith.mulf %gather3A_460, %convert_element_type3A_91 : vector<16xf32>
        %mul3A_475 = arith.mulf %gather3A_462, %convert_element_type3A_91 : vector<16xf32>
        %mul3A_476 = arith.mulf %gather3A_464, %convert_element_type3A_91 : vector<16xf32>
        %mul3A_477 = arith.mulf %gather3A_466, %convert_element_type3A_91 : vector<16xf32>
        %mul3A_478 = arith.mulf %gather3A_468, %convert_element_type3A_91 : vector<16xf32>
        %mul3A_479 = arith.mulf %gather3A_470, %convert_element_type3A_91 : vector<16xf32>
        %mul3A_480 = arith.mulf %gather3A_472, %convert_element_type3A_91 : vector<16xf32>
        %add3A_481 = arith.addf %add3A_449, %mul3A_473 : vector<16xf32>
        %add3A_482 = arith.addf %add3A_450, %mul3A_474 : vector<16xf32>
        %add3A_483 = arith.addf %add3A_451, %mul3A_475 : vector<16xf32>
        %add3A_484 = arith.addf %add3A_452, %mul3A_476 : vector<16xf32>
        %add3A_485 = arith.addf %add3A_453, %mul3A_477 : vector<16xf32>
        %add3A_486 = arith.addf %add3A_454, %mul3A_478 : vector<16xf32>
        %add3A_487 = arith.addf %add3A_455, %mul3A_479 : vector<16xf32>
        %add3A_488 = arith.addf %add3A_456, %mul3A_480 : vector<16xf32>
        %gather3A_489 = vector.shape_cast %reshape3A_41 : vector<16x1xi32> to vector<16xi32>
        %gather3A_490 = tpu.dynamic_gather %add3A_481[%gather3A_489] in [0] : vector<16xf32>, vector<16xi32> -> vector<16xf32>
        %gather3A_491 = vector.shape_cast %reshape3A_41 : vector<16x1xi32> to vector<16xi32>
        %gather3A_492 = tpu.dynamic_gather %add3A_482[%gather3A_491] in [0] : vector<16xf32>, vector<16xi32> -> vector<16xf32>
        %gather3A_493 = vector.shape_cast %reshape3A_41 : vector<16x1xi32> to vector<16xi32>
        %gather3A_494 = tpu.dynamic_gather %add3A_483[%gather3A_493] in [0] : vector<16xf32>, vector<16xi32> -> vector<16xf32>
        %gather3A_495 = vector.shape_cast %reshape3A_41 : vector<16x1xi32> to vector<16xi32>
        %gather3A_496 = tpu.dynamic_gather %add3A_484[%gather3A_495] in [0] : vector<16xf32>, vector<16xi32> -> vector<16xf32>
        %gather3A_497 = vector.shape_cast %reshape3A_41 : vector<16x1xi32> to vector<16xi32>
        %gather3A_498 = tpu.dynamic_gather %add3A_485[%gather3A_497] in [0] : vector<16xf32>, vector<16xi32> -> vector<16xf32>
        %gather3A_499 = vector.shape_cast %reshape3A_41 : vector<16x1xi32> to vector<16xi32>
        %gather3A_500 = tpu.dynamic_gather %add3A_486[%gather3A_499] in [0] : vector<16xf32>, vector<16xi32> -> vector<16xf32>
        %gather3A_501 = vector.shape_cast %reshape3A_41 : vector<16x1xi32> to vector<16xi32>
        %gather3A_502 = tpu.dynamic_gather %add3A_487[%gather3A_501] in [0] : vector<16xf32>, vector<16xi32> -> vector<16xf32>
        %gather3A_503 = vector.shape_cast %reshape3A_41 : vector<16x1xi32> to vector<16xi32>
        %gather3A_504 = tpu.dynamic_gather %add3A_488[%gather3A_503] in [0] : vector<16xf32>, vector<16xi32> -> vector<16xf32>
        %mul3A_505 = arith.mulf %gather3A_490, %convert_element_type3A_118 : vector<16xf32>
        %mul3A_506 = arith.mulf %gather3A_492, %convert_element_type3A_118 : vector<16xf32>
        %mul3A_507 = arith.mulf %gather3A_494, %convert_element_type3A_118 : vector<16xf32>
        %mul3A_508 = arith.mulf %gather3A_496, %convert_element_type3A_118 : vector<16xf32>
        %mul3A_509 = arith.mulf %gather3A_498, %convert_element_type3A_118 : vector<16xf32>
        %mul3A_510 = arith.mulf %gather3A_500, %convert_element_type3A_118 : vector<16xf32>
        %mul3A_511 = arith.mulf %gather3A_502, %convert_element_type3A_118 : vector<16xf32>
        %mul3A_512 = arith.mulf %gather3A_504, %convert_element_type3A_118 : vector<16xf32>
        %add3A_513 = arith.addf %add3A_481, %mul3A_505 : vector<16xf32>
        %add3A_514 = arith.addf %add3A_482, %mul3A_506 : vector<16xf32>
        %add3A_515 = arith.addf %add3A_483, %mul3A_507 : vector<16xf32>
        %add3A_516 = arith.addf %add3A_484, %mul3A_508 : vector<16xf32>
        %add3A_517 = arith.addf %add3A_485, %mul3A_509 : vector<16xf32>
        %add3A_518 = arith.addf %add3A_486, %mul3A_510 : vector<16xf32>
        %add3A_519 = arith.addf %add3A_487, %mul3A_511 : vector<16xf32>
        %add3A_520 = arith.addf %add3A_488, %mul3A_512 : vector<16xf32>
        %slice3A = vector.extract_strided_slice %add3A_513 {offsets = [7], sizes = [1], strides = [1]} : vector<16xf32> to vector<1xf32>
        %squeeze3A = vector.extract %slice3A[0] : f32 from vector<1xf32>
        %slice3A_521 = vector.extract_strided_slice %add3A_514 {offsets = [7], sizes = [1], strides = [1]} : vector<16xf32> to vector<1xf32>
        %squeeze3A_522 = vector.extract %slice3A_521[0] : f32 from vector<1xf32>
        %slice3A_523 = vector.extract_strided_slice %add3A_515 {offsets = [7], sizes = [1], strides = [1]} : vector<16xf32> to vector<1xf32>
        %squeeze3A_524 = vector.extract %slice3A_523[0] : f32 from vector<1xf32>
        %slice3A_525 = vector.extract_strided_slice %add3A_516 {offsets = [7], sizes = [1], strides = [1]} : vector<16xf32> to vector<1xf32>
        %squeeze3A_526 = vector.extract %slice3A_525[0] : f32 from vector<1xf32>
        %slice3A_527 = vector.extract_strided_slice %add3A_517 {offsets = [7], sizes = [1], strides = [1]} : vector<16xf32> to vector<1xf32>
        %squeeze3A_528 = vector.extract %slice3A_527[0] : f32 from vector<1xf32>
        %slice3A_529 = vector.extract_strided_slice %add3A_518 {offsets = [7], sizes = [1], strides = [1]} : vector<16xf32> to vector<1xf32>
        %squeeze3A_530 = vector.extract %slice3A_529[0] : f32 from vector<1xf32>
        %slice3A_531 = vector.extract_strided_slice %add3A_519 {offsets = [7], sizes = [1], strides = [1]} : vector<16xf32> to vector<1xf32>
        %squeeze3A_532 = vector.extract %slice3A_531[0] : f32 from vector<1xf32>
        %slice3A_533 = vector.extract_strided_slice %add3A_520 {offsets = [7], sizes = [1], strides = [1]} : vector<16xf32> to vector<1xf32>
        %squeeze3A_534 = vector.extract %slice3A_533[0] : f32 from vector<1xf32>
        %slice3A_535 = vector.extract_strided_slice %add3A_513 {offsets = [15], sizes = [1], strides = [1]} : vector<16xf32> to vector<1xf32>
        %squeeze3A_536 = vector.extract %slice3A_535[0] : f32 from vector<1xf32>
        %slice3A_537 = vector.extract_strided_slice %add3A_514 {offsets = [15], sizes = [1], strides = [1]} : vector<16xf32> to vector<1xf32>
        %squeeze3A_538 = vector.extract %slice3A_537[0] : f32 from vector<1xf32>
        %slice3A_539 = vector.extract_strided_slice %add3A_515 {offsets = [15], sizes = [1], strides = [1]} : vector<16xf32> to vector<1xf32>
        %squeeze3A_540 = vector.extract %slice3A_539[0] : f32 from vector<1xf32>
        %slice3A_541 = vector.extract_strided_slice %add3A_516 {offsets = [15], sizes = [1], strides = [1]} : vector<16xf32> to vector<1xf32>
        %squeeze3A_542 = vector.extract %slice3A_541[0] : f32 from vector<1xf32>
        %slice3A_543 = vector.extract_strided_slice %add3A_517 {offsets = [15], sizes = [1], strides = [1]} : vector<16xf32> to vector<1xf32>
        %squeeze3A_544 = vector.extract %slice3A_543[0] : f32 from vector<1xf32>
        %slice3A_545 = vector.extract_strided_slice %add3A_518 {offsets = [15], sizes = [1], strides = [1]} : vector<16xf32> to vector<1xf32>
        %squeeze3A_546 = vector.extract %slice3A_545[0] : f32 from vector<1xf32>
        %slice3A_547 = vector.extract_strided_slice %add3A_519 {offsets = [15], sizes = [1], strides = [1]} : vector<16xf32> to vector<1xf32>
        %squeeze3A_548 = vector.extract %slice3A_547[0] : f32 from vector<1xf32>
        %slice3A_549 = vector.extract_strided_slice %add3A_520 {offsets = [15], sizes = [1], strides = [1]} : vector<16xf32> to vector<1xf32>
        %squeeze3A_550 = vector.extract %slice3A_549[0] : f32 from vector<1xf32>
        %mul3A_551 = vector.broadcast %squeeze3A : f32 to vector<16xf32>
        %mul3A_552 = arith.mulf %mul3A_551, %convert_element_type3A_123 : vector<16xf32>
        %add3A_553 = arith.addf %add3A_513, %mul3A_552 : vector<16xf32>
        %mul3A_554 = vector.broadcast %squeeze3A_522 : f32 to vector<16xf32>
        %mul3A_555 = arith.mulf %mul3A_554, %convert_element_type3A_123 : vector<16xf32>
        %add3A_556 = arith.addf %add3A_514, %mul3A_555 : vector<16xf32>
        %mul3A_557 = vector.broadcast %squeeze3A_524 : f32 to vector<16xf32>
        %mul3A_558 = arith.mulf %mul3A_557, %convert_element_type3A_123 : vector<16xf32>
        %add3A_559 = arith.addf %add3A_515, %mul3A_558 : vector<16xf32>
        %mul3A_560 = vector.broadcast %squeeze3A_526 : f32 to vector<16xf32>
        %mul3A_561 = arith.mulf %mul3A_560, %convert_element_type3A_123 : vector<16xf32>
        %add3A_562 = arith.addf %add3A_516, %mul3A_561 : vector<16xf32>
        %mul3A_563 = vector.broadcast %squeeze3A_528 : f32 to vector<16xf32>
        %mul3A_564 = arith.mulf %mul3A_563, %convert_element_type3A_123 : vector<16xf32>
        %add3A_565 = arith.addf %add3A_517, %mul3A_564 : vector<16xf32>
        %mul3A_566 = vector.broadcast %squeeze3A_530 : f32 to vector<16xf32>
        %mul3A_567 = arith.mulf %mul3A_566, %convert_element_type3A_123 : vector<16xf32>
        %add3A_568 = arith.addf %add3A_518, %mul3A_567 : vector<16xf32>
        %mul3A_569 = vector.broadcast %squeeze3A_532 : f32 to vector<16xf32>
        %mul3A_570 = arith.mulf %mul3A_569, %convert_element_type3A_123 : vector<16xf32>
        %add3A_571 = arith.addf %add3A_519, %mul3A_570 : vector<16xf32>
        %mul3A_572 = vector.broadcast %squeeze3A_534 : f32 to vector<16xf32>
        %mul3A_573 = arith.mulf %mul3A_572, %convert_element_type3A_123 : vector<16xf32>
        %add3A_574 = arith.addf %add3A_520, %mul3A_573 : vector<16xf32>
        %add3A_575 = vector.broadcast %scan3A_305 : f32 to vector<16xf32>
        %add3A_576 = arith.addf %add3A_553, %add3A_575 : vector<16xf32>
        %swap3A = arith.constant 0 : i32
        %swap3A_577 = arith.index_cast %swap3A : i32 to index
        %swap3A_578 = arith.index_cast %mul3A_312 : i32 to index
        %swap3A_579 = tpu.vector_load %arg6[%swap3A_577, %swap3A_578] {strides = array<i32>} : memref<2x8192xf32, #tpu.memory_space<vmem>>, vector<16xf32>,
        tpu.vector_store %arg6[%swap3A_577, %swap3A_578], %add3A_576 {strides = array<i32>} : memref<2x8192xf32, #tpu.memory_space<vmem>>, vector<16xf32>,
        %add3A_580 = arith.addf %squeeze3A, %squeeze3A_536 : f32
        %add3A_581 = arith.addf %scan3A_305, %add3A_580 : f32
        %add3A_582 = vector.broadcast %scan3A_306 : f32 to vector<16xf32>
        %add3A_583 = arith.addf %add3A_556, %add3A_582 : vector<16xf32>
        %swap3A_584 = arith.constant 1 : i32
        %swap3A_585 = arith.index_cast %swap3A_584 : i32 to index
        %swap3A_586 = arith.index_cast %mul3A_318 : i32 to index
        %swap3A_587 = tpu.vector_load %arg6[%swap3A_585, %swap3A_586] {strides = array<i32>} : memref<2x8192xf32, #tpu.memory_space<vmem>>, vector<16xf32>,
        tpu.vector_store %arg6[%swap3A_585, %swap3A_586], %add3A_583 {strides = array<i32>} : memref<2x8192xf32, #tpu.memory_space<vmem>>, vector<16xf32>,
        %add3A_588 = arith.addf %squeeze3A_522, %squeeze3A_538 : f32
        %add3A_589 = arith.addf %scan3A_306, %add3A_588 : f32
        %add3A_590 = vector.broadcast %add3A_581 : f32 to vector<16xf32>
        %add3A_591 = arith.addf %add3A_559, %add3A_590 : vector<16xf32>
        %swap3A_592 = arith.constant 0 : i32
        %swap3A_593 = arith.index_cast %swap3A_592 : i32 to index
        %swap3A_594 = arith.index_cast %mul3A_324 : i32 to index
        %swap3A_595 = tpu.vector_load %arg6[%swap3A_593, %swap3A_594] {strides = array<i32>} : memref<2x8192xf32, #tpu.memory_space<vmem>>, vector<16xf32>,
        tpu.vector_store %arg6[%swap3A_593, %swap3A_594], %add3A_591 {strides = array<i32>} : memref<2x8192xf32, #tpu.memory_space<vmem>>, vector<16xf32>,
        %add3A_596 = arith.addf %squeeze3A_524, %squeeze3A_540 : f32
        %add3A_597 = arith.addf %add3A_581, %add3A_596 : f32
        %add3A_598 = vector.broadcast %add3A_589 : f32 to vector<16xf32>
        %add3A_599 = arith.addf %add3A_562, %add3A_598 : vector<16xf32>
        %swap3A_600 = arith.constant 1 : i32
        %swap3A_601 = arith.index_cast %swap3A_600 : i32 to index
        %swap3A_602 = arith.index_cast %mul3A_330 : i32 to index
        %swap3A_603 = tpu.vector_load %arg6[%swap3A_601, %swap3A_602] {strides = array<i32>} : memref<2x8192xf32, #tpu.memory_space<vmem>>, vector<16xf32>,
        tpu.vector_store %arg6[%swap3A_601, %swap3A_602], %add3A_599 {strides = array<i32>} : memref<2x8192xf32, #tpu.memory_space<vmem>>, vector<16xf32>,
        %add3A_604 = arith.addf %squeeze3A_526, %squeeze3A_542 : f32
        %add3A_605 = arith.addf %add3A_589, %add3A_604 : f32
        %add3A_606 = vector.broadcast %add3A_597 : f32 to vector<16xf32>
        %add3A_607 = arith.addf %add3A_565, %add3A_606 : vector<16xf32>
        %swap3A_608 = arith.constant 0 : i32
        %swap3A_609 = arith.index_cast %swap3A_608 : i32 to index
        %swap3A_610 = arith.index_cast %mul3A_336 : i32 to index
        %swap3A_611 = tpu.vector_load %arg6[%swap3A_609, %swap3A_610] {strides = array<i32>} : memref<2x8192xf32, #tpu.memory_space<vmem>>, vector<16xf32>,
        tpu.vector_store %arg6[%swap3A_609, %swap3A_610], %add3A_607 {strides = array<i32>} : memref<2x8192xf32, #tpu.memory_space<vmem>>, vector<16xf32>,
        %add3A_612 = arith.addf %squeeze3A_528, %squeeze3A_544 : f32
        %add3A_613 = arith.addf %add3A_597, %add3A_612 : f32
        %add3A_614 = vector.broadcast %add3A_605 : f32 to vector<16xf32>
        %add3A_615 = arith.addf %add3A_568, %add3A_614 : vector<16xf32>
        %swap3A_616 = arith.constant 1 : i32
        %swap3A_617 = arith.index_cast %swap3A_616 : i32 to index
        %swap3A_618 = arith.index_cast %mul3A_342 : i32 to index
        %swap3A_619 = tpu.vector_load %arg6[%swap3A_617, %swap3A_618] {strides = array<i32>} : memref<2x8192xf32, #tpu.memory_space<vmem>>, vector<16xf32>,
        tpu.vector_store %arg6[%swap3A_617, %swap3A_618], %add3A_615 {strides = array<i32>} : memref<2x8192xf32, #tpu.memory_space<vmem>>, vector<16xf32>,
        %add3A_620 = arith.addf %squeeze3A_530, %squeeze3A_546 : f32
        %add3A_621 = arith.addf %add3A_605, %add3A_620 : f32
        %add3A_622 = vector.broadcast %add3A_613 : f32 to vector<16xf32>
        %add3A_623 = arith.addf %add3A_571, %add3A_622 : vector<16xf32>
        %swap3A_624 = arith.constant 0 : i32
        %swap3A_625 = arith.index_cast %swap3A_624 : i32 to index
        %swap3A_626 = arith.index_cast %mul3A_348 : i32 to index
        %swap3A_627 = tpu.vector_load %arg6[%swap3A_625, %swap3A_626] {strides = array<i32>} : memref<2x8192xf32, #tpu.memory_space<vmem>>, vector<16xf32>,
        tpu.vector_store %arg6[%swap3A_625, %swap3A_626], %add3A_623 {strides = array<i32>} : memref<2x8192xf32, #tpu.memory_space<vmem>>, vector<16xf32>,
        %add3A_628 = arith.addf %squeeze3A_532, %squeeze3A_548 : f32
        %add3A_629 = arith.addf %add3A_613, %add3A_628 : f32
        %add3A_630 = vector.broadcast %add3A_621 : f32 to vector<16xf32>
        %add3A_631 = arith.addf %add3A_574, %add3A_630 : vector<16xf32>
        %swap3A_632 = arith.constant 1 : i32
        %swap3A_633 = arith.index_cast %swap3A_632 : i32 to index
        %swap3A_634 = arith.index_cast %mul3A_354 : i32 to index
        %swap3A_635 = tpu.vector_load %arg6[%swap3A_633, %swap3A_634] {strides = array<i32>} : memref<2x8192xf32, #tpu.memory_space<vmem>>, vector<16xf32>,
        tpu.vector_store %arg6[%swap3A_633, %swap3A_634], %add3A_631 {strides = array<i32>} : memref<2x8192xf32, #tpu.memory_space<vmem>>, vector<16xf32>,
        %add3A_636 = arith.addf %squeeze3A_534, %squeeze3A_550 : f32
        %add3A_637 = arith.addf %add3A_621, %add3A_636 : f32
        scf.yield %add3A_629, %add3A_637 : f32, f32
      }
      %scan3A_255 = arith.constant 128 : i32
      %mul3A_256 = arith.constant 2 : i32
      %mul3A_257 = arith.muli %add3A_225, %mul3A_256 : i32
      %add3A_258 = arith.addi %mul3A_2, %mul3A_257 : i32
      %dma_start3A_259 = arith.constant 0 : i32
      %dma_start3A_260 = tpu.memref_slice %arg4[%add3A_258, %dma_start3A_259] : memref<4096x8192xf32, #tpu.memory_space<hbm>> -> memref<2x8192xf32, #tpu.memory_space<hbm>>
      %dma_start3A_261 = arith.constant 0 : i32
      %dma_start3A_262 = tpu.memref_slice %arg4[%add3A_258, %dma_start3A_261] : memref<4096x8192xf32, #tpu.memory_space<hbm>> -> memref<2x8192xf32, #tpu.memory_space<hbm>>
      tpu.enqueue_dma source(%arg6 : memref<2x8192xf32, #tpu.memory_space<vmem>>) target(%dma_start3A_262 : memref<2x8192xf32, #tpu.memory_space<hbm>>) target_semaphore(%arg15 : memref<!tpu.dma_semaphore, #tpu.memory_space<semaphore_mem>>)
      %mul3A_263 = arith.constant 3 : i32
      %mul3A_264 = arith.muli %scan3A_181, %mul3A_263 : i32
      %add3A_265 = arith.constant 2 : i32
      %add3A_266 = arith.addi %mul3A_264, %add3A_265 : i32
      %ge3A_267 = arith.constant 2 : i32
      %ge3A_268 = arith.cmpi sge, %add3A_266, %ge3A_267 : i32
      %convert_element_type3A_269 = arith.extui %ge3A_268 : i1 to i32
      %cond3A_270 = arith.constant 0 : i32
      %cond3A_271 = arith.cmpi ne, %convert_element_type3A_269, %cond3A_270 : i32
      scf.if %cond3A_271 {
        %dma_wait3A_304 = arith.constant 0 : i32
        %dma_wait3A_305 = arith.constant 0 : i32
        %dma_wait3A_306 = tpu.memref_slice %arg4[%dma_wait3A_304, %dma_wait3A_305] : memref<4096x8192xf32, #tpu.memory_space<hbm>> -> memref<2x8192xf32, #tpu.memory_space<hbm>>
        %dma_wait3A_307 = arith.constant 0 : i32
        %dma_wait3A_308 = arith.constant 0 : i32
        %dma_wait3A_309 = tpu.memref_slice %arg4[%dma_wait3A_307, %dma_wait3A_308] : memref<4096x8192xf32, #tpu.memory_space<hbm>> -> memref<2x8192xf32, #tpu.memory_space<hbm>>
        tpu.wait_dma2 semaphore(%arg14 : memref<!tpu.dma_semaphore, #tpu.memory_space<semaphore_mem>>) src(%arg5 : memref<2x8192xf32, #tpu.memory_space<vmem>>) dst(%dma_wait3A_309 : memref<2x8192xf32, #tpu.memory_space<hbm>>)
      } else {
      }
      %lt3A_272 = arith.constant 63 : i32
      %lt3A_273 = arith.cmpi slt, %add3A_266, %lt3A_272 : i32
      %convert_element_type3A_274 = arith.extui %lt3A_273 : i1 to i32
      %cond3A_275 = arith.constant 0 : i32
      %cond3A_276 = arith.cmpi ne, %convert_element_type3A_274, %cond3A_275 : i32
      scf.if %cond3A_276 {
        %add3A_304 = arith.constant 1 : i32
        %add3A_305 = arith.addi %add3A_266, %add3A_304 : i32
        %mul3A_306 = arith.constant 2 : i32
        %mul3A_307 = arith.muli %add3A_305, %mul3A_306 : i32
        %add3A_308 = arith.addi %mul3A_2, %mul3A_307 : i32
        %dma_start3A_309 = arith.constant 0 : i32
        %dma_start3A_310 = tpu.memref_slice %arg2[%add3A_308, %dma_start3A_309] : memref<4096x8192xf32, #tpu.memory_space<hbm>> -> memref<2x8192xf32, #tpu.memory_space<hbm>>
        %dma_start3A_311 = arith.constant 0 : i32
        %dma_start3A_312 = tpu.memref_slice %arg2[%add3A_308, %dma_start3A_311] : memref<4096x8192xf32, #tpu.memory_space<hbm>> -> memref<2x8192xf32, #tpu.memory_space<hbm>>
        tpu.enqueue_dma source(%dma_start3A_312 : memref<2x8192xf32, #tpu.memory_space<hbm>>) target(%arg5 : memref<2x8192xf32, #tpu.memory_space<vmem>>) target_semaphore(%arg11 : memref<!tpu.dma_semaphore, #tpu.memory_space<semaphore_mem>>)
        %dma_start3A_313 = arith.constant 0 : i32
        %dma_start3A_314 = tpu.memref_slice %arg3[%add3A_308, %dma_start3A_313] : memref<4096x8192xf32, #tpu.memory_space<hbm>> -> memref<2x8192xf32, #tpu.memory_space<hbm>>
        %dma_start3A_315 = arith.constant 0 : i32
        %dma_start3A_316 = tpu.memref_slice %arg3[%add3A_308, %dma_start3A_315] : memref<4096x8192xf32, #tpu.memory_space<hbm>> -> memref<2x8192xf32, #tpu.memory_space<hbm>>
        tpu.enqueue_dma source(%dma_start3A_316 : memref<2x8192xf32, #tpu.memory_space<hbm>>) target(%arg8 : memref<2x8192xf32, #tpu.memory_space<vmem>>) target_semaphore(%arg11 : memref<!tpu.dma_semaphore, #tpu.memory_space<semaphore_mem>>)
      } else {
      }
      %dma_wait3A_277 = arith.constant 0 : i32
      %dma_wait3A_278 = arith.constant 0 : i32
      %dma_wait3A_279 = tpu.memref_slice %arg2[%dma_wait3A_277, %dma_wait3A_278] : memref<4096x8192xf32, #tpu.memory_space<hbm>> -> memref<2x8192xf32, #tpu.memory_space<hbm>>
      %dma_wait3A_280 = arith.constant 0 : i32
      %dma_wait3A_281 = arith.constant 0 : i32
      %dma_wait3A_282 = tpu.memref_slice %arg2[%dma_wait3A_280, %dma_wait3A_281] : memref<4096x8192xf32, #tpu.memory_space<hbm>> -> memref<2x8192xf32, #tpu.memory_space<hbm>>
      tpu.wait_dma2 semaphore(%arg13 : memref<!tpu.dma_semaphore, #tpu.memory_space<semaphore_mem>>) src(%dma_wait3A_282 : memref<2x8192xf32, #tpu.memory_space<hbm>>) dst(%arg7 : memref<2x8192xf32, #tpu.memory_space<vmem>>)
      %dma_wait3A_283 = arith.constant 0 : i32
      %dma_wait3A_284 = arith.constant 0 : i32
      %dma_wait3A_285 = tpu.memref_slice %arg3[%dma_wait3A_283, %dma_wait3A_284] : memref<4096x8192xf32, #tpu.memory_space<hbm>> -> memref<2x8192xf32, #tpu.memory_space<hbm>>
      %dma_wait3A_286 = arith.constant 0 : i32
      %dma_wait3A_287 = arith.constant 0 : i32
      %dma_wait3A_288 = tpu.memref_slice %arg3[%dma_wait3A_286, %dma_wait3A_287] : memref<4096x8192xf32, #tpu.memory_space<hbm>> -> memref<2x8192xf32, #tpu.memory_space<hbm>>
      tpu.wait_dma2 semaphore(%arg13 : memref<!tpu.dma_semaphore, #tpu.memory_space<semaphore_mem>>) src(%dma_wait3A_288 : memref<2x8192xf32, #tpu.memory_space<hbm>>) dst(%arg10 : memref<2x8192xf32, #tpu.memory_space<vmem>>)
      %scan3A_289 = arith.constant 0.000000e+00 : f32
      %scan3A_290 = arith.constant 0.000000e+00 : f32
      %scan3A_291 = arith.constant 0 : i32
      %scan3A_292 = arith.constant 128 : i32
      %scan3A_293 = arith.addi %scan3A_291, %scan3A_292 : i32
      %scan3A_294 = arith.constant 1 : i32
      %scan3A_295:2 = scf.for %scan3A_304 = %scan3A_291 to %scan3A_293 step %scan3A_294 iter_args(%scan3A_305 = %scan3A_289, %scan3A_306 = %scan3A_290) -> (f32, f32)  : i32 {
        %mul3A_307 = arith.constant 4 : i32
        %mul3A_308 = arith.muli %scan3A_304, %mul3A_307 : i32
        %add3A_309 = arith.constant 0 : i32
        %add3A_310 = arith.addi %mul3A_308, %add3A_309 : i32
        %mul3A_311 = arith.constant 16 : i32
        %mul3A_312 = arith.muli %add3A_310, %mul3A_311 : i32
        %mul3A_313 = arith.constant 4 : i32
        %mul3A_314 = arith.muli %scan3A_304, %mul3A_313 : i32
        %add3A_315 = arith.constant 0 : i32
        %add3A_316 = arith.addi %mul3A_314, %add3A_315 : i32
        %mul3A_317 = arith.constant 16 : i32
        %mul3A_318 = arith.muli %add3A_316, %mul3A_317 : i32
        %mul3A_319 = arith.constant 4 : i32
        %mul3A_320 = arith.muli %scan3A_304, %mul3A_319 : i32
        %add3A_321 = arith.constant 1 : i32
        %add3A_322 = arith.addi %mul3A_320, %add3A_321 : i32
        %mul3A_323 = arith.constant 16 : i32
        %mul3A_324 = arith.muli %add3A_322, %mul3A_323 : i32
        %mul3A_325 = arith.constant 4 : i32
        %mul3A_326 = arith.muli %scan3A_304, %mul3A_325 : i32
        %add3A_327 = arith.constant 1 : i32
        %add3A_328 = arith.addi %mul3A_326, %add3A_327 : i32
        %mul3A_329 = arith.constant 16 : i32
        %mul3A_330 = arith.muli %add3A_328, %mul3A_329 : i32
        %mul3A_331 = arith.constant 4 : i32
        %mul3A_332 = arith.muli %scan3A_304, %mul3A_331 : i32
        %add3A_333 = arith.constant 2 : i32
        %add3A_334 = arith.addi %mul3A_332, %add3A_333 : i32
        %mul3A_335 = arith.constant 16 : i32
        %mul3A_336 = arith.muli %add3A_334, %mul3A_335 : i32
        %mul3A_337 = arith.constant 4 : i32
        %mul3A_338 = arith.muli %scan3A_304, %mul3A_337 : i32
        %add3A_339 = arith.constant 2 : i32
        %add3A_340 = arith.addi %mul3A_338, %add3A_339 : i32
        %mul3A_341 = arith.constant 16 : i32
        %mul3A_342 = arith.muli %add3A_340, %mul3A_341 : i32
        %mul3A_343 = arith.constant 4 : i32
        %mul3A_344 = arith.muli %scan3A_304, %mul3A_343 : i32
        %add3A_345 = arith.constant 3 : i32
        %add3A_346 = arith.addi %mul3A_344, %add3A_345 : i32
        %mul3A_347 = arith.constant 16 : i32
        %mul3A_348 = arith.muli %add3A_346, %mul3A_347 : i32
        %mul3A_349 = arith.constant 4 : i32
        %mul3A_350 = arith.muli %scan3A_304, %mul3A_349 : i32
        %add3A_351 = arith.constant 3 : i32
        %add3A_352 = arith.addi %mul3A_350, %add3A_351 : i32
        %mul3A_353 = arith.constant 16 : i32
        %mul3A_354 = arith.muli %add3A_352, %mul3A_353 : i32
        %get3A = arith.constant 0 : i32
        %get3A_355 = arith.index_cast %get3A : i32 to index
        %get3A_356 = arith.index_cast %mul3A_312 : i32 to index
        %get3A_357 = tpu.vector_load %arg7[%get3A_355, %get3A_356] {strides = array<i32>} : memref<2x8192xf32, #tpu.memory_space<vmem>>, vector<16xf32>,
        %get3A_358 = arith.constant 0 : i32
        %get3A_359 = arith.index_cast %get3A_358 : i32 to index
        %get3A_360 = arith.index_cast %mul3A_312 : i32 to index
        %get3A_361 = tpu.vector_load %arg10[%get3A_359, %get3A_360] {strides = array<i32>} : memref<2x8192xf32, #tpu.memory_space<vmem>>, vector<16xf32>,
        %mul3A_362 = arith.mulf %get3A_357, %get3A_361 : vector<16xf32>
        %get3A_363 = arith.constant 1 : i32
        %get3A_364 = arith.index_cast %get3A_363 : i32 to index
        %get3A_365 = arith.index_cast %mul3A_318 : i32 to index
        %get3A_366 = tpu.vector_load %arg7[%get3A_364, %get3A_365] {strides = array<i32>} : memref<2x8192xf32, #tpu.memory_space<vmem>>, vector<16xf32>,
        %get3A_367 = arith.constant 1 : i32
        %get3A_368 = arith.index_cast %get3A_367 : i32 to index
        %get3A_369 = arith.index_cast %mul3A_318 : i32 to index
        %get3A_370 = tpu.vector_load %arg10[%get3A_368, %get3A_369] {strides = array<i32>} : memref<2x8192xf32, #tpu.memory_space<vmem>>, vector<16xf32>,
        %mul3A_371 = arith.mulf %get3A_366, %get3A_370 : vector<16xf32>
        %get3A_372 = arith.constant 0 : i32
        %get3A_373 = arith.index_cast %get3A_372 : i32 to index
        %get3A_374 = arith.index_cast %mul3A_324 : i32 to index
        %get3A_375 = tpu.vector_load %arg7[%get3A_373, %get3A_374] {strides = array<i32>} : memref<2x8192xf32, #tpu.memory_space<vmem>>, vector<16xf32>,
        %get3A_376 = arith.constant 0 : i32
        %get3A_377 = arith.index_cast %get3A_376 : i32 to index
        %get3A_378 = arith.index_cast %mul3A_324 : i32 to index
        %get3A_379 = tpu.vector_load %arg10[%get3A_377, %get3A_378] {strides = array<i32>} : memref<2x8192xf32, #tpu.memory_space<vmem>>, vector<16xf32>,
        %mul3A_380 = arith.mulf %get3A_375, %get3A_379 : vector<16xf32>
        %get3A_381 = arith.constant 1 : i32
        %get3A_382 = arith.index_cast %get3A_381 : i32 to index
        %get3A_383 = arith.index_cast %mul3A_330 : i32 to index
        %get3A_384 = tpu.vector_load %arg7[%get3A_382, %get3A_383] {strides = array<i32>} : memref<2x8192xf32, #tpu.memory_space<vmem>>, vector<16xf32>,
        %get3A_385 = arith.constant 1 : i32
        %get3A_386 = arith.index_cast %get3A_385 : i32 to index
        %get3A_387 = arith.index_cast %mul3A_330 : i32 to index
        %get3A_388 = tpu.vector_load %arg10[%get3A_386, %get3A_387] {strides = array<i32>} : memref<2x8192xf32, #tpu.memory_space<vmem>>, vector<16xf32>,
        %mul3A_389 = arith.mulf %get3A_384, %get3A_388 : vector<16xf32>
        %get3A_390 = arith.constant 0 : i32
        %get3A_391 = arith.index_cast %get3A_390 : i32 to index
        %get3A_392 = arith.index_cast %mul3A_336 : i32 to index
        %get3A_393 = tpu.vector_load %arg7[%get3A_391, %get3A_392] {strides = array<i32>} : memref<2x8192xf32, #tpu.memory_space<vmem>>, vector<16xf32>,
        %get3A_394 = arith.constant 0 : i32
        %get3A_395 = arith.index_cast %get3A_394 : i32 to index
        %get3A_396 = arith.index_cast %mul3A_336 : i32 to index
        %get3A_397 = tpu.vector_load %arg10[%get3A_395, %get3A_396] {strides = array<i32>} : memref<2x8192xf32, #tpu.memory_space<vmem>>, vector<16xf32>,
        %mul3A_398 = arith.mulf %get3A_393, %get3A_397 : vector<16xf32>
        %get3A_399 = arith.constant 1 : i32
        %get3A_400 = arith.index_cast %get3A_399 : i32 to index
        %get3A_401 = arith.index_cast %mul3A_342 : i32 to index
        %get3A_402 = tpu.vector_load %arg7[%get3A_400, %get3A_401] {strides = array<i32>} : memref<2x8192xf32, #tpu.memory_space<vmem>>, vector<16xf32>,
        %get3A_403 = arith.constant 1 : i32
        %get3A_404 = arith.index_cast %get3A_403 : i32 to index
        %get3A_405 = arith.index_cast %mul3A_342 : i32 to index
        %get3A_406 = tpu.vector_load %arg10[%get3A_404, %get3A_405] {strides = array<i32>} : memref<2x8192xf32, #tpu.memory_space<vmem>>, vector<16xf32>,
        %mul3A_407 = arith.mulf %get3A_402, %get3A_406 : vector<16xf32>
        %get3A_408 = arith.constant 0 : i32
        %get3A_409 = arith.index_cast %get3A_408 : i32 to index
        %get3A_410 = arith.index_cast %mul3A_348 : i32 to index
        %get3A_411 = tpu.vector_load %arg7[%get3A_409, %get3A_410] {strides = array<i32>} : memref<2x8192xf32, #tpu.memory_space<vmem>>, vector<16xf32>,
        %get3A_412 = arith.constant 0 : i32
        %get3A_413 = arith.index_cast %get3A_412 : i32 to index
        %get3A_414 = arith.index_cast %mul3A_348 : i32 to index
        %get3A_415 = tpu.vector_load %arg10[%get3A_413, %get3A_414] {strides = array<i32>} : memref<2x8192xf32, #tpu.memory_space<vmem>>, vector<16xf32>,
        %mul3A_416 = arith.mulf %get3A_411, %get3A_415 : vector<16xf32>
        %get3A_417 = arith.constant 1 : i32
        %get3A_418 = arith.index_cast %get3A_417 : i32 to index
        %get3A_419 = arith.index_cast %mul3A_354 : i32 to index
        %get3A_420 = tpu.vector_load %arg7[%get3A_418, %get3A_419] {strides = array<i32>} : memref<2x8192xf32, #tpu.memory_space<vmem>>, vector<16xf32>,
        %get3A_421 = arith.constant 1 : i32
        %get3A_422 = arith.index_cast %get3A_421 : i32 to index
        %get3A_423 = arith.index_cast %mul3A_354 : i32 to index
        %get3A_424 = tpu.vector_load %arg10[%get3A_422, %get3A_423] {strides = array<i32>} : memref<2x8192xf32, #tpu.memory_space<vmem>>, vector<16xf32>,
        %mul3A_425 = arith.mulf %get3A_420, %get3A_424 : vector<16xf32>
        %gather3A = vector.shape_cast %reshape3A : vector<16x1xi32> to vector<16xi32>
        %gather3A_426 = tpu.dynamic_gather %mul3A_362[%gather3A] in [0] : vector<16xf32>, vector<16xi32> -> vector<16xf32>
        %gather3A_427 = vector.shape_cast %reshape3A : vector<16x1xi32> to vector<16xi32>
        %gather3A_428 = tpu.dynamic_gather %mul3A_371[%gather3A_427] in [0] : vector<16xf32>, vector<16xi32> -> vector<16xf32>
        %gather3A_429 = vector.shape_cast %reshape3A : vector<16x1xi32> to vector<16xi32>
        %gather3A_430 = tpu.dynamic_gather %mul3A_380[%gather3A_429] in [0] : vector<16xf32>, vector<16xi32> -> vector<16xf32>
        %gather3A_431 = vector.shape_cast %reshape3A : vector<16x1xi32> to vector<16xi32>
        %gather3A_432 = tpu.dynamic_gather %mul3A_389[%gather3A_431] in [0] : vector<16xf32>, vector<16xi32> -> vector<16xf32>
        %gather3A_433 = vector.shape_cast %reshape3A : vector<16x1xi32> to vector<16xi32>
        %gather3A_434 = tpu.dynamic_gather %mul3A_398[%gather3A_433] in [0] : vector<16xf32>, vector<16xi32> -> vector<16xf32>
        %gather3A_435 = vector.shape_cast %reshape3A : vector<16x1xi32> to vector<16xi32>
        %gather3A_436 = tpu.dynamic_gather %mul3A_407[%gather3A_435] in [0] : vector<16xf32>, vector<16xi32> -> vector<16xf32>
        %gather3A_437 = vector.shape_cast %reshape3A : vector<16x1xi32> to vector<16xi32>
        %gather3A_438 = tpu.dynamic_gather %mul3A_416[%gather3A_437] in [0] : vector<16xf32>, vector<16xi32> -> vector<16xf32>
        %gather3A_439 = vector.shape_cast %reshape3A : vector<16x1xi32> to vector<16xi32>
        %gather3A_440 = tpu.dynamic_gather %mul3A_425[%gather3A_439] in [0] : vector<16xf32>, vector<16xi32> -> vector<16xf32>
        %mul3A_441 = arith.mulf %gather3A_426, %convert_element_type3A_64 : vector<16xf32>
        %mul3A_442 = arith.mulf %gather3A_428, %convert_element_type3A_64 : vector<16xf32>
        %mul3A_443 = arith.mulf %gather3A_430, %convert_element_type3A_64 : vector<16xf32>
        %mul3A_444 = arith.mulf %gather3A_432, %convert_element_type3A_64 : vector<16xf32>
        %mul3A_445 = arith.mulf %gather3A_434, %convert_element_type3A_64 : vector<16xf32>
        %mul3A_446 = arith.mulf %gather3A_436, %convert_element_type3A_64 : vector<16xf32>
        %mul3A_447 = arith.mulf %gather3A_438, %convert_element_type3A_64 : vector<16xf32>
        %mul3A_448 = arith.mulf %gather3A_440, %convert_element_type3A_64 : vector<16xf32>
        %add3A_449 = arith.addf %mul3A_362, %mul3A_441 : vector<16xf32>
        %add3A_450 = arith.addf %mul3A_371, %mul3A_442 : vector<16xf32>
        %add3A_451 = arith.addf %mul3A_380, %mul3A_443 : vector<16xf32>
        %add3A_452 = arith.addf %mul3A_389, %mul3A_444 : vector<16xf32>
        %add3A_453 = arith.addf %mul3A_398, %mul3A_445 : vector<16xf32>
        %add3A_454 = arith.addf %mul3A_407, %mul3A_446 : vector<16xf32>
        %add3A_455 = arith.addf %mul3A_416, %mul3A_447 : vector<16xf32>
        %add3A_456 = arith.addf %mul3A_425, %mul3A_448 : vector<16xf32>
        %gather3A_457 = vector.shape_cast %reshape3A_36 : vector<16x1xi32> to vector<16xi32>
        %gather3A_458 = tpu.dynamic_gather %add3A_449[%gather3A_457] in [0] : vector<16xf32>, vector<16xi32> -> vector<16xf32>
        %gather3A_459 = vector.shape_cast %reshape3A_36 : vector<16x1xi32> to vector<16xi32>
        %gather3A_460 = tpu.dynamic_gather %add3A_450[%gather3A_459] in [0] : vector<16xf32>, vector<16xi32> -> vector<16xf32>
        %gather3A_461 = vector.shape_cast %reshape3A_36 : vector<16x1xi32> to vector<16xi32>
        %gather3A_462 = tpu.dynamic_gather %add3A_451[%gather3A_461] in [0] : vector<16xf32>, vector<16xi32> -> vector<16xf32>
        %gather3A_463 = vector.shape_cast %reshape3A_36 : vector<16x1xi32> to vector<16xi32>
        %gather3A_464 = tpu.dynamic_gather %add3A_452[%gather3A_463] in [0] : vector<16xf32>, vector<16xi32> -> vector<16xf32>
        %gather3A_465 = vector.shape_cast %reshape3A_36 : vector<16x1xi32> to vector<16xi32>
        %gather3A_466 = tpu.dynamic_gather %add3A_453[%gather3A_465] in [0] : vector<16xf32>, vector<16xi32> -> vector<16xf32>
        %gather3A_467 = vector.shape_cast %reshape3A_36 : vector<16x1xi32> to vector<16xi32>
        %gather3A_468 = tpu.dynamic_gather %add3A_454[%gather3A_467] in [0] : vector<16xf32>, vector<16xi32> -> vector<16xf32>
        %gather3A_469 = vector.shape_cast %reshape3A_36 : vector<16x1xi32> to vector<16xi32>
        %gather3A_470 = tpu.dynamic_gather %add3A_455[%gather3A_469] in [0] : vector<16xf32>, vector<16xi32> -> vector<16xf32>
        %gather3A_471 = vector.shape_cast %reshape3A_36 : vector<16x1xi32> to vector<16xi32>
        %gather3A_472 = tpu.dynamic_gather %add3A_456[%gather3A_471] in [0] : vector<16xf32>, vector<16xi32> -> vector<16xf32>
        %mul3A_473 = arith.mulf %gather3A_458, %convert_element_type3A_91 : vector<16xf32>
        %mul3A_474 = arith.mulf %gather3A_460, %convert_element_type3A_91 : vector<16xf32>
        %mul3A_475 = arith.mulf %gather3A_462, %convert_element_type3A_91 : vector<16xf32>
        %mul3A_476 = arith.mulf %gather3A_464, %convert_element_type3A_91 : vector<16xf32>
        %mul3A_477 = arith.mulf %gather3A_466, %convert_element_type3A_91 : vector<16xf32>
        %mul3A_478 = arith.mulf %gather3A_468, %convert_element_type3A_91 : vector<16xf32>
        %mul3A_479 = arith.mulf %gather3A_470, %convert_element_type3A_91 : vector<16xf32>
        %mul3A_480 = arith.mulf %gather3A_472, %convert_element_type3A_91 : vector<16xf32>
        %add3A_481 = arith.addf %add3A_449, %mul3A_473 : vector<16xf32>
        %add3A_482 = arith.addf %add3A_450, %mul3A_474 : vector<16xf32>
        %add3A_483 = arith.addf %add3A_451, %mul3A_475 : vector<16xf32>
        %add3A_484 = arith.addf %add3A_452, %mul3A_476 : vector<16xf32>
        %add3A_485 = arith.addf %add3A_453, %mul3A_477 : vector<16xf32>
        %add3A_486 = arith.addf %add3A_454, %mul3A_478 : vector<16xf32>
        %add3A_487 = arith.addf %add3A_455, %mul3A_479 : vector<16xf32>
        %add3A_488 = arith.addf %add3A_456, %mul3A_480 : vector<16xf32>
        %gather3A_489 = vector.shape_cast %reshape3A_41 : vector<16x1xi32> to vector<16xi32>
        %gather3A_490 = tpu.dynamic_gather %add3A_481[%gather3A_489] in [0] : vector<16xf32>, vector<16xi32> -> vector<16xf32>
        %gather3A_491 = vector.shape_cast %reshape3A_41 : vector<16x1xi32> to vector<16xi32>
        %gather3A_492 = tpu.dynamic_gather %add3A_482[%gather3A_491] in [0] : vector<16xf32>, vector<16xi32> -> vector<16xf32>
        %gather3A_493 = vector.shape_cast %reshape3A_41 : vector<16x1xi32> to vector<16xi32>
        %gather3A_494 = tpu.dynamic_gather %add3A_483[%gather3A_493] in [0] : vector<16xf32>, vector<16xi32> -> vector<16xf32>
        %gather3A_495 = vector.shape_cast %reshape3A_41 : vector<16x1xi32> to vector<16xi32>
        %gather3A_496 = tpu.dynamic_gather %add3A_484[%gather3A_495] in [0] : vector<16xf32>, vector<16xi32> -> vector<16xf32>
        %gather3A_497 = vector.shape_cast %reshape3A_41 : vector<16x1xi32> to vector<16xi32>
        %gather3A_498 = tpu.dynamic_gather %add3A_485[%gather3A_497] in [0] : vector<16xf32>, vector<16xi32> -> vector<16xf32>
        %gather3A_499 = vector.shape_cast %reshape3A_41 : vector<16x1xi32> to vector<16xi32>
        %gather3A_500 = tpu.dynamic_gather %add3A_486[%gather3A_499] in [0] : vector<16xf32>, vector<16xi32> -> vector<16xf32>
        %gather3A_501 = vector.shape_cast %reshape3A_41 : vector<16x1xi32> to vector<16xi32>
        %gather3A_502 = tpu.dynamic_gather %add3A_487[%gather3A_501] in [0] : vector<16xf32>, vector<16xi32> -> vector<16xf32>
        %gather3A_503 = vector.shape_cast %reshape3A_41 : vector<16x1xi32> to vector<16xi32>
        %gather3A_504 = tpu.dynamic_gather %add3A_488[%gather3A_503] in [0] : vector<16xf32>, vector<16xi32> -> vector<16xf32>
        %mul3A_505 = arith.mulf %gather3A_490, %convert_element_type3A_118 : vector<16xf32>
        %mul3A_506 = arith.mulf %gather3A_492, %convert_element_type3A_118 : vector<16xf32>
        %mul3A_507 = arith.mulf %gather3A_494, %convert_element_type3A_118 : vector<16xf32>
        %mul3A_508 = arith.mulf %gather3A_496, %convert_element_type3A_118 : vector<16xf32>
        %mul3A_509 = arith.mulf %gather3A_498, %convert_element_type3A_118 : vector<16xf32>
        %mul3A_510 = arith.mulf %gather3A_500, %convert_element_type3A_118 : vector<16xf32>
        %mul3A_511 = arith.mulf %gather3A_502, %convert_element_type3A_118 : vector<16xf32>
        %mul3A_512 = arith.mulf %gather3A_504, %convert_element_type3A_118 : vector<16xf32>
        %add3A_513 = arith.addf %add3A_481, %mul3A_505 : vector<16xf32>
        %add3A_514 = arith.addf %add3A_482, %mul3A_506 : vector<16xf32>
        %add3A_515 = arith.addf %add3A_483, %mul3A_507 : vector<16xf32>
        %add3A_516 = arith.addf %add3A_484, %mul3A_508 : vector<16xf32>
        %add3A_517 = arith.addf %add3A_485, %mul3A_509 : vector<16xf32>
        %add3A_518 = arith.addf %add3A_486, %mul3A_510 : vector<16xf32>
        %add3A_519 = arith.addf %add3A_487, %mul3A_511 : vector<16xf32>
        %add3A_520 = arith.addf %add3A_488, %mul3A_512 : vector<16xf32>
        %slice3A = vector.extract_strided_slice %add3A_513 {offsets = [7], sizes = [1], strides = [1]} : vector<16xf32> to vector<1xf32>
        %squeeze3A = vector.extract %slice3A[0] : f32 from vector<1xf32>
        %slice3A_521 = vector.extract_strided_slice %add3A_514 {offsets = [7], sizes = [1], strides = [1]} : vector<16xf32> to vector<1xf32>
        %squeeze3A_522 = vector.extract %slice3A_521[0] : f32 from vector<1xf32>
        %slice3A_523 = vector.extract_strided_slice %add3A_515 {offsets = [7], sizes = [1], strides = [1]} : vector<16xf32> to vector<1xf32>
        %squeeze3A_524 = vector.extract %slice3A_523[0] : f32 from vector<1xf32>
        %slice3A_525 = vector.extract_strided_slice %add3A_516 {offsets = [7], sizes = [1], strides = [1]} : vector<16xf32> to vector<1xf32>
        %squeeze3A_526 = vector.extract %slice3A_525[0] : f32 from vector<1xf32>
        %slice3A_527 = vector.extract_strided_slice %add3A_517 {offsets = [7], sizes = [1], strides = [1]} : vector<16xf32> to vector<1xf32>
        %squeeze3A_528 = vector.extract %slice3A_527[0] : f32 from vector<1xf32>
        %slice3A_529 = vector.extract_strided_slice %add3A_518 {offsets = [7], sizes = [1], strides = [1]} : vector<16xf32> to vector<1xf32>
        %squeeze3A_530 = vector.extract %slice3A_529[0] : f32 from vector<1xf32>
        %slice3A_531 = vector.extract_strided_slice %add3A_519 {offsets = [7], sizes = [1], strides = [1]} : vector<16xf32> to vector<1xf32>
        %squeeze3A_532 = vector.extract %slice3A_531[0] : f32 from vector<1xf32>
        %slice3A_533 = vector.extract_strided_slice %add3A_520 {offsets = [7], sizes = [1], strides = [1]} : vector<16xf32> to vector<1xf32>
        %squeeze3A_534 = vector.extract %slice3A_533[0] : f32 from vector<1xf32>
        %slice3A_535 = vector.extract_strided_slice %add3A_513 {offsets = [15], sizes = [1], strides = [1]} : vector<16xf32> to vector<1xf32>
        %squeeze3A_536 = vector.extract %slice3A_535[0] : f32 from vector<1xf32>
        %slice3A_537 = vector.extract_strided_slice %add3A_514 {offsets = [15], sizes = [1], strides = [1]} : vector<16xf32> to vector<1xf32>
        %squeeze3A_538 = vector.extract %slice3A_537[0] : f32 from vector<1xf32>
        %slice3A_539 = vector.extract_strided_slice %add3A_515 {offsets = [15], sizes = [1], strides = [1]} : vector<16xf32> to vector<1xf32>
        %squeeze3A_540 = vector.extract %slice3A_539[0] : f32 from vector<1xf32>
        %slice3A_541 = vector.extract_strided_slice %add3A_516 {offsets = [15], sizes = [1], strides = [1]} : vector<16xf32> to vector<1xf32>
        %squeeze3A_542 = vector.extract %slice3A_541[0] : f32 from vector<1xf32>
        %slice3A_543 = vector.extract_strided_slice %add3A_517 {offsets = [15], sizes = [1], strides = [1]} : vector<16xf32> to vector<1xf32>
        %squeeze3A_544 = vector.extract %slice3A_543[0] : f32 from vector<1xf32>
        %slice3A_545 = vector.extract_strided_slice %add3A_518 {offsets = [15], sizes = [1], strides = [1]} : vector<16xf32> to vector<1xf32>
        %squeeze3A_546 = vector.extract %slice3A_545[0] : f32 from vector<1xf32>
        %slice3A_547 = vector.extract_strided_slice %add3A_519 {offsets = [15], sizes = [1], strides = [1]} : vector<16xf32> to vector<1xf32>
        %squeeze3A_548 = vector.extract %slice3A_547[0] : f32 from vector<1xf32>
        %slice3A_549 = vector.extract_strided_slice %add3A_520 {offsets = [15], sizes = [1], strides = [1]} : vector<16xf32> to vector<1xf32>
        %squeeze3A_550 = vector.extract %slice3A_549[0] : f32 from vector<1xf32>
        %mul3A_551 = vector.broadcast %squeeze3A : f32 to vector<16xf32>
        %mul3A_552 = arith.mulf %mul3A_551, %convert_element_type3A_123 : vector<16xf32>
        %add3A_553 = arith.addf %add3A_513, %mul3A_552 : vector<16xf32>
        %mul3A_554 = vector.broadcast %squeeze3A_522 : f32 to vector<16xf32>
        %mul3A_555 = arith.mulf %mul3A_554, %convert_element_type3A_123 : vector<16xf32>
        %add3A_556 = arith.addf %add3A_514, %mul3A_555 : vector<16xf32>
        %mul3A_557 = vector.broadcast %squeeze3A_524 : f32 to vector<16xf32>
        %mul3A_558 = arith.mulf %mul3A_557, %convert_element_type3A_123 : vector<16xf32>
        %add3A_559 = arith.addf %add3A_515, %mul3A_558 : vector<16xf32>
        %mul3A_560 = vector.broadcast %squeeze3A_526 : f32 to vector<16xf32>
        %mul3A_561 = arith.mulf %mul3A_560, %convert_element_type3A_123 : vector<16xf32>
        %add3A_562 = arith.addf %add3A_516, %mul3A_561 : vector<16xf32>
        %mul3A_563 = vector.broadcast %squeeze3A_528 : f32 to vector<16xf32>
        %mul3A_564 = arith.mulf %mul3A_563, %convert_element_type3A_123 : vector<16xf32>
        %add3A_565 = arith.addf %add3A_517, %mul3A_564 : vector<16xf32>
        %mul3A_566 = vector.broadcast %squeeze3A_530 : f32 to vector<16xf32>
        %mul3A_567 = arith.mulf %mul3A_566, %convert_element_type3A_123 : vector<16xf32>
        %add3A_568 = arith.addf %add3A_518, %mul3A_567 : vector<16xf32>
        %mul3A_569 = vector.broadcast %squeeze3A_532 : f32 to vector<16xf32>
        %mul3A_570 = arith.mulf %mul3A_569, %convert_element_type3A_123 : vector<16xf32>
        %add3A_571 = arith.addf %add3A_519, %mul3A_570 : vector<16xf32>
        %mul3A_572 = vector.broadcast %squeeze3A_534 : f32 to vector<16xf32>
        %mul3A_573 = arith.mulf %mul3A_572, %convert_element_type3A_123 : vector<16xf32>
        %add3A_574 = arith.addf %add3A_520, %mul3A_573 : vector<16xf32>
        %add3A_575 = vector.broadcast %scan3A_305 : f32 to vector<16xf32>
        %add3A_576 = arith.addf %add3A_553, %add3A_575 : vector<16xf32>
        %swap3A = arith.constant 0 : i32
        %swap3A_577 = arith.index_cast %swap3A : i32 to index
        %swap3A_578 = arith.index_cast %mul3A_312 : i32 to index
        %swap3A_579 = tpu.vector_load %arg7[%swap3A_577, %swap3A_578] {strides = array<i32>} : memref<2x8192xf32, #tpu.memory_space<vmem>>, vector<16xf32>,
        tpu.vector_store %arg7[%swap3A_577, %swap3A_578], %add3A_576 {strides = array<i32>} : memref<2x8192xf32, #tpu.memory_space<vmem>>, vector<16xf32>,
        %add3A_580 = arith.addf %squeeze3A, %squeeze3A_536 : f32
        %add3A_581 = arith.addf %scan3A_305, %add3A_580 : f32
        %add3A_582 = vector.broadcast %scan3A_306 : f32 to vector<16xf32>
        %add3A_583 = arith.addf %add3A_556, %add3A_582 : vector<16xf32>
        %swap3A_584 = arith.constant 1 : i32
        %swap3A_585 = arith.index_cast %swap3A_584 : i32 to index
        %swap3A_586 = arith.index_cast %mul3A_318 : i32 to index
        %swap3A_587 = tpu.vector_load %arg7[%swap3A_585, %swap3A_586] {strides = array<i32>} : memref<2x8192xf32, #tpu.memory_space<vmem>>, vector<16xf32>,
        tpu.vector_store %arg7[%swap3A_585, %swap3A_586], %add3A_583 {strides = array<i32>} : memref<2x8192xf32, #tpu.memory_space<vmem>>, vector<16xf32>,
        %add3A_588 = arith.addf %squeeze3A_522, %squeeze3A_538 : f32
        %add3A_589 = arith.addf %scan3A_306, %add3A_588 : f32
        %add3A_590 = vector.broadcast %add3A_581 : f32 to vector<16xf32>
        %add3A_591 = arith.addf %add3A_559, %add3A_590 : vector<16xf32>
        %swap3A_592 = arith.constant 0 : i32
        %swap3A_593 = arith.index_cast %swap3A_592 : i32 to index
        %swap3A_594 = arith.index_cast %mul3A_324 : i32 to index
        %swap3A_595 = tpu.vector_load %arg7[%swap3A_593, %swap3A_594] {strides = array<i32>} : memref<2x8192xf32, #tpu.memory_space<vmem>>, vector<16xf32>,
        tpu.vector_store %arg7[%swap3A_593, %swap3A_594], %add3A_591 {strides = array<i32>} : memref<2x8192xf32, #tpu.memory_space<vmem>>, vector<16xf32>,
        %add3A_596 = arith.addf %squeeze3A_524, %squeeze3A_540 : f32
        %add3A_597 = arith.addf %add3A_581, %add3A_596 : f32
        %add3A_598 = vector.broadcast %add3A_589 : f32 to vector<16xf32>
        %add3A_599 = arith.addf %add3A_562, %add3A_598 : vector<16xf32>
        %swap3A_600 = arith.constant 1 : i32
        %swap3A_601 = arith.index_cast %swap3A_600 : i32 to index
        %swap3A_602 = arith.index_cast %mul3A_330 : i32 to index
        %swap3A_603 = tpu.vector_load %arg7[%swap3A_601, %swap3A_602] {strides = array<i32>} : memref<2x8192xf32, #tpu.memory_space<vmem>>, vector<16xf32>,
        tpu.vector_store %arg7[%swap3A_601, %swap3A_602], %add3A_599 {strides = array<i32>} : memref<2x8192xf32, #tpu.memory_space<vmem>>, vector<16xf32>,
        %add3A_604 = arith.addf %squeeze3A_526, %squeeze3A_542 : f32
        %add3A_605 = arith.addf %add3A_589, %add3A_604 : f32
        %add3A_606 = vector.broadcast %add3A_597 : f32 to vector<16xf32>
        %add3A_607 = arith.addf %add3A_565, %add3A_606 : vector<16xf32>
        %swap3A_608 = arith.constant 0 : i32
        %swap3A_609 = arith.index_cast %swap3A_608 : i32 to index
        %swap3A_610 = arith.index_cast %mul3A_336 : i32 to index
        %swap3A_611 = tpu.vector_load %arg7[%swap3A_609, %swap3A_610] {strides = array<i32>} : memref<2x8192xf32, #tpu.memory_space<vmem>>, vector<16xf32>,
        tpu.vector_store %arg7[%swap3A_609, %swap3A_610], %add3A_607 {strides = array<i32>} : memref<2x8192xf32, #tpu.memory_space<vmem>>, vector<16xf32>,
        %add3A_612 = arith.addf %squeeze3A_528, %squeeze3A_544 : f32
        %add3A_613 = arith.addf %add3A_597, %add3A_612 : f32
        %add3A_614 = vector.broadcast %add3A_605 : f32 to vector<16xf32>
        %add3A_615 = arith.addf %add3A_568, %add3A_614 : vector<16xf32>
        %swap3A_616 = arith.constant 1 : i32
        %swap3A_617 = arith.index_cast %swap3A_616 : i32 to index
        %swap3A_618 = arith.index_cast %mul3A_342 : i32 to index
        %swap3A_619 = tpu.vector_load %arg7[%swap3A_617, %swap3A_618] {strides = array<i32>} : memref<2x8192xf32, #tpu.memory_space<vmem>>, vector<16xf32>,
        tpu.vector_store %arg7[%swap3A_617, %swap3A_618], %add3A_615 {strides = array<i32>} : memref<2x8192xf32, #tpu.memory_space<vmem>>, vector<16xf32>,
        %add3A_620 = arith.addf %squeeze3A_530, %squeeze3A_546 : f32
        %add3A_621 = arith.addf %add3A_605, %add3A_620 : f32
        %add3A_622 = vector.broadcast %add3A_613 : f32 to vector<16xf32>
        %add3A_623 = arith.addf %add3A_571, %add3A_622 : vector<16xf32>
        %swap3A_624 = arith.constant 0 : i32
        %swap3A_625 = arith.index_cast %swap3A_624 : i32 to index
        %swap3A_626 = arith.index_cast %mul3A_348 : i32 to index
        %swap3A_627 = tpu.vector_load %arg7[%swap3A_625, %swap3A_626] {strides = array<i32>} : memref<2x8192xf32, #tpu.memory_space<vmem>>, vector<16xf32>,
        tpu.vector_store %arg7[%swap3A_625, %swap3A_626], %add3A_623 {strides = array<i32>} : memref<2x8192xf32, #tpu.memory_space<vmem>>, vector<16xf32>,
        %add3A_628 = arith.addf %squeeze3A_532, %squeeze3A_548 : f32
        %add3A_629 = arith.addf %add3A_613, %add3A_628 : f32
        %add3A_630 = vector.broadcast %add3A_621 : f32 to vector<16xf32>
        %add3A_631 = arith.addf %add3A_574, %add3A_630 : vector<16xf32>
        %swap3A_632 = arith.constant 1 : i32
        %swap3A_633 = arith.index_cast %swap3A_632 : i32 to index
        %swap3A_634 = arith.index_cast %mul3A_354 : i32 to index
        %swap3A_635 = tpu.vector_load %arg7[%swap3A_633, %swap3A_634] {strides = array<i32>} : memref<2x8192xf32, #tpu.memory_space<vmem>>, vector<16xf32>,
        tpu.vector_store %arg7[%swap3A_633, %swap3A_634], %add3A_631 {strides = array<i32>} : memref<2x8192xf32, #tpu.memory_space<vmem>>, vector<16xf32>,
        %add3A_636 = arith.addf %squeeze3A_534, %squeeze3A_550 : f32
        %add3A_637 = arith.addf %add3A_621, %add3A_636 : f32
        scf.yield %add3A_629, %add3A_637 : f32, f32
      }
      %scan3A_296 = arith.constant 128 : i32
      %mul3A_297 = arith.constant 2 : i32
      %mul3A_298 = arith.muli %add3A_266, %mul3A_297 : i32
      %add3A_299 = arith.addi %mul3A_2, %mul3A_298 : i32
      %dma_start3A_300 = arith.constant 0 : i32
      %dma_start3A_301 = tpu.memref_slice %arg4[%add3A_299, %dma_start3A_300] : memref<4096x8192xf32, #tpu.memory_space<hbm>> -> memref<2x8192xf32, #tpu.memory_space<hbm>>
      %dma_start3A_302 = arith.constant 0 : i32
      %dma_start3A_303 = tpu.memref_slice %arg4[%add3A_299, %dma_start3A_302] : memref<4096x8192xf32, #tpu.memory_space<hbm>> -> memref<2x8192xf32, #tpu.memory_space<hbm>>
      tpu.enqueue_dma source(%arg7 : memref<2x8192xf32, #tpu.memory_space<vmem>>) target(%dma_start3A_303 : memref<2x8192xf32, #tpu.memory_space<hbm>>) target_semaphore(%arg16 : memref<!tpu.dma_semaphore, #tpu.memory_space<semaphore_mem>>)
    }
    %scan3A_137 = arith.constant 21 : i32
    %dma_wait3A = arith.constant 0 : i32
    %dma_wait3A_138 = arith.constant 0 : i32
    %dma_wait3A_139 = tpu.memref_slice %arg4[%dma_wait3A, %dma_wait3A_138] : memref<4096x8192xf32, #tpu.memory_space<hbm>> -> memref<2x8192xf32, #tpu.memory_space<hbm>>
    %dma_wait3A_140 = arith.constant 0 : i32
    %dma_wait3A_141 = arith.constant 0 : i32
    %dma_wait3A_142 = tpu.memref_slice %arg4[%dma_wait3A_140, %dma_wait3A_141] : memref<4096x8192xf32, #tpu.memory_space<hbm>> -> memref<2x8192xf32, #tpu.memory_space<hbm>>
    tpu.wait_dma2 semaphore(%arg15 : memref<!tpu.dma_semaphore, #tpu.memory_space<semaphore_mem>>) src(%arg6 : memref<2x8192xf32, #tpu.memory_space<vmem>>) dst(%dma_wait3A_142 : memref<2x8192xf32, #tpu.memory_space<hbm>>)
    %dma_wait3A_143 = arith.constant 0 : i32
    %dma_wait3A_144 = arith.constant 0 : i32
    %dma_wait3A_145 = tpu.memref_slice %arg2[%dma_wait3A_143, %dma_wait3A_144] : memref<4096x8192xf32, #tpu.memory_space<hbm>> -> memref<2x8192xf32, #tpu.memory_space<hbm>>
    %dma_wait3A_146 = arith.constant 0 : i32
    %dma_wait3A_147 = arith.constant 0 : i32
    %dma_wait3A_148 = tpu.memref_slice %arg2[%dma_wait3A_146, %dma_wait3A_147] : memref<4096x8192xf32, #tpu.memory_space<hbm>> -> memref<2x8192xf32, #tpu.memory_space<hbm>>
    tpu.wait_dma2 semaphore(%arg11 : memref<!tpu.dma_semaphore, #tpu.memory_space<semaphore_mem>>) src(%dma_wait3A_148 : memref<2x8192xf32, #tpu.memory_space<hbm>>) dst(%arg5 : memref<2x8192xf32, #tpu.memory_space<vmem>>)
    %dma_wait3A_149 = arith.constant 0 : i32
    %dma_wait3A_150 = arith.constant 0 : i32
    %dma_wait3A_151 = tpu.memref_slice %arg3[%dma_wait3A_149, %dma_wait3A_150] : memref<4096x8192xf32, #tpu.memory_space<hbm>> -> memref<2x8192xf32, #tpu.memory_space<hbm>>
    %dma_wait3A_152 = arith.constant 0 : i32
    %dma_wait3A_153 = arith.constant 0 : i32
    %dma_wait3A_154 = tpu.memref_slice %arg3[%dma_wait3A_152, %dma_wait3A_153] : memref<4096x8192xf32, #tpu.memory_space<hbm>> -> memref<2x8192xf32, #tpu.memory_space<hbm>>
    tpu.wait_dma2 semaphore(%arg11 : memref<!tpu.dma_semaphore, #tpu.memory_space<semaphore_mem>>) src(%dma_wait3A_154 : memref<2x8192xf32, #tpu.memory_space<hbm>>) dst(%arg8 : memref<2x8192xf32, #tpu.memory_space<vmem>>)
    %scan3A_155 = arith.constant 0.000000e+00 : f32
    %scan3A_156 = arith.constant 0.000000e+00 : f32
    %scan3A_157 = arith.constant 0 : i32
    %scan3A_158 = arith.constant 128 : i32
    %scan3A_159 = arith.addi %scan3A_157, %scan3A_158 : i32
    %scan3A_160 = arith.constant 1 : i32
    %scan3A_161:2 = scf.for %scan3A_181 = %scan3A_157 to %scan3A_159 step %scan3A_160 iter_args(%scan3A_182 = %scan3A_155, %scan3A_183 = %scan3A_156) -> (f32, f32)  : i32 {
      %mul3A_184 = arith.constant 4 : i32
      %mul3A_185 = arith.muli %scan3A_181, %mul3A_184 : i32
      %add3A_186 = arith.constant 0 : i32
      %add3A_187 = arith.addi %mul3A_185, %add3A_186 : i32
      %mul3A_188 = arith.constant 16 : i32
      %mul3A_189 = arith.muli %add3A_187, %mul3A_188 : i32
      %mul3A_190 = arith.constant 4 : i32
      %mul3A_191 = arith.muli %scan3A_181, %mul3A_190 : i32
      %add3A_192 = arith.constant 0 : i32
      %add3A_193 = arith.addi %mul3A_191, %add3A_192 : i32
      %mul3A_194 = arith.constant 16 : i32
      %mul3A_195 = arith.muli %add3A_193, %mul3A_194 : i32
      %mul3A_196 = arith.constant 4 : i32
      %mul3A_197 = arith.muli %scan3A_181, %mul3A_196 : i32
      %add3A_198 = arith.constant 1 : i32
      %add3A_199 = arith.addi %mul3A_197, %add3A_198 : i32
      %mul3A_200 = arith.constant 16 : i32
      %mul3A_201 = arith.muli %add3A_199, %mul3A_200 : i32
      %mul3A_202 = arith.constant 4 : i32
      %mul3A_203 = arith.muli %scan3A_181, %mul3A_202 : i32
      %add3A_204 = arith.constant 1 : i32
      %add3A_205 = arith.addi %mul3A_203, %add3A_204 : i32
      %mul3A_206 = arith.constant 16 : i32
      %mul3A_207 = arith.muli %add3A_205, %mul3A_206 : i32
      %mul3A_208 = arith.constant 4 : i32
      %mul3A_209 = arith.muli %scan3A_181, %mul3A_208 : i32
      %add3A_210 = arith.constant 2 : i32
      %add3A_211 = arith.addi %mul3A_209, %add3A_210 : i32
      %mul3A_212 = arith.constant 16 : i32
      %mul3A_213 = arith.muli %add3A_211, %mul3A_212 : i32
      %mul3A_214 = arith.constant 4 : i32
      %mul3A_215 = arith.muli %scan3A_181, %mul3A_214 : i32
      %add3A_216 = arith.constant 2 : i32
      %add3A_217 = arith.addi %mul3A_215, %add3A_216 : i32
      %mul3A_218 = arith.constant 16 : i32
      %mul3A_219 = arith.muli %add3A_217, %mul3A_218 : i32
      %mul3A_220 = arith.constant 4 : i32
      %mul3A_221 = arith.muli %scan3A_181, %mul3A_220 : i32
      %add3A_222 = arith.constant 3 : i32
      %add3A_223 = arith.addi %mul3A_221, %add3A_222 : i32
      %mul3A_224 = arith.constant 16 : i32
      %mul3A_225 = arith.muli %add3A_223, %mul3A_224 : i32
      %mul3A_226 = arith.constant 4 : i32
      %mul3A_227 = arith.muli %scan3A_181, %mul3A_226 : i32
      %add3A_228 = arith.constant 3 : i32
      %add3A_229 = arith.addi %mul3A_227, %add3A_228 : i32
      %mul3A_230 = arith.constant 16 : i32
      %mul3A_231 = arith.muli %add3A_229, %mul3A_230 : i32
      %get3A = arith.constant 0 : i32
      %get3A_232 = arith.index_cast %get3A : i32 to index
      %get3A_233 = arith.index_cast %mul3A_189 : i32 to index
      %get3A_234 = tpu.vector_load %arg5[%get3A_232, %get3A_233] {strides = array<i32>} : memref<2x8192xf32, #tpu.memory_space<vmem>>, vector<16xf32>,
      %get3A_235 = arith.constant 0 : i32
      %get3A_236 = arith.index_cast %get3A_235 : i32 to index
      %get3A_237 = arith.index_cast %mul3A_189 : i32 to index
      %get3A_238 = tpu.vector_load %arg8[%get3A_236, %get3A_237] {strides = array<i32>} : memref<2x8192xf32, #tpu.memory_space<vmem>>, vector<16xf32>,
      %mul3A_239 = arith.mulf %get3A_234, %get3A_238 : vector<16xf32>
      %get3A_240 = arith.constant 1 : i32
      %get3A_241 = arith.index_cast %get3A_240 : i32 to index
      %get3A_242 = arith.index_cast %mul3A_195 : i32 to index
      %get3A_243 = tpu.vector_load %arg5[%get3A_241, %get3A_242] {strides = array<i32>} : memref<2x8192xf32, #tpu.memory_space<vmem>>, vector<16xf32>,
      %get3A_244 = arith.constant 1 : i32
      %get3A_245 = arith.index_cast %get3A_244 : i32 to index
      %get3A_246 = arith.index_cast %mul3A_195 : i32 to index
      %get3A_247 = tpu.vector_load %arg8[%get3A_245, %get3A_246] {strides = array<i32>} : memref<2x8192xf32, #tpu.memory_space<vmem>>, vector<16xf32>,
      %mul3A_248 = arith.mulf %get3A_243, %get3A_247 : vector<16xf32>
      %get3A_249 = arith.constant 0 : i32
      %get3A_250 = arith.index_cast %get3A_249 : i32 to index
      %get3A_251 = arith.index_cast %mul3A_201 : i32 to index
      %get3A_252 = tpu.vector_load %arg5[%get3A_250, %get3A_251] {strides = array<i32>} : memref<2x8192xf32, #tpu.memory_space<vmem>>, vector<16xf32>,
      %get3A_253 = arith.constant 0 : i32
      %get3A_254 = arith.index_cast %get3A_253 : i32 to index
      %get3A_255 = arith.index_cast %mul3A_201 : i32 to index
      %get3A_256 = tpu.vector_load %arg8[%get3A_254, %get3A_255] {strides = array<i32>} : memref<2x8192xf32, #tpu.memory_space<vmem>>, vector<16xf32>,
      %mul3A_257 = arith.mulf %get3A_252, %get3A_256 : vector<16xf32>
      %get3A_258 = arith.constant 1 : i32
      %get3A_259 = arith.index_cast %get3A_258 : i32 to index
      %get3A_260 = arith.index_cast %mul3A_207 : i32 to index
      %get3A_261 = tpu.vector_load %arg5[%get3A_259, %get3A_260] {strides = array<i32>} : memref<2x8192xf32, #tpu.memory_space<vmem>>, vector<16xf32>,
      %get3A_262 = arith.constant 1 : i32
      %get3A_263 = arith.index_cast %get3A_262 : i32 to index
      %get3A_264 = arith.index_cast %mul3A_207 : i32 to index
      %get3A_265 = tpu.vector_load %arg8[%get3A_263, %get3A_264] {strides = array<i32>} : memref<2x8192xf32, #tpu.memory_space<vmem>>, vector<16xf32>,
      %mul3A_266 = arith.mulf %get3A_261, %get3A_265 : vector<16xf32>
      %get3A_267 = arith.constant 0 : i32
      %get3A_268 = arith.index_cast %get3A_267 : i32 to index
      %get3A_269 = arith.index_cast %mul3A_213 : i32 to index
      %get3A_270 = tpu.vector_load %arg5[%get3A_268, %get3A_269] {strides = array<i32>} : memref<2x8192xf32, #tpu.memory_space<vmem>>, vector<16xf32>,
      %get3A_271 = arith.constant 0 : i32
      %get3A_272 = arith.index_cast %get3A_271 : i32 to index
      %get3A_273 = arith.index_cast %mul3A_213 : i32 to index
      %get3A_274 = tpu.vector_load %arg8[%get3A_272, %get3A_273] {strides = array<i32>} : memref<2x8192xf32, #tpu.memory_space<vmem>>, vector<16xf32>,
      %mul3A_275 = arith.mulf %get3A_270, %get3A_274 : vector<16xf32>
      %get3A_276 = arith.constant 1 : i32
      %get3A_277 = arith.index_cast %get3A_276 : i32 to index
      %get3A_278 = arith.index_cast %mul3A_219 : i32 to index
      %get3A_279 = tpu.vector_load %arg5[%get3A_277, %get3A_278] {strides = array<i32>} : memref<2x8192xf32, #tpu.memory_space<vmem>>, vector<16xf32>,
      %get3A_280 = arith.constant 1 : i32
      %get3A_281 = arith.index_cast %get3A_280 : i32 to index
      %get3A_282 = arith.index_cast %mul3A_219 : i32 to index
      %get3A_283 = tpu.vector_load %arg8[%get3A_281, %get3A_282] {strides = array<i32>} : memref<2x8192xf32, #tpu.memory_space<vmem>>, vector<16xf32>,
      %mul3A_284 = arith.mulf %get3A_279, %get3A_283 : vector<16xf32>
      %get3A_285 = arith.constant 0 : i32
      %get3A_286 = arith.index_cast %get3A_285 : i32 to index
      %get3A_287 = arith.index_cast %mul3A_225 : i32 to index
      %get3A_288 = tpu.vector_load %arg5[%get3A_286, %get3A_287] {strides = array<i32>} : memref<2x8192xf32, #tpu.memory_space<vmem>>, vector<16xf32>,
      %get3A_289 = arith.constant 0 : i32
      %get3A_290 = arith.index_cast %get3A_289 : i32 to index
      %get3A_291 = arith.index_cast %mul3A_225 : i32 to index
      %get3A_292 = tpu.vector_load %arg8[%get3A_290, %get3A_291] {strides = array<i32>} : memref<2x8192xf32, #tpu.memory_space<vmem>>, vector<16xf32>,
      %mul3A_293 = arith.mulf %get3A_288, %get3A_292 : vector<16xf32>
      %get3A_294 = arith.constant 1 : i32
      %get3A_295 = arith.index_cast %get3A_294 : i32 to index
      %get3A_296 = arith.index_cast %mul3A_231 : i32 to index
      %get3A_297 = tpu.vector_load %arg5[%get3A_295, %get3A_296] {strides = array<i32>} : memref<2x8192xf32, #tpu.memory_space<vmem>>, vector<16xf32>,
      %get3A_298 = arith.constant 1 : i32
      %get3A_299 = arith.index_cast %get3A_298 : i32 to index
      %get3A_300 = arith.index_cast %mul3A_231 : i32 to index
      %get3A_301 = tpu.vector_load %arg8[%get3A_299, %get3A_300] {strides = array<i32>} : memref<2x8192xf32, #tpu.memory_space<vmem>>, vector<16xf32>,
      %mul3A_302 = arith.mulf %get3A_297, %get3A_301 : vector<16xf32>
      %gather3A = vector.shape_cast %reshape3A : vector<16x1xi32> to vector<16xi32>
      %gather3A_303 = tpu.dynamic_gather %mul3A_239[%gather3A] in [0] : vector<16xf32>, vector<16xi32> -> vector<16xf32>
      %gather3A_304 = vector.shape_cast %reshape3A : vector<16x1xi32> to vector<16xi32>
      %gather3A_305 = tpu.dynamic_gather %mul3A_248[%gather3A_304] in [0] : vector<16xf32>, vector<16xi32> -> vector<16xf32>
      %gather3A_306 = vector.shape_cast %reshape3A : vector<16x1xi32> to vector<16xi32>
      %gather3A_307 = tpu.dynamic_gather %mul3A_257[%gather3A_306] in [0] : vector<16xf32>, vector<16xi32> -> vector<16xf32>
      %gather3A_308 = vector.shape_cast %reshape3A : vector<16x1xi32> to vector<16xi32>
      %gather3A_309 = tpu.dynamic_gather %mul3A_266[%gather3A_308] in [0] : vector<16xf32>, vector<16xi32> -> vector<16xf32>
      %gather3A_310 = vector.shape_cast %reshape3A : vector<16x1xi32> to vector<16xi32>
      %gather3A_311 = tpu.dynamic_gather %mul3A_275[%gather3A_310] in [0] : vector<16xf32>, vector<16xi32> -> vector<16xf32>
      %gather3A_312 = vector.shape_cast %reshape3A : vector<16x1xi32> to vector<16xi32>
      %gather3A_313 = tpu.dynamic_gather %mul3A_284[%gather3A_312] in [0] : vector<16xf32>, vector<16xi32> -> vector<16xf32>
      %gather3A_314 = vector.shape_cast %reshape3A : vector<16x1xi32> to vector<16xi32>
      %gather3A_315 = tpu.dynamic_gather %mul3A_293[%gather3A_314] in [0] : vector<16xf32>, vector<16xi32> -> vector<16xf32>
      %gather3A_316 = vector.shape_cast %reshape3A : vector<16x1xi32> to vector<16xi32>
      %gather3A_317 = tpu.dynamic_gather %mul3A_302[%gather3A_316] in [0] : vector<16xf32>, vector<16xi32> -> vector<16xf32>
      %mul3A_318 = arith.mulf %gather3A_303, %convert_element_type3A_64 : vector<16xf32>
      %mul3A_319 = arith.mulf %gather3A_305, %convert_element_type3A_64 : vector<16xf32>
      %mul3A_320 = arith.mulf %gather3A_307, %convert_element_type3A_64 : vector<16xf32>
      %mul3A_321 = arith.mulf %gather3A_309, %convert_element_type3A_64 : vector<16xf32>
      %mul3A_322 = arith.mulf %gather3A_311, %convert_element_type3A_64 : vector<16xf32>
      %mul3A_323 = arith.mulf %gather3A_313, %convert_element_type3A_64 : vector<16xf32>
      %mul3A_324 = arith.mulf %gather3A_315, %convert_element_type3A_64 : vector<16xf32>
      %mul3A_325 = arith.mulf %gather3A_317, %convert_element_type3A_64 : vector<16xf32>
      %add3A_326 = arith.addf %mul3A_239, %mul3A_318 : vector<16xf32>
      %add3A_327 = arith.addf %mul3A_248, %mul3A_319 : vector<16xf32>
      %add3A_328 = arith.addf %mul3A_257, %mul3A_320 : vector<16xf32>
      %add3A_329 = arith.addf %mul3A_266, %mul3A_321 : vector<16xf32>
      %add3A_330 = arith.addf %mul3A_275, %mul3A_322 : vector<16xf32>
      %add3A_331 = arith.addf %mul3A_284, %mul3A_323 : vector<16xf32>
      %add3A_332 = arith.addf %mul3A_293, %mul3A_324 : vector<16xf32>
      %add3A_333 = arith.addf %mul3A_302, %mul3A_325 : vector<16xf32>
      %gather3A_334 = vector.shape_cast %reshape3A_36 : vector<16x1xi32> to vector<16xi32>
      %gather3A_335 = tpu.dynamic_gather %add3A_326[%gather3A_334] in [0] : vector<16xf32>, vector<16xi32> -> vector<16xf32>
      %gather3A_336 = vector.shape_cast %reshape3A_36 : vector<16x1xi32> to vector<16xi32>
      %gather3A_337 = tpu.dynamic_gather %add3A_327[%gather3A_336] in [0] : vector<16xf32>, vector<16xi32> -> vector<16xf32>
      %gather3A_338 = vector.shape_cast %reshape3A_36 : vector<16x1xi32> to vector<16xi32>
      %gather3A_339 = tpu.dynamic_gather %add3A_328[%gather3A_338] in [0] : vector<16xf32>, vector<16xi32> -> vector<16xf32>
      %gather3A_340 = vector.shape_cast %reshape3A_36 : vector<16x1xi32> to vector<16xi32>
      %gather3A_341 = tpu.dynamic_gather %add3A_329[%gather3A_340] in [0] : vector<16xf32>, vector<16xi32> -> vector<16xf32>
      %gather3A_342 = vector.shape_cast %reshape3A_36 : vector<16x1xi32> to vector<16xi32>
      %gather3A_343 = tpu.dynamic_gather %add3A_330[%gather3A_342] in [0] : vector<16xf32>, vector<16xi32> -> vector<16xf32>
      %gather3A_344 = vector.shape_cast %reshape3A_36 : vector<16x1xi32> to vector<16xi32>
      %gather3A_345 = tpu.dynamic_gather %add3A_331[%gather3A_344] in [0] : vector<16xf32>, vector<16xi32> -> vector<16xf32>
      %gather3A_346 = vector.shape_cast %reshape3A_36 : vector<16x1xi32> to vector<16xi32>
      %gather3A_347 = tpu.dynamic_gather %add3A_332[%gather3A_346] in [0] : vector<16xf32>, vector<16xi32> -> vector<16xf32>
      %gather3A_348 = vector.shape_cast %reshape3A_36 : vector<16x1xi32> to vector<16xi32>
      %gather3A_349 = tpu.dynamic_gather %add3A_333[%gather3A_348] in [0] : vector<16xf32>, vector<16xi32> -> vector<16xf32>
      %mul3A_350 = arith.mulf %gather3A_335, %convert_element_type3A_91 : vector<16xf32>
      %mul3A_351 = arith.mulf %gather3A_337, %convert_element_type3A_91 : vector<16xf32>
      %mul3A_352 = arith.mulf %gather3A_339, %convert_element_type3A_91 : vector<16xf32>
      %mul3A_353 = arith.mulf %gather3A_341, %convert_element_type3A_91 : vector<16xf32>
      %mul3A_354 = arith.mulf %gather3A_343, %convert_element_type3A_91 : vector<16xf32>
      %mul3A_355 = arith.mulf %gather3A_345, %convert_element_type3A_91 : vector<16xf32>
      %mul3A_356 = arith.mulf %gather3A_347, %convert_element_type3A_91 : vector<16xf32>
      %mul3A_357 = arith.mulf %gather3A_349, %convert_element_type3A_91 : vector<16xf32>
      %add3A_358 = arith.addf %add3A_326, %mul3A_350 : vector<16xf32>
      %add3A_359 = arith.addf %add3A_327, %mul3A_351 : vector<16xf32>
      %add3A_360 = arith.addf %add3A_328, %mul3A_352 : vector<16xf32>
      %add3A_361 = arith.addf %add3A_329, %mul3A_353 : vector<16xf32>
      %add3A_362 = arith.addf %add3A_330, %mul3A_354 : vector<16xf32>
      %add3A_363 = arith.addf %add3A_331, %mul3A_355 : vector<16xf32>
      %add3A_364 = arith.addf %add3A_332, %mul3A_356 : vector<16xf32>
      %add3A_365 = arith.addf %add3A_333, %mul3A_357 : vector<16xf32>
      %gather3A_366 = vector.shape_cast %reshape3A_41 : vector<16x1xi32> to vector<16xi32>
      %gather3A_367 = tpu.dynamic_gather %add3A_358[%gather3A_366] in [0] : vector<16xf32>, vector<16xi32> -> vector<16xf32>
      %gather3A_368 = vector.shape_cast %reshape3A_41 : vector<16x1xi32> to vector<16xi32>
      %gather3A_369 = tpu.dynamic_gather %add3A_359[%gather3A_368] in [0] : vector<16xf32>, vector<16xi32> -> vector<16xf32>
      %gather3A_370 = vector.shape_cast %reshape3A_41 : vector<16x1xi32> to vector<16xi32>
      %gather3A_371 = tpu.dynamic_gather %add3A_360[%gather3A_370] in [0] : vector<16xf32>, vector<16xi32> -> vector<16xf32>
      %gather3A_372 = vector.shape_cast %reshape3A_41 : vector<16x1xi32> to vector<16xi32>
      %gather3A_373 = tpu.dynamic_gather %add3A_361[%gather3A_372] in [0] : vector<16xf32>, vector<16xi32> -> vector<16xf32>
      %gather3A_374 = vector.shape_cast %reshape3A_41 : vector<16x1xi32> to vector<16xi32>
      %gather3A_375 = tpu.dynamic_gather %add3A_362[%gather3A_374] in [0] : vector<16xf32>, vector<16xi32> -> vector<16xf32>
      %gather3A_376 = vector.shape_cast %reshape3A_41 : vector<16x1xi32> to vector<16xi32>
      %gather3A_377 = tpu.dynamic_gather %add3A_363[%gather3A_376] in [0] : vector<16xf32>, vector<16xi32> -> vector<16xf32>
      %gather3A_378 = vector.shape_cast %reshape3A_41 : vector<16x1xi32> to vector<16xi32>
      %gather3A_379 = tpu.dynamic_gather %add3A_364[%gather3A_378] in [0] : vector<16xf32>, vector<16xi32> -> vector<16xf32>
      %gather3A_380 = vector.shape_cast %reshape3A_41 : vector<16x1xi32> to vector<16xi32>
      %gather3A_381 = tpu.dynamic_gather %add3A_365[%gather3A_380] in [0] : vector<16xf32>, vector<16xi32> -> vector<16xf32>
      %mul3A_382 = arith.mulf %gather3A_367, %convert_element_type3A_118 : vector<16xf32>
      %mul3A_383 = arith.mulf %gather3A_369, %convert_element_type3A_118 : vector<16xf32>
      %mul3A_384 = arith.mulf %gather3A_371, %convert_element_type3A_118 : vector<16xf32>
      %mul3A_385 = arith.mulf %gather3A_373, %convert_element_type3A_118 : vector<16xf32>
      %mul3A_386 = arith.mulf %gather3A_375, %convert_element_type3A_118 : vector<16xf32>
      %mul3A_387 = arith.mulf %gather3A_377, %convert_element_type3A_118 : vector<16xf32>
      %mul3A_388 = arith.mulf %gather3A_379, %convert_element_type3A_118 : vector<16xf32>
      %mul3A_389 = arith.mulf %gather3A_381, %convert_element_type3A_118 : vector<16xf32>
      %add3A_390 = arith.addf %add3A_358, %mul3A_382 : vector<16xf32>
      %add3A_391 = arith.addf %add3A_359, %mul3A_383 : vector<16xf32>
      %add3A_392 = arith.addf %add3A_360, %mul3A_384 : vector<16xf32>
      %add3A_393 = arith.addf %add3A_361, %mul3A_385 : vector<16xf32>
      %add3A_394 = arith.addf %add3A_362, %mul3A_386 : vector<16xf32>
      %add3A_395 = arith.addf %add3A_363, %mul3A_387 : vector<16xf32>
      %add3A_396 = arith.addf %add3A_364, %mul3A_388 : vector<16xf32>
      %add3A_397 = arith.addf %add3A_365, %mul3A_389 : vector<16xf32>
      %slice3A = vector.extract_strided_slice %add3A_390 {offsets = [7], sizes = [1], strides = [1]} : vector<16xf32> to vector<1xf32>
      %squeeze3A = vector.extract %slice3A[0] : f32 from vector<1xf32>
      %slice3A_398 = vector.extract_strided_slice %add3A_391 {offsets = [7], sizes = [1], strides = [1]} : vector<16xf32> to vector<1xf32>
      %squeeze3A_399 = vector.extract %slice3A_398[0] : f32 from vector<1xf32>
      %slice3A_400 = vector.extract_strided_slice %add3A_392 {offsets = [7], sizes = [1], strides = [1]} : vector<16xf32> to vector<1xf32>
      %squeeze3A_401 = vector.extract %slice3A_400[0] : f32 from vector<1xf32>
      %slice3A_402 = vector.extract_strided_slice %add3A_393 {offsets = [7], sizes = [1], strides = [1]} : vector<16xf32> to vector<1xf32>
      %squeeze3A_403 = vector.extract %slice3A_402[0] : f32 from vector<1xf32>
      %slice3A_404 = vector.extract_strided_slice %add3A_394 {offsets = [7], sizes = [1], strides = [1]} : vector<16xf32> to vector<1xf32>
      %squeeze3A_405 = vector.extract %slice3A_404[0] : f32 from vector<1xf32>
      %slice3A_406 = vector.extract_strided_slice %add3A_395 {offsets = [7], sizes = [1], strides = [1]} : vector<16xf32> to vector<1xf32>
      %squeeze3A_407 = vector.extract %slice3A_406[0] : f32 from vector<1xf32>
      %slice3A_408 = vector.extract_strided_slice %add3A_396 {offsets = [7], sizes = [1], strides = [1]} : vector<16xf32> to vector<1xf32>
      %squeeze3A_409 = vector.extract %slice3A_408[0] : f32 from vector<1xf32>
      %slice3A_410 = vector.extract_strided_slice %add3A_397 {offsets = [7], sizes = [1], strides = [1]} : vector<16xf32> to vector<1xf32>
      %squeeze3A_411 = vector.extract %slice3A_410[0] : f32 from vector<1xf32>
      %slice3A_412 = vector.extract_strided_slice %add3A_390 {offsets = [15], sizes = [1], strides = [1]} : vector<16xf32> to vector<1xf32>
      %squeeze3A_413 = vector.extract %slice3A_412[0] : f32 from vector<1xf32>
      %slice3A_414 = vector.extract_strided_slice %add3A_391 {offsets = [15], sizes = [1], strides = [1]} : vector<16xf32> to vector<1xf32>
      %squeeze3A_415 = vector.extract %slice3A_414[0] : f32 from vector<1xf32>
      %slice3A_416 = vector.extract_strided_slice %add3A_392 {offsets = [15], sizes = [1], strides = [1]} : vector<16xf32> to vector<1xf32>
      %squeeze3A_417 = vector.extract %slice3A_416[0] : f32 from vector<1xf32>
      %slice3A_418 = vector.extract_strided_slice %add3A_393 {offsets = [15], sizes = [1], strides = [1]} : vector<16xf32> to vector<1xf32>
      %squeeze3A_419 = vector.extract %slice3A_418[0] : f32 from vector<1xf32>
      %slice3A_420 = vector.extract_strided_slice %add3A_394 {offsets = [15], sizes = [1], strides = [1]} : vector<16xf32> to vector<1xf32>
      %squeeze3A_421 = vector.extract %slice3A_420[0] : f32 from vector<1xf32>
      %slice3A_422 = vector.extract_strided_slice %add3A_395 {offsets = [15], sizes = [1], strides = [1]} : vector<16xf32> to vector<1xf32>
      %squeeze3A_423 = vector.extract %slice3A_422[0] : f32 from vector<1xf32>
      %slice3A_424 = vector.extract_strided_slice %add3A_396 {offsets = [15], sizes = [1], strides = [1]} : vector<16xf32> to vector<1xf32>
      %squeeze3A_425 = vector.extract %slice3A_424[0] : f32 from vector<1xf32>
      %slice3A_426 = vector.extract_strided_slice %add3A_397 {offsets = [15], sizes = [1], strides = [1]} : vector<16xf32> to vector<1xf32>
      %squeeze3A_427 = vector.extract %slice3A_426[0] : f32 from vector<1xf32>
      %mul3A_428 = vector.broadcast %squeeze3A : f32 to vector<16xf32>
      %mul3A_429 = arith.mulf %mul3A_428, %convert_element_type3A_123 : vector<16xf32>
      %add3A_430 = arith.addf %add3A_390, %mul3A_429 : vector<16xf32>
      %mul3A_431 = vector.broadcast %squeeze3A_399 : f32 to vector<16xf32>
      %mul3A_432 = arith.mulf %mul3A_431, %convert_element_type3A_123 : vector<16xf32>
      %add3A_433 = arith.addf %add3A_391, %mul3A_432 : vector<16xf32>
      %mul3A_434 = vector.broadcast %squeeze3A_401 : f32 to vector<16xf32>
      %mul3A_435 = arith.mulf %mul3A_434, %convert_element_type3A_123 : vector<16xf32>
      %add3A_436 = arith.addf %add3A_392, %mul3A_435 : vector<16xf32>
      %mul3A_437 = vector.broadcast %squeeze3A_403 : f32 to vector<16xf32>
      %mul3A_438 = arith.mulf %mul3A_437, %convert_element_type3A_123 : vector<16xf32>
      %add3A_439 = arith.addf %add3A_393, %mul3A_438 : vector<16xf32>
      %mul3A_440 = vector.broadcast %squeeze3A_405 : f32 to vector<16xf32>
      %mul3A_441 = arith.mulf %mul3A_440, %convert_element_type3A_123 : vector<16xf32>
      %add3A_442 = arith.addf %add3A_394, %mul3A_441 : vector<16xf32>
      %mul3A_443 = vector.broadcast %squeeze3A_407 : f32 to vector<16xf32>
      %mul3A_444 = arith.mulf %mul3A_443, %convert_element_type3A_123 : vector<16xf32>
      %add3A_445 = arith.addf %add3A_395, %mul3A_444 : vector<16xf32>
      %mul3A_446 = vector.broadcast %squeeze3A_409 : f32 to vector<16xf32>
      %mul3A_447 = arith.mulf %mul3A_446, %convert_element_type3A_123 : vector<16xf32>
      %add3A_448 = arith.addf %add3A_396, %mul3A_447 : vector<16xf32>
      %mul3A_449 = vector.broadcast %squeeze3A_411 : f32 to vector<16xf32>
      %mul3A_450 = arith.mulf %mul3A_449, %convert_element_type3A_123 : vector<16xf32>
      %add3A_451 = arith.addf %add3A_397, %mul3A_450 : vector<16xf32>
      %add3A_452 = vector.broadcast %scan3A_182 : f32 to vector<16xf32>
      %add3A_453 = arith.addf %add3A_430, %add3A_452 : vector<16xf32>
      %swap3A = arith.constant 0 : i32
      %swap3A_454 = arith.index_cast %swap3A : i32 to index
      %swap3A_455 = arith.index_cast %mul3A_189 : i32 to index
      %swap3A_456 = tpu.vector_load %arg5[%swap3A_454, %swap3A_455] {strides = array<i32>} : memref<2x8192xf32, #tpu.memory_space<vmem>>, vector<16xf32>,
      tpu.vector_store %arg5[%swap3A_454, %swap3A_455], %add3A_453 {strides = array<i32>} : memref<2x8192xf32, #tpu.memory_space<vmem>>, vector<16xf32>,
      %add3A_457 = arith.addf %squeeze3A, %squeeze3A_413 : f32
      %add3A_458 = arith.addf %scan3A_182, %add3A_457 : f32
      %add3A_459 = vector.broadcast %scan3A_183 : f32 to vector<16xf32>
      %add3A_460 = arith.addf %add3A_433, %add3A_459 : vector<16xf32>
      %swap3A_461 = arith.constant 1 : i32
      %swap3A_462 = arith.index_cast %swap3A_461 : i32 to index
      %swap3A_463 = arith.index_cast %mul3A_195 : i32 to index
      %swap3A_464 = tpu.vector_load %arg5[%swap3A_462, %swap3A_463] {strides = array<i32>} : memref<2x8192xf32, #tpu.memory_space<vmem>>, vector<16xf32>,
      tpu.vector_store %arg5[%swap3A_462, %swap3A_463], %add3A_460 {strides = array<i32>} : memref<2x8192xf32, #tpu.memory_space<vmem>>, vector<16xf32>,
      %add3A_465 = arith.addf %squeeze3A_399, %squeeze3A_415 : f32
      %add3A_466 = arith.addf %scan3A_183, %add3A_465 : f32
      %add3A_467 = vector.broadcast %add3A_458 : f32 to vector<16xf32>
      %add3A_468 = arith.addf %add3A_436, %add3A_467 : vector<16xf32>
      %swap3A_469 = arith.constant 0 : i32
      %swap3A_470 = arith.index_cast %swap3A_469 : i32 to index
      %swap3A_471 = arith.index_cast %mul3A_201 : i32 to index
      %swap3A_472 = tpu.vector_load %arg5[%swap3A_470, %swap3A_471] {strides = array<i32>} : memref<2x8192xf32, #tpu.memory_space<vmem>>, vector<16xf32>,
      tpu.vector_store %arg5[%swap3A_470, %swap3A_471], %add3A_468 {strides = array<i32>} : memref<2x8192xf32, #tpu.memory_space<vmem>>, vector<16xf32>,
      %add3A_473 = arith.addf %squeeze3A_401, %squeeze3A_417 : f32
      %add3A_474 = arith.addf %add3A_458, %add3A_473 : f32
      %add3A_475 = vector.broadcast %add3A_466 : f32 to vector<16xf32>
      %add3A_476 = arith.addf %add3A_439, %add3A_475 : vector<16xf32>
      %swap3A_477 = arith.constant 1 : i32
      %swap3A_478 = arith.index_cast %swap3A_477 : i32 to index
      %swap3A_479 = arith.index_cast %mul3A_207 : i32 to index
      %swap3A_480 = tpu.vector_load %arg5[%swap3A_478, %swap3A_479] {strides = array<i32>} : memref<2x8192xf32, #tpu.memory_space<vmem>>, vector<16xf32>,
      tpu.vector_store %arg5[%swap3A_478, %swap3A_479], %add3A_476 {strides = array<i32>} : memref<2x8192xf32, #tpu.memory_space<vmem>>, vector<16xf32>,
      %add3A_481 = arith.addf %squeeze3A_403, %squeeze3A_419 : f32
      %add3A_482 = arith.addf %add3A_466, %add3A_481 : f32
      %add3A_483 = vector.broadcast %add3A_474 : f32 to vector<16xf32>
      %add3A_484 = arith.addf %add3A_442, %add3A_483 : vector<16xf32>
      %swap3A_485 = arith.constant 0 : i32
      %swap3A_486 = arith.index_cast %swap3A_485 : i32 to index
      %swap3A_487 = arith.index_cast %mul3A_213 : i32 to index
      %swap3A_488 = tpu.vector_load %arg5[%swap3A_486, %swap3A_487] {strides = array<i32>} : memref<2x8192xf32, #tpu.memory_space<vmem>>, vector<16xf32>,
      tpu.vector_store %arg5[%swap3A_486, %swap3A_487], %add3A_484 {strides = array<i32>} : memref<2x8192xf32, #tpu.memory_space<vmem>>, vector<16xf32>,
      %add3A_489 = arith.addf %squeeze3A_405, %squeeze3A_421 : f32
      %add3A_490 = arith.addf %add3A_474, %add3A_489 : f32
      %add3A_491 = vector.broadcast %add3A_482 : f32 to vector<16xf32>
      %add3A_492 = arith.addf %add3A_445, %add3A_491 : vector<16xf32>
      %swap3A_493 = arith.constant 1 : i32
      %swap3A_494 = arith.index_cast %swap3A_493 : i32 to index
      %swap3A_495 = arith.index_cast %mul3A_219 : i32 to index
      %swap3A_496 = tpu.vector_load %arg5[%swap3A_494, %swap3A_495] {strides = array<i32>} : memref<2x8192xf32, #tpu.memory_space<vmem>>, vector<16xf32>,
      tpu.vector_store %arg5[%swap3A_494, %swap3A_495], %add3A_492 {strides = array<i32>} : memref<2x8192xf32, #tpu.memory_space<vmem>>, vector<16xf32>,
      %add3A_497 = arith.addf %squeeze3A_407, %squeeze3A_423 : f32
      %add3A_498 = arith.addf %add3A_482, %add3A_497 : f32
      %add3A_499 = vector.broadcast %add3A_490 : f32 to vector<16xf32>
      %add3A_500 = arith.addf %add3A_448, %add3A_499 : vector<16xf32>
      %swap3A_501 = arith.constant 0 : i32
      %swap3A_502 = arith.index_cast %swap3A_501 : i32 to index
      %swap3A_503 = arith.index_cast %mul3A_225 : i32 to index
      %swap3A_504 = tpu.vector_load %arg5[%swap3A_502, %swap3A_503] {strides = array<i32>} : memref<2x8192xf32, #tpu.memory_space<vmem>>, vector<16xf32>,
      tpu.vector_store %arg5[%swap3A_502, %swap3A_503], %add3A_500 {strides = array<i32>} : memref<2x8192xf32, #tpu.memory_space<vmem>>, vector<16xf32>,
      %add3A_505 = arith.addf %squeeze3A_409, %squeeze3A_425 : f32
      %add3A_506 = arith.addf %add3A_490, %add3A_505 : f32
      %add3A_507 = vector.broadcast %add3A_498 : f32 to vector<16xf32>
      %add3A_508 = arith.addf %add3A_451, %add3A_507 : vector<16xf32>
      %swap3A_509 = arith.constant 1 : i32
      %swap3A_510 = arith.index_cast %swap3A_509 : i32 to index
      %swap3A_511 = arith.index_cast %mul3A_231 : i32 to index
      %swap3A_512 = tpu.vector_load %arg5[%swap3A_510, %swap3A_511] {strides = array<i32>} : memref<2x8192xf32, #tpu.memory_space<vmem>>, vector<16xf32>,
      tpu.vector_store %arg5[%swap3A_510, %swap3A_511], %add3A_508 {strides = array<i32>} : memref<2x8192xf32, #tpu.memory_space<vmem>>, vector<16xf32>,
      %add3A_513 = arith.addf %squeeze3A_411, %squeeze3A_427 : f32
      %add3A_514 = arith.addf %add3A_498, %add3A_513 : f32
      scf.yield %add3A_506, %add3A_514 : f32, f32
    }
    %scan3A_162 = arith.constant 128 : i32
    %add3A_163 = arith.constant 126 : i32
    %add3A_164 = arith.addi %mul3A_2, %add3A_163 : i32
    %dma_start3A_165 = arith.constant 0 : i32
    %dma_start3A_166 = tpu.memref_slice %arg4[%add3A_164, %dma_start3A_165] : memref<4096x8192xf32, #tpu.memory_space<hbm>> -> memref<2x8192xf32, #tpu.memory_space<hbm>>
    %dma_start3A_167 = arith.constant 0 : i32
    %dma_start3A_168 = tpu.memref_slice %arg4[%add3A_164, %dma_start3A_167] : memref<4096x8192xf32, #tpu.memory_space<hbm>> -> memref<2x8192xf32, #tpu.memory_space<hbm>>
    tpu.enqueue_dma source(%arg5 : memref<2x8192xf32, #tpu.memory_space<vmem>>) target(%dma_start3A_168 : memref<2x8192xf32, #tpu.memory_space<hbm>>) target_semaphore(%arg14 : memref<!tpu.dma_semaphore, #tpu.memory_space<semaphore_mem>>)
    %dma_wait3A_169 = arith.constant 0 : i32
    %dma_wait3A_170 = arith.constant 0 : i32
    %dma_wait3A_171 = tpu.memref_slice %arg4[%dma_wait3A_169, %dma_wait3A_170] : memref<4096x8192xf32, #tpu.memory_space<hbm>> -> memref<2x8192xf32, #tpu.memory_space<hbm>>
    %dma_wait3A_172 = arith.constant 0 : i32
    %dma_wait3A_173 = arith.constant 0 : i32
    %dma_wait3A_174 = tpu.memref_slice %arg4[%dma_wait3A_172, %dma_wait3A_173] : memref<4096x8192xf32, #tpu.memory_space<hbm>> -> memref<2x8192xf32, #tpu.memory_space<hbm>>
    tpu.wait_dma2 semaphore(%arg16 : memref<!tpu.dma_semaphore, #tpu.memory_space<semaphore_mem>>) src(%arg7 : memref<2x8192xf32, #tpu.memory_space<vmem>>) dst(%dma_wait3A_174 : memref<2x8192xf32, #tpu.memory_space<hbm>>)
    %dma_wait3A_175 = arith.constant 0 : i32
    %dma_wait3A_176 = arith.constant 0 : i32
    %dma_wait3A_177 = tpu.memref_slice %arg4[%dma_wait3A_175, %dma_wait3A_176] : memref<4096x8192xf32, #tpu.memory_space<hbm>> -> memref<2x8192xf32, #tpu.memory_space<hbm>>
    %dma_wait3A_178 = arith.constant 0 : i32
    %dma_wait3A_179 = arith.constant 0 : i32
    %dma_wait3A_180 = tpu.memref_slice %arg4[%dma_wait3A_178, %dma_wait3A_179] : memref<4096x8192xf32, #tpu.memory_space<hbm>> -> memref<2x8192xf32, #tpu.memory_space<hbm>>
    tpu.wait_dma2 semaphore(%arg14 : memref<!tpu.dma_semaphore, #tpu.memory_space<semaphore_mem>>) src(%arg5 : memref<2x8192xf32, #tpu.memory_space<vmem>>) dst(%dma_wait3A_180 : memref<2x8192xf32, #tpu.memory_space<hbm>>)
    return
  }
}

</mosaic_0001>

<sc_bundles>
// kernel: _masked_cumsum.3.cloned.1.call-start
scs
__scs_entry_jumppad:
0x0: {  	(pc) =	sbr.rel $0x88, $3  }
0x1: {  	(tag) =	ssettag $0x0;
	lr =	simm.s32 $0x1  }
0x2: {  	[smem:$0x3F9F] =	sst lr;
	_ =	strace $0xD0000000  }
0x3: {  	_ = 	snop  }
0x4: {  	_ = 	snop  }
0x5: {  	_ = 	snop  }
0x6: {  	_ = 	snop  }
0x7: {  	_ = 	snop  }
__scs_overlays_trampoline_lowered:
0x8: {  	[smem:$0x3FAE] =	sst s0  }
0x9: {  	[smem:$0x3FAF] =	sst s1  }
0xa: {  	[smem:$0x3FB0] =	sst s2  }
0xb: {  	[smem:$0x3FB1] =	sst s3  }
0xc: {  	[smem:$0x3FB2] =	sst s4  }
0xd: {  	[smem:$0x3FB3] =	sst s5  }
0xe: {  	[smem:$0x3FB4] =	sst s6  }
0xf: {  	[smem:$0x3FB5] =	sst s7  }
0x10: {  	[smem:$0x3FB6] =	sst s8  }
0x11: {  	[smem:$0x3FB7] =	sst s9;
	s0 =	simm.s32 @!p0 $0x0  }
0x12: {  	s1 =	sld [smem:$0x3F9D];
	s0 =	simm.s32 @p0 $0x1  }
0x13: {  	[smem:$0x3FB8] =	sst s0;
	s0 =	simm.s32 @!p1 $0x0  }
0x14: {  	s2 =	sld [smem:$0x3F9C];
	s0 =	simm.s32 @p1 $0x1  }
0x15: {  	[smem:$0x3FB9] =	sst s0;
	s0 =	simm.s32 @!p2 $0x0  }
0x16: {  	s3 =	sld [smem:$0x3FDB];
	s0 =	simm.s32 @p2 $0x1  }
0x17: {  	s4 =	simm.s32 $0x1BF5;
	[smem:$0x3FBB] =	sst s0  }
0x18: {  	s0 =	sld [smem:$0x3F9E];
	_ =	swait.ge [sflag:s4], $0x0  }
0x19: {  	s7 =	sld [smem:$0x3F9F]  }
0x1a: {  	s8 =	sadd.s32 $0xFFFFE003, lr  }
0x1b: {  	s9 =	sadd.s32 $0xFFFFFEF7, lr;
	s5 =	simm.s32 $0xFFFFFFFF;
	p2 =	slt.u32 s8, $0xFFFFF086  }
0x1c: {  	p1 =	slt.u32 s9, $0xF7A;
	s5 =	simm.s32 @!p2 $0x0  }
0x1d: {  	s5 =	simm.s32 @p1 $0x1;
	p0 =	seq.s32 s7, s2  }
0x1e: {  	s7 =	smul.u32 @!p0 $0xF7A, s2;
	p2 =	seq.s32 @!p0 s5, $0x0  }
0x1f: {  	s9 =	smul.u32 $0xF7A, s1;
	s8 =	simm.s32 @!p0 $0x1BF5;
	p2 =	por !p2, p0  }
0x20: {  	[sflag:s8] =	ssyncset.s32 @!p0 $0xFFFFF086;
	s6 =	sadd.s32 @!p0 s3, s7;
	s7 =	simm.s32 @!p0 $0x108  }
0x21: {  	s3 =	sadd.s32 s3, s9;
	s6 =	sadd.s32 @!p0 $0x88, s6;
	s7 =	simm.s32 @p2 $0x1082  }
0x22: {  	[simem:s7], [sflag:s8] =	dma.local @!p0 [hbm:s6], $0xF7A  }
0x23: {  	s9 =	sor.u32 $0xD0000000, s2;
	s6 =	simm.s32 $0x108;
	_ =	swait.ge @!p0 [sflag:s8], $0x0  }
0x24: {  	s3 =	sadd.s32 $0x88, s3;
	s6 =	simm.s32 @!p1 $0x1082;
	[sflag:s4] =	ssyncset.s32 $0xFFFFF086  }
0x25: {  	[simem:s6], [sflag:s4] =	dma.local [hbm:s3], $0xF7A  }
0x26: {  	[smem:$0x3F9F] =	sst s1;
	(tag) =	ssettag s2;
	_ =	strace s9  }
0x27: {  	s1 =	sld [smem:$0x3FAF]  }
0x28: {  	s2 =	sld [smem:$0x3FB0]  }
0x29: {  	s4 =	sld [smem:$0x3FB2]  }
0x2a: {  	p0 =	seq.s32 s5, $0x0;
	s5 =	sld [smem:$0x3FB3]  }
0x2b: {  	s6 =	sld [smem:$0x3FB4]  }
0x2c: {  	s7 =	sld [smem:$0x3FB5]  }
0x2d: {  	s3 =	simm.s32 $0x108;
	s8 =	sld [smem:$0x3FB6]  }
0x2e: {  	s3 =	simm.s32 @!p0 $0x1082;
	s9 =	sld [smem:$0x3FB7]  }
0x2f: {  	lr =	sadd.s32 s0, s3;
	s0 =	sld [smem:$0x3FAE]  }
0x30: {  	s3 =	sld [smem:$0x3FB1]  }
0x31: {  	[smem:$0x3FBA] =	sst s10  }
0x32: {  	s10 =	sld [smem:$0x3FB8];
	_ =	sdelay $0x3  }
0x33: {  	p0 =	seq.s32 s10, $0x1;
	s10 =	sld [smem:$0x3FBA];
	_ =	sdelay $0x3  }
0x34: {  	[smem:$0x3FBA] =	sst s10  }
0x35: {  	s10 =	sld [smem:$0x3FB9];
	_ =	sdelay $0x3  }
0x36: {  	p1 =	seq.s32 s10, $0x1;
	s10 =	sld [smem:$0x3FBA];
	_ =	sdelay $0x3  }
0x37: {  	[smem:$0x3FBA] =	sst s10  }
0x38: {  	s10 =	sld [smem:$0x3FBB]  }
0x39: {  	_ = 	snop;
	(pc) =	sbr.ind lr, $3  }
0x3a: {  	_ = 	snop  }
0x3b: {  	_ = 	snop  }
0x3c: {  	p2 =	seq.s32 s10, $0x1;
	s10 =	sld [smem:$0x3FBA]  }
0x3d: {  	_ =	shalt  }
0x3e: {  	_ =	shalt  }
0x3f: {  	_ =	shalt  }
0x40: {  	_ =	shalt  }
0x41: {  	_ =	shalt  }
0x42: {  	_ =	shalt  }
0x43: {  	_ =	shalt  }
0x44: {  	_ =	shalt  }
0x45: {  	_ =	shalt  }
0x46: {  	_ =	shalt  }
0x47: {  	_ =	shalt  }
0x48: {  	_ =	shalt  }
0x49: {  	_ =	shalt  }
0x4a: {  	_ =	shalt  }
0x4b: {  	_ =	shalt  }
0x4c: {  	_ =	shalt  }
0x4d: {  	_ =	shalt  }
0x4e: {  	_ =	shalt  }
0x4f: {  	_ =	shalt  }
0x50: {  	_ =	shalt  }
0x51: {  	_ =	shalt  }
0x52: {  	_ =	shalt  }
0x53: {  	_ =	shalt  }
0x54: {  	_ =	shalt  }
0x55: {  	_ =	shalt  }
0x56: {  	_ =	shalt  }
0x57: {  	_ =	shalt  }
0x58: {  	_ =	shalt  }
0x59: {  	_ =	shalt  }
0x5a: {  	_ =	shalt  }
0x5b: {  	_ =	shalt  }
0x5c: {  	_ =	shalt  }
0x5d: {  	_ =	shalt  }
0x5e: {  	_ =	shalt  }
0x5f: {  	_ =	shalt  }
0x60: {  	_ =	shalt  }
0x61: {  	_ =	shalt  }
0x62: {  	_ =	shalt  }
0x63: {  	_ =	shalt  }
0x64: {  	_ =	shalt  }
0x65: {  	_ =	shalt  }
0x66: {  	_ =	shalt  }
0x67: {  	_ =	shalt  }
0x68: {  	_ =	shalt  }
0x69: {  	_ =	shalt  }
0x6a: {  	_ =	shalt  }
0x6b: {  	_ =	shalt  }
0x6c: {  	_ =	shalt  }
0x6d: {  	_ =	shalt  }
0x6e: {  	_ =	shalt  }
0x6f: {  	_ =	shalt  }
0x70: {  	_ =	shalt  }
0x71: {  	_ =	shalt  }
0x72: {  	_ =	shalt  }
0x73: {  	_ =	shalt  }
0x74: {  	_ =	shalt  }
0x75: {  	_ =	shalt  }
0x76: {  	_ =	shalt  }
0x77: {  	_ =	shalt  }
0x78: {  	_ =	shalt  }
0x79: {  	_ =	shalt  }
0x7a: {  	_ =	shalt  }
0x7b: {  	_ =	shalt  }
0x7c: {  	_ =	shalt  }
0x7d: {  	_ =	shalt  }
0x7e: {  	_ =	shalt  }
0x7f: {  	_ =	shalt  }
0x80: {  	_ =	shalt  }
0x81: {  	_ =	shalt  }
0x82: {  	_ =	shalt  }
0x83: {  	_ =	shalt  }
0x84: {  	_ =	shalt  }
0x85: {  	_ =	shalt  }
0x86: {  	_ =	shalt  }
0x87: {  	_ =	shalt  }
.Lfunc_end0:
.L_simem_size_0:
called_computation_lowered:
.L_overlay_start_0:
0x88: {  	s2 =	sld [smem:$0x3FD9]  }
0x89: {  	s3 =	sld [smem:$0x3FFE];
	_ =	sdelay $0x1  }
0x8a: {  	s1 =	srdreg.scid  }
0x8b: {  	s0 =	sand.u32 $0x1, s1  }
0x8c: {  	s18 =	sshll.u32 s0, $0xA;
	s2 =	sadd.s32 s3, s2  }
0x8d: {  	s2 =	sadd.s32 s2, s18  }
0x8e: {  	[smem:$0x3FC6] =	sst s2  }
0x8f: {  	_ = 	snop  }
0x90: {  	s2 =	sld [smem:$0x3FC9]  }
0x91: {  	s19 =	sld [smem:$0x3FC8]  }
0x92: {  	s4 =	sld [smem:$0x3FD0];
	(tm) =	ssettm $0x1  }
0x93: {  	s5 =	sld [smem:$0x3FFB];
	_ =	sdelay $0x3  }
0x94: {  	_ =	strace s5  }
0x95: {  	s5 =	sld [smem:$0x3FFC];
	_ =	sdelay $0x3  }
0x96: {  	_ =	strace s5  }
0x97: {  	s5 =	sld [smem:$0x3FFD];
	_ =	sdelay $0x3  }
0x98: {  	_ =	strace s5  }
0x99: {  	_ =	strace $0x8FFFFFFF  }
0x9a: {  	s20 =	sld [smem:$0x3FDB];
	_ =	sdelay $0x1  }
0x9b: {  	s6 =	simm.s32 $_scs_section_size  }
0x9c: {  	s7 =	simm.s32 $_size__tile_overlayer_lowered;
	s8 =	simm.s32 $_tile_overlayer_lowered  }
0x9d: {  	s23 =	simm.s32 $0x1BFF;
	s22 =	sshll.u32 s8, $0x1;
	s5 =	sadd.s32 s6, s20  }
0x9e: {  	s9 =	simm.s32 $0x0;
	s21 =	sshll.u32 s7, $0x1;
	s7 =	sadd.s32 s22, s5  }
0x9f: {  	[timem:s9], [sflag:s23] =	dma.local [hbm:s7], s21  }
0xa0: {  	_ =	swait.ge [sflag:s23], s21  }
0xa1: {  	s6 =	ssub.s32 $0x0, s21;
	[sflag:s23] =	ssyncset.done $0x0  }
0xa2: {  	[sflag:s23] =	ssyncadd.s32 s6;
	_ =	sdelay $0x1  }
0xa3: {  	s24 =	simm.s32 $0x1B8B  }
0xa4: {  	_ =	swait.ge [sflag:s24], $0x1  }
0xa5: {  	[sflag:s24] =	ssyncset.done $0x0  }
0xa6: {  	s25 =	simm.s32 $0x1B8E;
	[sflag:s24] =	ssyncadd.s32 $0xFFFFFFFF  }
0xa7: {  	s26 =	simm.s32 $execute0_lowered;
	[smem:$0x3FD2] =	sst s25  }
0xa8: {  	s6 =	sshll.u32 s26, $0x1;
	_ =	strace $0x80000046;
	[dreg:$0x1] =	wrdreg $0xFFFFFFFF  }
0xa9: {  	s28 =	simm.s32 $_size_execute0_lowered;
	s5 =	sadd.s32 s5, s6;
	[dreg:$0x0] =	wrdreg $0x0  }
0xaa: {  	s6 =	sshll.u32 s28, $0x1;
	[dreg:$0x2] =	wrdreg s5  }
0xab: {  	[dreg:$0x3] =	wrdreg s6  }
0xac: {  	[dreg:$0x4] =	wrdreg $0xC0  }
0xad: {  	_ =	task [dreg:s9], $0x5FFFF  }
0xae: {  	[dreg:$0x1] =	wrdreg $0xFFFFFFFF  }
0xaf: {  	[dreg:$0x0] =	wrdreg $0x60  }
0xb0: {  	[dreg:$0x2] =	wrdreg s2  }
0xb1: {  	[dreg:$0x3] =	wrdreg s19  }
0xb2: {  	[dreg:$0x4] =	wrdreg s4  }
0xb3: {  	[dreg:$0x5] =	wrdreg $0x9  }
0xb4: {  	_ =	task.clear_ibuf [dreg:s9], $0x6FFFF;
	_ =	strace $0x90000046  }
0xb5: {  	s29 =	simm.s32 $0x9;
	_ =	strace $0x80000048  }
0xb6: {  	_ =	swait.ge [sflag:s29], $0x1  }
0xb7: {  	[sflag:s29] =	ssyncadd.s32 $0xFFFFFFFF  }
0xb8: {  	_ =	strace $0x90000048  }
0xb9: {  	_ =	sfence  }
0xba: {  	s30 =	sld [smem:$0x0];
	_ =	sdelay $0x2  }
0xbb: {  	s31 =	sshll.u32 s1, $0xD;
	s1 =	sshrl.u32 s1, $0x2  }
0xbc: {  	s3 =	sand.u32 $0x4000, s31;
	s1 =	sadd.s32 s1, s30  }
0xbd: {  	s0 =	sor.u32 s3, s0;
	s1 =	sshll.u32 s1, $0x11  }
0xbe: {  	s0 =	sor.u32 s1, s0  }
0xbf: {  	s0 =	sadd.s32 $0x8F2B, s0  }
0xc0: {  	[sflag:s0] =	ssyncadd.remote.s32 $0x1  }
0xc1: {  	_ =	sfence.sel $0xFFFF  }
0xc2: {  	[dreg:$0x0] =	wrdreg $0xFFFFFFFF;
	(pc) =	sbr.abs _section_cstart, $3  }
0xc3: {  	[dreg:$0x1] =	wrdreg $0xFFFFFFFF  }
0xc4: {  	_ =	task.clear_ibuf [dreg:s9], $0x2FFFF;
	_ =	strace $0x9FFFFFFF  }
0xc5: {  	(tm) =	ssettm $0x7FFFFFFF  }
tec
execute0_lowered:
.L_overlay_start_1:
0x0: {  	(tag) =	ssettag $0x1  }
0x1: {  	v0 =	vimm.s32 $0xEDCBA988;
	v1 =	vimm.s32 $0x65432100;
	s0 =	rddreg [dreg:$0x0];
	vm0 =	vcmask $0x300  }
0x2: {  	s2 =	rddreg [dreg:$0x1];
	v6 =	vimm.f32 $1.000000000e+00;
	v0 =	vunpack.c.l.s4.s8 v0;
	v1 =	vunpack.c.l.s4.s8 v1  }
0x3: {  	s1 =	srdreg.scid;
	s4 =	rddreg [dreg:$0x2];
	vm10 =	vcmask $0x2320;
	v3 =	vimm.s32 $0x54321000;
	v4 =	vimm.s32 $0xBA988888  }
0x4: {  	s3 =	stileid.u32;
	s5 =	simm.s32 $0x0;
	v5 =	vimm.s32 $0x32100000;
	s12 =	simm.s32 $0x100;
	v0 =	vunpack.c.0.s8.s32 v0;
	v1 =	vunpack.c.0.s8.s32 v1  }
0x5: {  	vm11 =	vcmask $0x700;
	s13 =	simm.s32 $0x400;
	vm12 =	vcmask $0x2720;
	s15 =	simm.s32 $0x4000;
	s1 =	sand.u32 $0x1, s1;
	v4 =	vunpack.c.l.s4.s8 v4  }
0x6: {  	s17 =	simm.s32 $0x1;
	s3 =	sshll.u32 s3, $0x8;
	v5 =	vunpack.c.l.s4.s8 v5;
	s6 =	sshll.u32 s1, $0x7;
	v2 =	vcombine.low v1, v0;
	v1 =	vimm.s32 $0xDCBA9888  }
0x7: {  	vm13 =	vcmask $0xF00;
	s18 =	simm.s32 $0x8000;
	s20 =	simm.s32 $0x2;
	v3 =	vunpack.c.l.s4.s8 v3;
	s6 =	sor.u32 s6, s3;
	v1 =	vunpack.c.l.s4.s8 v1  }
0x8: {  	vm14 =	vcmask $0x2F20;
	[smem:$0x7FF] =	sst s5;
	s1 =	ssub.s32 $0x2, s1;
	v4 =	vunpack.c.0.s8.s32 v4;
	v5 =	vunpack.c.0.s8.s32 v5;
	s7 =	sshll.u32 s6, $0xA  }
0x9: {  	vm15 =	vcmask $0x1F00;
	_ =	strace $0x80000047;
	s29 =	sshrl.u32 s1, $0x1;
	v3 =	vunpack.c.0.s8.s32 v3;
	s8 =	sadd.s32 s0, s7;
	v1 =	vunpack.c.0.s8.s32 v1  }
0xa: {  	v7 =	vsel vm11, $0x0, v6;
	s1 =	ssub.s32 s1, s29;
	v0 =	vsel vm0, $0x0, v6;
	s31 =	sadd.s32 s2, s7;
	v5 =	vcombine.low v5, v4;
	[dreg:$0x4] =	wrdreg s8  }
0xb: {  	s30 =	sadd.s32 s7, s4;
	s1 =	smax.u32 s1, $0x1;
	v0 =	vsel vm10, $0x0, v0;
	[dreg:$0x5] =	wrdreg s31;
	v2 =	vand.u32 $0xF, v2;
	v8 =	vcombine.low v3, v1  }
0xc: {  	s21 =	simm.s32 $0x4;
	s3 =	sadd.s32 $0x1E060, s30;
	[dreg:$0x7] =	wrdreg s1;
	v5 =	vand.u32 $0xF, v5;
	v1 =	vsel vm12, $0x0, v7;
	v3 =	vsel vm13, $0x0, v6  }
0xd: {  	s22 =	simm.s32 $0x3;
	[dreg:$0x6] =	wrdreg s3;
	s3 =	simm.s32 $0x0;
	v6 =	vsel vm15, $0x0, v6;
	v3 =	vsel vm14, $0x0, v3;
	v4 =	vand.u32 $0xF, v8  }
.LBB2_1:
0xe: {  	[dreg:$0x8] =	wrdreg s3  }
0xf: {  	s1 =	rddreg [dreg:$0x4]  }
0x10: {  	[tilespmem:s5], [sflag:$0x1] =	stream.strided.gather [hbm4b:s1+s12], $0x4000, s13, s12, $0x38;
	[tilespmem:$0x18000] =	vst v63  }
0x11: {  	s30 =	rddreg [dreg:$0x5];
	s31 =	simm.s32 $0xC000;
	s26 =	simm.s32 $0x0  }
0x12: {  	[tilespmem:s31], [sflag:$0x1] =	stream.strided.gather [hbm4b:s30+s12], $0x4000, s13, s12, $0x38;
	[tilespmem:$0x18000] =	vst v63  }
.LBB2_2:
0x13: {  	s29 =	smul.u32 $0x6, s26;
	_ =	sdelay $0x1  }
0x14: {  	s1 =	sadd.s32 $0x2, s29  }
0x15: {  	p0 =	seq.s32 s26, $0x0;
	s3 =	sadd.s32 s6, s1  }
0x16: {  	s8 =	simm.s32 @!p0 $0x5;
	s1 =	sshll.u32 s1, $0x4;
	s3 =	sshll.u32 s3, $0xA  }
0x17: {  	_ =	swait.ge @!p0 [sflag:s8], $0x4000;
	s1 =	sand.u32 $0x60, s1;
	s3 =	sand.u32 $0x7FE000, s3  }
0x18: {  	[sflag:s8] =	ssyncset.done @!p0 $0x0;
	s1 =	sor.u32 s1, s3  }
0x19: {  	[sflag:s8] =	ssyncadd.s32 @!p0 $0xFFFFC000;
	s3 =	sadd.s32 s0, s1  }
0x1a: {  	[tilespmem:s15], [sflag:$0x2] =	stream.strided.gather [hbm4b:s3+s12], $0x4000, s13, s12, $0x38;
	[tilespmem:$0x18000] =	vst v63  }
0x1b: {  	s16 =	simm.s32 $0x10000;
	s1 =	sadd.s32 s2, s1  }
0x1c: {  	[tilespmem:s16], [sflag:$0x2] =	stream.strided.gather [hbm4b:s1+s12], $0x4000, s13, s12, $0x38;
	[tilespmem:$0x18000] =	vst v63  }
0x1d: {  	_ =	swait.ge [sflag:s17], $0x4000  }
0x1e: {  	[sflag:s17] =	ssyncset.done $0x0  }
0x1f: {  	[sflag:s17] =	ssyncadd.s32 $0xFFFFC000  }
0x20: {  	s31 =	simm.s32 $0x0;
	p1 =	por $0x0, $0x0;
	_ =	swait.ge [sflag:s17], $0x4000  }
0x21: {  	s19 =	sand.u32 $0x3F00, s31;
	s23 =	sand.u32 $0x40, s31;
	[sflag:s17] =	ssyncset.done $0x0  }
0x22: {  	s30 =	sor.u32 s23, s19;
	s8 =	simm.s32 $0x1;
	[sflag:s17] =	ssyncadd.s32 $0xFFFFC000  }
0x23: {  	s8 =	simm.s32 @!p1 $0x0;
	v7 =	vld [tilespmem:s30+$0xC020]  }
0x24: {  	s24 =	sshll.u32 s8, $0x6;
	v8 =	vld [tilespmem:s30+$0x20]  }
0x25: {  	s8 =	sadd.s32 $0x0, s24;
	v9 =	vld [tilespmem:s30+$0xC000]  }
0x26: {  	s11 =	sor.u32 $0x80, s8;
	v10 =	vld [tilespmem:s30+$0x0]  }
0x27: {  	s1 =	sadd.s32 $0x10, s8;
	v11 =	vld [tilespmem:s11+$0x0]  }
0x28: {  	s1 =	sor.u32 $0x80, s1;
	v12 =	vld [tilespmem:s11+$0xC000]  }
0x29: {  	s25 =	sadd.s32 $0x20, s8;
	v13 =	vld [tilespmem:s1+$0x0]  }
0x2a: {  	s3 =	sor.u32 $0x80, s25;
	v14 =	vld [tilespmem:s1+$0xC000]  }
0x2b: {  	v15 =	vld [tilespmem:s3+$0xC000]  }
0x2c: {  	v16 =	vld [tilespmem:s30+$0x10]  }
0x2d: {  	v20 =	vld [tilespmem:s30+$0x30]  }
0x2e: {  	v44 =	vld [tilespmem:s30+$0xC030]  }
0x2f: {  	v7 =	vmul.f32 v7, v8;
	v8 =	vld [tilespmem:s3+$0x0];
	v9 =	vmul.f32 v9, v10  }
0x30: {  	v11 =	vmul.f32 v12, v11;
	v12 =	vld [tilespmem:s30+$0xC010];
	v13 =	vmul.f32 v14, v13  }
0x31: {  	v10 =	vperm.xlane v7, v2;
	v14 =	vperm.xlane v9, v2  }
0x32: {  	v17 =	vperm.xlane v11, v2;
	v18 =	vperm.xlane v13, v2  }
0x33: {  	v10 =	vmul.f32 v0, v10;
	v14 =	vmul.f32 v0, v14  }
0x34: {  	s8 =	sadd.s32 $0x30, s8;
	v8 =	vmul.f32 v15, v8;
	v15 =	vmul.f32 v0, v17  }
0x35: {  	s8 =	sor.u32 $0x80, s8;
	v12 =	vmul.f32 v12, v16;
	v16 =	vmul.f32 v44, v20;
	v7 =	vadd.f32 v10, v7  }
0x36: {  	v40 =	vld [tilespmem:s8+$0xC000];
	v10 =	vmul.f32 v0, v18;
	v9 =	vadd.f32 v14, v9;
	v14 =	vperm.xlane v8, v2  }
0x37: {  	v11 =	vadd.f32 v15, v11;
	v15 =	vld [tilespmem:s8+$0x0];
	v50 =	vperm.xlane v16, v2;
	v37 =	vperm.xlane v7, v4  }
0x38: {  	v10 =	vadd.f32 v10, v13;
	v13 =	vperm.xlane v9, v4;
	v14 =	vmul.f32 v0, v14  }
0x39: {  	v19 =	vperm.xlane v11, v4;
	v38 =	vmul.f32 v1, v37  }
0x3a: {  	v39 =	vperm.xlane v10, v4;
	v13 =	vmul.f32 v1, v13;
	v8 =	vadd.f32 v14, v8  }
0x3b: {  	v14 =	vperm.xlane v12, v2;
	v42 =	vmul.f32 v1, v19;
	v7 =	vadd.f32 v38, v7  }
0x3c: {  	v41 =	vmul.f32 v1, v39;
	v9 =	vadd.f32 v13, v9;
	v15 =	vmul.f32 v40, v15  }
0x3d: {  	v43 =	vperm.xlane v8, v4;
	v14 =	vmul.f32 v0, v14;
	v11 =	vadd.f32 v42, v11  }
0x3e: {  	v13 =	vperm.xlane v7, v5;
	v10 =	vadd.f32 v41, v10;
	v46 =	vperm.xlane v9, v5  }
0x3f: {  	v49 =	vperm.xlane v15, v2;
	v45 =	vmul.f32 v1, v43  }
0x40: {  	v12 =	vadd.f32 v14, v12;
	v47 =	vperm.xlane v11, v5;
	v14 =	vperm.xlane v10, v5  }
0x41: {  	v48 =	vmul.f32 v3, v46;
	v13 =	vmul.f32 v3, v13;
	v8 =	vadd.f32 v45, v8  }
0x42: {  	v21 =	vperm.xlane v12, v4;
	v14 =	vmul.f32 v3, v14  }
0x43: {  	v18 =	vmul.f32 v3, v47;
	v17 =	vadd.f32 v48, v9;
	v9 =	vperm.xlane v8, v5  }
0x44: {  	v7 =	vadd.f32 v13, v7;
	v14 =	vadd.f32 v14, v10;
	v10 =	vmul.f32 v1, v21  }
0x45: {  	v11 =	vadd.f32 v18, v11;
	(v2sf) =	vpush v17, $0x7;
	v9 =	vmul.f32 v3, v9  }
0x46: {  	v19 =	vmul.f32 v0, v49;
	(v2sf) =	vpush v14, $0x7;
	v10 =	vadd.f32 v10, v12  }
0x47: {  	v52 =	vbroadcast v17, $0x7;
	v51 =	vadd.f32 v9, v8;
	(v2sf) =	vpush v17, $0xF  }
0x48: {  	v9 =	vadd.f32 v19, v15;
	v15 =	vmul.f32 v0, v50;
	(v2sf) =	vpush v11, $0x7  }
0x49: {  	v58 =	vbroadcast v7, $0x7;
	v12 =	vbroadcast v11, $0x7;
	(v2sf) =	vpush v11, $0xF  }
0x4a: {  	v53 =	vperm.xlane v10, v5;
	v15 =	vadd.f32 v15, v16;
	(v2sf) =	vpush v51, $0xF  }
0x4b: {  	v12 =	vmul.f32 v6, v12;
	v54 =	vperm.xlane v9, v4  }
0x4c: {  	v19 =	vmul.f32 v3, v53;
	v55 =	vperm.xlane v15, v4;
	(v2sf) =	vpush v14, $0xF  }
0x4d: {  	v56 =	vmul.f32 v6, v52;
	v13 =	vmul.f32 v1, v54  }
0x4e: {  	v11 =	vadd.f32 v12, v11;
	v10 =	vadd.f32 v19, v10;
	v57 =	vmul.f32 v1, v55  }
0x4f: {  	v59 =	vmul.f32 v6, v58;
	(v2sf) =	vpush v7, $0x7;
	v13 =	vadd.f32 v13, v9  }
0x50: {  	v8 =	vbroadcast v14, $0x7;
	(v2sf) =	vpush v10, $0xF;
	v15 =	vadd.f32 v57, v15  }
0x51: {  	v9 =	vbroadcast v10, $0x7;
	(v2sf) =	vpush v10, $0x7;
	v60 =	vperm.xlane v13, v5  }
0x52: {  	s10 =	simm.f32 $0.0e+00;
	v16 =	vadd.f32 v56, v17;
	(v2sf) =	vpush v7, $0xF;
	v12 =	vperm.xlane v15, v5  }
0x53: {  	v62 =	vadd.f32 s10, v11;
	v9 =	vmul.f32 v6, v9;
	v61 =	vmul.f32 v3, v60  }
0x54: {  	v7 =	vadd.f32 v59, v7;
	s9 =	spop (v2sf);
	(v2sf) =	vpush v51, $0x7;
	v12 =	vmul.f32 v3, v12  }
0x55: {  	v9 =	vadd.f32 v9, v10;
	v10 =	vadd.f32 v61, v13;
	v13 =	vbroadcast v51, $0x7;
	s24 =	spop (v2sf)  }
0x56: {  	v11 =	vmul.f32 v6, v8;
	v8 =	vadd.f32 v12, v15;
	v15 =	vadd.f32 s10, v16;
	s16 =	spop (v2sf)  }
0x57: {  	v63 =	vmul.f32 v6, v13;
	v18 =	vbroadcast v10, $0x7;
	(v2sf) =	vpush v10, $0x7;
	s23 =	sadd.f32 s16, s9;
	s16 =	spop (v2sf)  }
0x58: {  	s28 =	smul.u32 $0x3, s26;
	p1 =	por !p1, !p1;
	v12 =	vadd.f32 v11, v14;
	v13 =	vbroadcast v8, $0x7;
	[tilespmem:s30+$0x0] =	vst v15;
	(v2sf) =	vpush v8, $0x7;
	s19 =	spop (v2sf)  }
0x59: {  	s9 =	simm.s32 $0x40;
	v11 =	vadd.f32 v63, v51;
	v14 =	vmul.f32 v6, v18;
	[tilespmem:s11+$0x0] =	vst v62;
	(v2sf) =	vpush v10, $0xF;
	s23 =	sadd.f32 s23, s10;
	s11 =	spop (v2sf)  }
.LBB2_3:
0x5a: {  	s16 =	sadd.f32 s19, s16  }
0x5b: {  	s31 =	sadd.s32 $0x80, s31;
	s19 =	spop (v2sf);
	(v2sf) =	vpush v8, $0xF;
	s25 =	smov.u32 s9  }
0x5c: {  	p2 =	sne.s32 s9, $0x1FC0;
	s9 =	sadd.s32 $0x40, s9;
	v10 =	vadd.f32 v14, v10;
	v9 =	vadd.f32 s23, v9;
	s19 =	sadd.f32 s19, s24  }
0x5d: {  	s10 =	sadd.f32 s16, s10  }
0x5e: {  	[tilespmem:s30+$0x10] =	vst v9;
	s16 =	spop (v2sf)  }
0x5f: {  	v9 =	vadd.f32 s10, v12;
	s10 =	sadd.f32 s19, s10;
	s19 =	spop (v2sf)  }
0x60: {  	s24 =	spop (v2sf)  }
0x61: {  	s19 =	sadd.f32 s19, s24;
	[tilespmem:s1+$0x0] =	vst v9;
	s1 =	spop (v2sf)  }
0x62: {  	s1 =	sadd.f32 s1, s16  }
0x63: {  	v9 =	vmul.f32 v6, v13;
	s16 =	sadd.f32 s19, s23;
	s19 =	spop (v2sf)  }
0x64: {  	s11 =	sadd.f32 s11, s19  }
0x65: {  	v8 =	vadd.f32 v9, v8;
	v7 =	vadd.f32 s16, v7;
	s1 =	sadd.f32 s1, s16  }
0x66: {  	v9 =	vadd.f32 s10, v11;
	s10 =	sadd.f32 s11, s10  }
0x67: {  	[tilespmem:s30+$0x20] =	vst v7;
	v7 =	vadd.f32 s1, v8;
	s16 =	spop (v2sf)  }
0x68: {  	s19 =	simm.s32 $0x1;
	s11 =	sand.u32 $0x3F00, s31;
	[tilespmem:s3+$0x0] =	vst v9;
	v8 =	vadd.f32 s10, v10;
	s3 =	spop (v2sf)  }
0x69: {  	s23 =	sand.u32 $0x40, s25;
	s19 =	simm.s32 @!p1 $0x0;
	[tilespmem:s30+$0x30] =	vst v7;
	s24 =	spop (v2sf)  }
0x6a: {  	s19 =	sshll.u32 s19, $0x6;
	s30 =	sor.u32 s23, s11;
	[tilespmem:s8+$0x0] =	vst v8;
	s8 =	spop (v2sf)  }
0x6b: {  	s19 =	sadd.s32 s19, s31;
	v7 =	vld [tilespmem:s30+$0xC020];
	s3 =	sadd.f32 s8, s3  }
0x6c: {  	s11 =	sor.u32 $0x80, s19;
	s16 =	sadd.f32 s24, s16;
	s8 =	sadd.s32 $0x10, s19;
	v8 =	vld [tilespmem:s30+$0x20]  }
0x6d: {  	s24 =	sadd.s32 $0x30, s19;
	v9 =	vld [tilespmem:s30+$0xC000];
	s23 =	sadd.f32 s3, s1  }
0x6e: {  	s10 =	sadd.f32 s16, s10;
	s1 =	sor.u32 $0x80, s8;
	v10 =	vld [tilespmem:s30+$0x0]  }
0x6f: {  	v11 =	vld [tilespmem:s11+$0x0]  }
0x70: {  	v12 =	vld [tilespmem:s11+$0xC000]  }
0x71: {  	s3 =	sadd.s32 $0x20, s19;
	v13 =	vld [tilespmem:s1+$0x0];
	v7 =	vmul.f32 v7, v8  }
0x72: {  	s3 =	sor.u32 $0x80, s3;
	v8 =	vld [tilespmem:s1+$0xC000]  }
0x73: {  	v9 =	vmul.f32 v9, v10;
	v10 =	vld [tilespmem:s3+$0x0];
	v14 =	vperm.xlane v7, v2  }
0x74: {  	v15 =	vld [tilespmem:s3+$0xC000]  }
0x75: {  	v11 =	vmul.f32 v12, v11;
	v12 =	vmul.f32 v0, v14  }
0x76: {  	v16 =	vperm.xlane v9, v2;
	v14 =	vld [tilespmem:s30+$0xC010]  }
0x77: {  	s8 =	sor.u32 $0x80, s24;
	v17 =	vld [tilespmem:s30+$0x10];
	v8 =	vmul.f32 v8, v13;
	v13 =	vperm.xlane v11, v2;
	v7 =	vadd.f32 v12, v7  }
0x78: {  	v16 =	vmul.f32 v0, v16;
	v12 =	vld [tilespmem:s8+$0x0]  }
0x79: {  	v10 =	vmul.f32 v15, v10;
	v15 =	vld [tilespmem:s8+$0xC000];
	v18 =	vperm.xlane v8, v2  }
0x7a: {  	v13 =	vmul.f32 v0, v13;
	v9 =	vadd.f32 v16, v9;
	v16 =	vperm.xlane v7, v4  }
0x7b: {  	v19 =	vperm.xlane v10, v2;
	v18 =	vmul.f32 v0, v18  }
0x7c: {  	v11 =	vadd.f32 v13, v11;
	v13 =	vmul.f32 v1, v16;
	v14 =	vmul.f32 v14, v17  }
0x7d: {  	v16 =	vperm.xlane v9, v4;
	v8 =	vadd.f32 v18, v8  }
0x7e: {  	v17 =	vmul.f32 v0, v19;
	v18 =	vperm.xlane v11, v4;
	v7 =	vadd.f32 v13, v7  }
0x7f: {  	v13 =	vperm.xlane v14, v2;
	v19 =	vperm.xlane v8, v4  }
0x80: {  	v16 =	vmul.f32 v1, v16;
	v10 =	vadd.f32 v17, v10;
	v17 =	vperm.xlane v7, v5  }
0x81: {  	v18 =	vmul.f32 v1, v18;
	v20 =	vld [tilespmem:s30+$0x30];
	v19 =	vmul.f32 v1, v19  }
0x82: {  	v12 =	vmul.f32 v15, v12;
	v9 =	vadd.f32 v16, v9;
	v15 =	vperm.xlane v10, v4;
	v21 =	vld [tilespmem:s30+$0xC030]  }
0x83: {  	v13 =	vmul.f32 v0, v13;
	v11 =	vadd.f32 v18, v11;
	v8 =	vadd.f32 v19, v8  }
0x84: {  	v16 =	vperm.xlane v9, v5;
	v15 =	vmul.f32 v1, v15  }
0x85: {  	v13 =	vadd.f32 v13, v14;
	v14 =	vperm.xlane v11, v5;
	v18 =	vperm.xlane v8, v5  }
0x86: {  	v19 =	vperm.xlane v12, v2;
	v10 =	vadd.f32 v15, v10;
	v15 =	vmul.f32 v3, v16  }
0x87: {  	v16 =	vmul.f32 v21, v20;
	v18 =	vmul.f32 v3, v18  }
0x88: {  	v20 =	vperm.xlane v13, v4;
	v21 =	vperm.xlane v10, v5;
	v15 =	vadd.f32 v15, v9  }
0x89: {  	v14 =	vmul.f32 v3, v14;
	v9 =	vmul.f32 v0, v19;
	v8 =	vadd.f32 v18, v8  }
0x8a: {  	v18 =	vmul.f32 v1, v20;
	v19 =	vmul.f32 v3, v21;
	(v2sf) =	vpush v15, $0x7  }
0x8b: {  	v11 =	vadd.f32 v14, v11;
	v20 =	vperm.xlane v16, v2;
	(v2sf) =	vpush v8, $0x7  }
0x8c: {  	v13 =	vadd.f32 v18, v13;
	v14 =	vadd.f32 v19, v10;
	v10 =	vbroadcast v8, $0x7  }
0x8d: {  	v9 =	vadd.f32 v9, v12;
	v12 =	vbroadcast v11, $0x7;
	(v2sf) =	vpush v15, $0xF  }
0x8e: {  	v18 =	vmul.f32 v0, v20;
	v19 =	vbroadcast v15, $0x7;
	(v2sf) =	vpush v11, $0x7  }
0x8f: {  	v20 =	vperm.xlane v9, v4;
	v21 =	vperm.xlane v13, v5;
	(v2sf) =	vpush v11, $0xF  }
0x90: {  	v17 =	vmul.f32 v3, v17;
	v16 =	vadd.f32 v18, v16;
	(v2sf) =	vpush v14, $0xF  }
0x91: {  	v12 =	vmul.f32 v6, v12;
	v18 =	vmul.f32 v3, v21;
	(v2sf) =	vpush v8, $0xF  }
0x92: {  	v7 =	vadd.f32 v17, v7;
	v20 =	vmul.f32 v1, v20;
	v21 =	vperm.xlane v16, v4  }
0x93: {  	v17 =	vmul.f32 v6, v19;
	v11 =	vadd.f32 v12, v11;
	v13 =	vadd.f32 v18, v13  }
0x94: {  	v12 =	vmul.f32 v1, v21;
	v18 =	vbroadcast v7, $0x7;
	(v2sf) =	vpush v7, $0x7  }
0x95: {  	v19 =	vadd.f32 v20, v9;
	v9 =	vbroadcast v13, $0x7;
	(v2sf) =	vpush v13, $0xF  }
0x96: {  	v16 =	vadd.f32 v12, v16;
	v12 =	vmul.f32 v6, v18;
	(v2sf) =	vpush v13, $0x7  }
0x97: {  	v18 =	vperm.xlane v19, v5;
	v9 =	vmul.f32 v6, v9;
	(v2sf) =	vpush v7, $0xF  }
0x98: {  	v10 =	vmul.f32 v6, v10;
	v20 =	vperm.xlane v16, v5;
	v7 =	vadd.f32 v12, v7  }
0x99: {  	v18 =	vmul.f32 v3, v18;
	v9 =	vadd.f32 v9, v13;
	s16 =	spop (v2sf);
	(v2sf) =	vpush v14, $0x7  }
0x9a: {  	v15 =	vadd.f32 v17, v15;
	v13 =	vmul.f32 v3, v20;
	v12 =	vadd.f32 v10, v8;
	s24 =	spop (v2sf)  }
.Ltmp0:
0x9b: {  	v17 =	vbroadcast v14, $0x7;
	v10 =	vadd.f32 v18, v19;
	v18 =	vadd.f32 s10, v11;
	(pc) =	sbr.rel @p2 .LBB2_3-.Ltmp0, $4  }
0x9c: {  	v11 =	vadd.f32 s23, v15;
	v8 =	vadd.f32 v13, v16;
	s19 =	spop (v2sf)  }
0x9d: {  	v15 =	vmul.f32 v6, v17;
	v16 =	vbroadcast v10, $0x7;
	s25 =	sadd.f32 s19, s16;
	s16 =	spop (v2sf);
	(v2sf) =	vpush v10, $0x7  }
0x9e: {  	v13 =	vbroadcast v8, $0x7;
	[tilespmem:s30+$0x0] =	vst v11;
	(v2sf) =	vpush v8, $0x7;
	s19 =	spop (v2sf)  }
0x9f: {  	p1 =	por !p1, !p1;
	v11 =	vadd.f32 v15, v14;
	v14 =	vmul.f32 v6, v16;
	s23 =	sadd.f32 s25, s23;
	[tilespmem:s11+$0x0] =	vst v18;
	s11 =	spop (v2sf);
	(v2sf) =	vpush v10, $0xF  }
0xa0: {  	_ = 	snop  }
0xa1: {  	s9 =	sadd.f32 s19, s16;
	s19 =	spop (v2sf)  }
0xa2: {  	s16 =	sadd.f32 s19, s24  }
0xa3: {  	(v2sf) =	vpush v8, $0xF;
	s9 =	sadd.f32 s9, s10;
	s10 =	spop (v2sf)  }
0xa4: {  	s25 =	spop (v2sf)  }
0xa5: {  	s16 =	sadd.f32 s16, s9;
	s14 =	spop (v2sf)  }
0xa6: {  	s19 =	sadd.f32 s25, s14;
	s25 =	spop (v2sf)  }
0xa7: {  	s10 =	sadd.f32 s25, s10  }
0xa8: {  	v13 =	vmul.f32 v6, v13;
	v9 =	vadd.f32 s23, v9;
	s19 =	sadd.f32 s19, s23;
	s14 =	spop (v2sf)  }
0xa9: {  	v12 =	vadd.f32 s9, v12;
	s23 =	sadd.f32 s11, s14  }
0xaa: {  	s24 =	sadd.s32 s6, s29;
	v8 =	vadd.f32 v13, v8;
	[tilespmem:s30+$0x10] =	vst v9;
	s25 =	smul.u32 $0x300, s26;
	v7 =	vadd.f32 s19, v7;
	s10 =	sadd.f32 s10, s19  }
0xab: {  	v9 =	vadd.f32 v14, v10;
	[tilespmem:s1+$0x0] =	vst v12;
	v10 =	vadd.f32 s16, v11;
	s14 =	sadd.f32 s23, s16;
	s16 =	sshll.u32 s24, $0xD  }
0xac: {  	s19 =	sand.u32 $0x300, s25;
	[tilespmem:s30+$0x20] =	vst v7;
	v7 =	vadd.f32 s10, v8;
	s9 =	sand.u32 $0x3FF0000, s16  }
0xad: {  	[tilespmem:s3+$0x0] =	vst v10;
	v8 =	vadd.f32 s14, v9;
	s23 =	sor.u32 s19, s9  }
0xae: {  	s24 =	spop (v2sf);
	[tilespmem:s30+$0x30] =	vst v7;
	s1 =	sshrl.u32 s23, $0x3  }
0xaf: {  	s25 =	spop (v2sf);
	[tilespmem:s8+$0x0] =	vst v8;
	s1 =	sadd.s32 s4, s1  }
0xb0: {  	[hbm4b:s1+s12] =	stream.strided.scatter [tilespmem:s5], [sflag:$0x4], $0x4000, s13, s12, $0x38;
	[tilespmem:$0x18000] =	vst v63  }
0xb1: {  	s3 =	spop (v2sf);
	s1 =	sadd.s32 $0x4, s29  }
0xb2: {  	s8 =	spop (v2sf);
	s3 =	sadd.s32 s6, s1  }
0xb3: {  	s8 =	simm.s32 @!p0 $0x6;
	s1 =	sshll.u32 s1, $0x4;
	s3 =	sshll.u32 s3, $0xA  }
0xb4: {  	_ =	swait.ge @!p0 [sflag:s8], $0x4000;
	s1 =	sand.u32 $0x60, s1;
	s3 =	sand.u32 $0x7FE000, s3  }
0xb5: {  	[sflag:s8] =	ssyncset.done @!p0 $0x0;
	s1 =	sor.u32 s1, s3  }
0xb6: {  	[sflag:s8] =	ssyncadd.s32 @!p0 $0xFFFFC000;
	s3 =	sadd.s32 s0, s1  }
0xb7: {  	[tilespmem:s18], [sflag:$0x3] =	stream.strided.gather [hbm4b:s3+s12], $0x4000, s13, s12, $0x38;
	[tilespmem:$0x18000] =	vst v63  }
0xb8: {  	s9 =	simm.s32 $0x14000;
	s1 =	sadd.s32 s2, s1  }
0xb9: {  	[tilespmem:s9], [sflag:$0x3] =	stream.strided.gather [hbm4b:s1+s12], $0x4000, s13, s12, $0x38;
	[tilespmem:$0x18000] =	vst v63  }
0xba: {  	_ =	swait.ge [sflag:s20], $0x4000  }
0xbb: {  	[sflag:s20] =	ssyncset.done $0x0  }
0xbc: {  	s31 =	simm.s32 $0x0;
	[sflag:s20] =	ssyncadd.s32 $0xFFFFC000  }
0xbd: {  	s11 =	sand.u32 $0x40, s31;
	s10 =	sand.u32 $0x3F00, s31;
	_ =	swait.ge [sflag:s20], $0x4000  }
0xbe: {  	s30 =	sor.u32 s11, s10;
	[sflag:s20] =	ssyncset.done $0x0  }
0xbf: {  	p0 =	por $0x0, $0x0;
	s8 =	simm.s32 $0x1;
	[sflag:s20] =	ssyncadd.s32 $0xFFFFC000  }
0xc0: {  	s8 =	simm.s32 @!p0 $0x0;
	v7 =	vld [tilespmem:s30+$0x10020]  }
0xc1: {  	s14 =	sshll.u32 s8, $0x6;
	v8 =	vld [tilespmem:s30+$0x4020]  }
0xc2: {  	s8 =	sadd.s32 $0x0, s14;
	v9 =	vld [tilespmem:s30+$0x10000]  }
0xc3: {  	s23 =	sor.u32 $0x80, s8;
	v10 =	vld [tilespmem:s30+$0x4000]  }
0xc4: {  	s1 =	sadd.s32 $0x10, s8;
	v11 =	vld [tilespmem:s23+$0x4000]  }
0xc5: {  	s1 =	sor.u32 $0x80, s1;
	v12 =	vld [tilespmem:s23+$0x10000]  }
0xc6: {  	s16 =	sadd.s32 $0x20, s8;
	v13 =	vld [tilespmem:s1+$0x4000]  }
0xc7: {  	s3 =	sor.u32 $0x80, s16;
	v14 =	vld [tilespmem:s1+$0x10000]  }
0xc8: {  	v15 =	vld [tilespmem:s3+$0x10000]  }
0xc9: {  	v16 =	vld [tilespmem:s30+$0x4010]  }
0xca: {  	v20 =	vld [tilespmem:s30+$0x4030]  }
0xcb: {  	v44 =	vld [tilespmem:s30+$0x10030]  }
0xcc: {  	v7 =	vmul.f32 v7, v8;
	v8 =	vld [tilespmem:s3+$0x4000];
	v9 =	vmul.f32 v9, v10  }
0xcd: {  	v11 =	vmul.f32 v12, v11;
	v12 =	vld [tilespmem:s30+$0x10010];
	v13 =	vmul.f32 v14, v13  }
0xce: {  	v10 =	vperm.xlane v7, v2;
	v14 =	vperm.xlane v9, v2  }
0xcf: {  	v17 =	vperm.xlane v11, v2;
	v18 =	vperm.xlane v13, v2  }
0xd0: {  	v10 =	vmul.f32 v0, v10;
	v14 =	vmul.f32 v0, v14  }
0xd1: {  	s8 =	sadd.s32 $0x30, s8;
	v8 =	vmul.f32 v15, v8;
	v15 =	vmul.f32 v0, v17  }
0xd2: {  	s8 =	sor.u32 $0x80, s8;
	v12 =	vmul.f32 v12, v16;
	v16 =	vmul.f32 v44, v20;
	v7 =	vadd.f32 v10, v7  }
0xd3: {  	v40 =	vld [tilespmem:s8+$0x10000];
	v10 =	vmul.f32 v0, v18;
	v9 =	vadd.f32 v14, v9;
	v14 =	vperm.xlane v8, v2  }
0xd4: {  	v11 =	vadd.f32 v15, v11;
	v15 =	vld [tilespmem:s8+$0x4000];
	v50 =	vperm.xlane v16, v2;
	v37 =	vperm.xlane v7, v4  }
0xd5: {  	v10 =	vadd.f32 v10, v13;
	v13 =	vperm.xlane v9, v4;
	v14 =	vmul.f32 v0, v14  }
0xd6: {  	v19 =	vperm.xlane v11, v4;
	v38 =	vmul.f32 v1, v37  }
0xd7: {  	v39 =	vperm.xlane v10, v4;
	v13 =	vmul.f32 v1, v13;
	v8 =	vadd.f32 v14, v8  }
0xd8: {  	v14 =	vperm.xlane v12, v2;
	v42 =	vmul.f32 v1, v19;
	v7 =	vadd.f32 v38, v7  }
0xd9: {  	v41 =	vmul.f32 v1, v39;
	v9 =	vadd.f32 v13, v9;
	v15 =	vmul.f32 v40, v15  }
0xda: {  	v43 =	vperm.xlane v8, v4;
	v14 =	vmul.f32 v0, v14;
	v11 =	vadd.f32 v42, v11  }
0xdb: {  	v13 =	vperm.xlane v7, v5;
	v10 =	vadd.f32 v41, v10;
	v46 =	vperm.xlane v9, v5  }
0xdc: {  	v49 =	vperm.xlane v15, v2;
	v45 =	vmul.f32 v1, v43  }
0xdd: {  	v12 =	vadd.f32 v14, v12;
	v47 =	vperm.xlane v11, v5;
	v14 =	vperm.xlane v10, v5  }
0xde: {  	v48 =	vmul.f32 v3, v46;
	v13 =	vmul.f32 v3, v13;
	v8 =	vadd.f32 v45, v8  }
0xdf: {  	v21 =	vperm.xlane v12, v4;
	v14 =	vmul.f32 v3, v14  }
0xe0: {  	v18 =	vmul.f32 v3, v47;
	v17 =	vadd.f32 v48, v9;
	v9 =	vperm.xlane v8, v5  }
0xe1: {  	v7 =	vadd.f32 v13, v7;
	v14 =	vadd.f32 v14, v10;
	v10 =	vmul.f32 v1, v21  }
0xe2: {  	v11 =	vadd.f32 v18, v11;
	(v2sf) =	vpush v17, $0x7;
	v9 =	vmul.f32 v3, v9  }
0xe3: {  	v19 =	vmul.f32 v0, v49;
	(v2sf) =	vpush v14, $0x7;
	v10 =	vadd.f32 v10, v12  }
0xe4: {  	v52 =	vbroadcast v17, $0x7;
	v51 =	vadd.f32 v9, v8;
	(v2sf) =	vpush v17, $0xF  }
0xe5: {  	v9 =	vadd.f32 v19, v15;
	v15 =	vmul.f32 v0, v50;
	(v2sf) =	vpush v11, $0x7  }
0xe6: {  	v58 =	vbroadcast v7, $0x7;
	v12 =	vbroadcast v11, $0x7;
	(v2sf) =	vpush v11, $0xF  }
0xe7: {  	v53 =	vperm.xlane v10, v5;
	v15 =	vadd.f32 v15, v16;
	(v2sf) =	vpush v51, $0xF  }
0xe8: {  	v12 =	vmul.f32 v6, v12;
	v54 =	vperm.xlane v9, v4  }
0xe9: {  	v19 =	vmul.f32 v3, v53;
	v55 =	vperm.xlane v15, v4;
	(v2sf) =	vpush v14, $0xF  }
0xea: {  	v56 =	vmul.f32 v6, v52;
	v13 =	vmul.f32 v1, v54  }
0xeb: {  	v11 =	vadd.f32 v12, v11;
	v10 =	vadd.f32 v19, v10;
	v57 =	vmul.f32 v1, v55  }
0xec: {  	v59 =	vmul.f32 v6, v58;
	(v2sf) =	vpush v7, $0x7;
	v13 =	vadd.f32 v13, v9  }
0xed: {  	v8 =	vbroadcast v14, $0x7;
	(v2sf) =	vpush v10, $0xF;
	v15 =	vadd.f32 v57, v15  }
0xee: {  	v9 =	vbroadcast v10, $0x7;
	(v2sf) =	vpush v10, $0x7;
	v60 =	vperm.xlane v13, v5  }
0xef: {  	s11 =	simm.f32 $0.0e+00;
	v16 =	vadd.f32 v56, v17;
	(v2sf) =	vpush v7, $0xF;
	v12 =	vperm.xlane v15, v5  }
0xf0: {  	v62 =	vadd.f32 s11, v11;
	v9 =	vmul.f32 v6, v9;
	v61 =	vmul.f32 v3, v60  }
0xf1: {  	v7 =	vadd.f32 v59, v7;
	s19 =	spop (v2sf);
	(v2sf) =	vpush v51, $0x7;
	v12 =	vmul.f32 v3, v12  }
0xf2: {  	v9 =	vadd.f32 v9, v10;
	v10 =	vadd.f32 v61, v13;
	v13 =	vbroadcast v51, $0x7;
	s25 =	spop (v2sf)  }
0xf3: {  	v11 =	vmul.f32 v6, v8;
	v8 =	vadd.f32 v12, v15;
	v15 =	vadd.f32 s11, v16;
	s24 =	spop (v2sf)  }
0xf4: {  	v63 =	vmul.f32 v6, v13;
	v18 =	vbroadcast v10, $0x7;
	(v2sf) =	vpush v10, $0x7;
	s14 =	sadd.f32 s24, s19;
	s16 =	spop (v2sf)  }
0xf5: {  	s10 =	simm.s32 $0x40;
	p0 =	por !p0, !p0;
	v12 =	vadd.f32 v11, v14;
	v13 =	vbroadcast v8, $0x7;
	[tilespmem:s30+$0x4000] =	vst v15;
	(v2sf) =	vpush v8, $0x7;
	s19 =	spop (v2sf)  }
0xf6: {  	s9 =	sadd.s32 $0x1, s28;
	v11 =	vadd.f32 v63, v51;
	v14 =	vmul.f32 v6, v18;
	[tilespmem:s23+$0x4000] =	vst v62;
	(v2sf) =	vpush v10, $0xF;
	s24 =	sadd.f32 s14, s11;
	s23 =	spop (v2sf)  }
.LBB2_5:
0xf7: {  	s16 =	sadd.f32 s19, s16  }
0xf8: {  	s31 =	sadd.s32 $0x80, s31;
	s19 =	spop (v2sf);
	(v2sf) =	vpush v8, $0xF;
	s14 =	smov.u32 s10  }
0xf9: {  	p1 =	sne.s32 s10, $0x1FC0;
	s10 =	sadd.s32 $0x40, s10;
	v10 =	vadd.f32 v14, v10;
	v9 =	vadd.f32 s24, v9;
	s19 =	sadd.f32 s19, s25  }
0xfa: {  	s11 =	sadd.f32 s16, s11  }
0xfb: {  	[tilespmem:s30+$0x4010] =	vst v9;
	s16 =	spop (v2sf)  }
0xfc: {  	v9 =	vadd.f32 s11, v12;
	s11 =	sadd.f32 s19, s11;
	s19 =	spop (v2sf)  }
0xfd: {  	s25 =	spop (v2sf)  }
0xfe: {  	s19 =	sadd.f32 s19, s25;
	[tilespmem:s1+$0x4000] =	vst v9;
	s1 =	spop (v2sf)  }
0xff: {  	s1 =	sadd.f32 s1, s16  }
0x100: {  	v9 =	vmul.f32 v6, v13;
	s16 =	sadd.f32 s19, s24;
	s19 =	spop (v2sf)  }
0x101: {  	s19 =	sadd.f32 s23, s19  }
0x102: {  	v8 =	vadd.f32 v9, v8;
	v7 =	vadd.f32 s16, v7;
	s1 =	sadd.f32 s1, s16  }
0x103: {  	v9 =	vadd.f32 s11, v11;
	s11 =	sadd.f32 s19, s11  }
0x104: {  	[tilespmem:s30+$0x4020] =	vst v7;
	v7 =	vadd.f32 s1, v8;
	s16 =	spop (v2sf)  }
0x105: {  	s23 =	simm.s32 $0x1;
	s19 =	sand.u32 $0x3F00, s31;
	[tilespmem:s3+$0x4000] =	vst v9;
	v8 =	vadd.f32 s11, v10;
	s3 =	spop (v2sf)  }
0x106: {  	s14 =	sand.u32 $0x40, s14;
	s23 =	simm.s32 @!p0 $0x0;
	[tilespmem:s30+$0x4030] =	vst v7;
	s24 =	spop (v2sf)  }
0x107: {  	s23 =	sshll.u32 s23, $0x6;
	s30 =	sor.u32 s14, s19;
	[tilespmem:s8+$0x4000] =	vst v8;
	s8 =	spop (v2sf)  }
0x108: {  	s14 =	sadd.s32 s23, s31;
	v7 =	vld [tilespmem:s30+$0x10020];
	s3 =	sadd.f32 s8, s3  }
0x109: {  	s23 =	sor.u32 $0x80, s14;
	s16 =	sadd.f32 s24, s16;
	s8 =	sadd.s32 $0x10, s14;
	v8 =	vld [tilespmem:s30+$0x4020]  }
0x10a: {  	s19 =	sadd.s32 $0x30, s14;
	v9 =	vld [tilespmem:s30+$0x10000];
	s24 =	sadd.f32 s3, s1  }
0x10b: {  	s11 =	sadd.f32 s16, s11;
	s1 =	sor.u32 $0x80, s8;
	v10 =	vld [tilespmem:s30+$0x4000]  }
0x10c: {  	v11 =	vld [tilespmem:s23+$0x4000]  }
0x10d: {  	v12 =	vld [tilespmem:s23+$0x10000]  }
0x10e: {  	s3 =	sadd.s32 $0x20, s14;
	v13 =	vld [tilespmem:s1+$0x4000];
	v7 =	vmul.f32 v7, v8  }
0x10f: {  	s3 =	sor.u32 $0x80, s3;
	v8 =	vld [tilespmem:s1+$0x10000]  }
0x110: {  	v9 =	vmul.f32 v9, v10;
	v10 =	vld [tilespmem:s3+$0x4000];
	v14 =	vperm.xlane v7, v2  }
0x111: {  	v15 =	vld [tilespmem:s3+$0x10000]  }
0x112: {  	v11 =	vmul.f32 v12, v11;
	v12 =	vmul.f32 v0, v14  }
0x113: {  	v16 =	vperm.xlane v9, v2;
	v14 =	vld [tilespmem:s30+$0x10010]  }
0x114: {  	s8 =	sor.u32 $0x80, s19;
	v17 =	vld [tilespmem:s30+$0x4010];
	v8 =	vmul.f32 v8, v13;
	v13 =	vperm.xlane v11, v2;
	v7 =	vadd.f32 v12, v7  }
0x115: {  	v16 =	vmul.f32 v0, v16;
	v12 =	vld [tilespmem:s8+$0x4000]  }
0x116: {  	v10 =	vmul.f32 v15, v10;
	v15 =	vld [tilespmem:s8+$0x10000];
	v18 =	vperm.xlane v8, v2  }
0x117: {  	v13 =	vmul.f32 v0, v13;
	v9 =	vadd.f32 v16, v9;
	v16 =	vperm.xlane v7, v4  }
0x118: {  	v19 =	vperm.xlane v10, v2;
	v18 =	vmul.f32 v0, v18  }
0x119: {  	v11 =	vadd.f32 v13, v11;
	v13 =	vmul.f32 v1, v16;
	v14 =	vmul.f32 v14, v17  }
0x11a: {  	v16 =	vperm.xlane v9, v4;
	v8 =	vadd.f32 v18, v8  }
0x11b: {  	v17 =	vmul.f32 v0, v19;
	v18 =	vperm.xlane v11, v4;
	v7 =	vadd.f32 v13, v7  }
0x11c: {  	v13 =	vperm.xlane v14, v2;
	v19 =	vperm.xlane v8, v4  }
0x11d: {  	v16 =	vmul.f32 v1, v16;
	v10 =	vadd.f32 v17, v10;
	v17 =	vperm.xlane v7, v5  }
0x11e: {  	v18 =	vmul.f32 v1, v18;
	v20 =	vld [tilespmem:s30+$0x4030];
	v19 =	vmul.f32 v1, v19  }
0x11f: {  	v12 =	vmul.f32 v15, v12;
	v9 =	vadd.f32 v16, v9;
	v15 =	vperm.xlane v10, v4;
	v21 =	vld [tilespmem:s30+$0x10030]  }
0x120: {  	v13 =	vmul.f32 v0, v13;
	v11 =	vadd.f32 v18, v11;
	v8 =	vadd.f32 v19, v8  }
0x121: {  	v16 =	vperm.xlane v9, v5;
	v15 =	vmul.f32 v1, v15  }
0x122: {  	v13 =	vadd.f32 v13, v14;
	v14 =	vperm.xlane v11, v5;
	v18 =	vperm.xlane v8, v5  }
0x123: {  	v19 =	vperm.xlane v12, v2;
	v10 =	vadd.f32 v15, v10;
	v15 =	vmul.f32 v3, v16  }
0x124: {  	v16 =	vmul.f32 v21, v20;
	v18 =	vmul.f32 v3, v18  }
0x125: {  	v20 =	vperm.xlane v13, v4;
	v21 =	vperm.xlane v10, v5;
	v15 =	vadd.f32 v15, v9  }
0x126: {  	v14 =	vmul.f32 v3, v14;
	v9 =	vmul.f32 v0, v19;
	v8 =	vadd.f32 v18, v8  }
0x127: {  	v18 =	vmul.f32 v1, v20;
	v19 =	vmul.f32 v3, v21;
	(v2sf) =	vpush v15, $0x7  }
0x128: {  	v11 =	vadd.f32 v14, v11;
	v20 =	vperm.xlane v16, v2;
	(v2sf) =	vpush v8, $0x7  }
0x129: {  	v13 =	vadd.f32 v18, v13;
	v14 =	vadd.f32 v19, v10;
	v10 =	vbroadcast v8, $0x7  }
0x12a: {  	v9 =	vadd.f32 v9, v12;
	v12 =	vbroadcast v11, $0x7;
	(v2sf) =	vpush v15, $0xF  }
0x12b: {  	v18 =	vmul.f32 v0, v20;
	v19 =	vbroadcast v15, $0x7;
	(v2sf) =	vpush v11, $0x7  }
0x12c: {  	v20 =	vperm.xlane v9, v4;
	v21 =	vperm.xlane v13, v5;
	(v2sf) =	vpush v11, $0xF  }
0x12d: {  	v17 =	vmul.f32 v3, v17;
	v16 =	vadd.f32 v18, v16;
	(v2sf) =	vpush v14, $0xF  }
0x12e: {  	v12 =	vmul.f32 v6, v12;
	v18 =	vmul.f32 v3, v21;
	(v2sf) =	vpush v8, $0xF  }
0x12f: {  	v7 =	vadd.f32 v17, v7;
	v20 =	vmul.f32 v1, v20;
	v21 =	vperm.xlane v16, v4  }
0x130: {  	v17 =	vmul.f32 v6, v19;
	v11 =	vadd.f32 v12, v11;
	v13 =	vadd.f32 v18, v13  }
0x131: {  	v12 =	vmul.f32 v1, v21;
	v18 =	vbroadcast v7, $0x7;
	(v2sf) =	vpush v7, $0x7  }
0x132: {  	v19 =	vadd.f32 v20, v9;
	v9 =	vbroadcast v13, $0x7;
	(v2sf) =	vpush v13, $0xF  }
0x133: {  	v16 =	vadd.f32 v12, v16;
	v12 =	vmul.f32 v6, v18;
	(v2sf) =	vpush v13, $0x7  }
0x134: {  	v18 =	vperm.xlane v19, v5;
	v9 =	vmul.f32 v6, v9;
	(v2sf) =	vpush v7, $0xF  }
0x135: {  	v10 =	vmul.f32 v6, v10;
	v20 =	vperm.xlane v16, v5;
	v7 =	vadd.f32 v12, v7  }
0x136: {  	v18 =	vmul.f32 v3, v18;
	v9 =	vadd.f32 v9, v13;
	s14 =	spop (v2sf);
	(v2sf) =	vpush v14, $0x7  }
0x137: {  	v15 =	vadd.f32 v17, v15;
	v13 =	vmul.f32 v3, v20;
	v12 =	vadd.f32 v10, v8;
	s25 =	spop (v2sf)  }
.Ltmp1:
0x138: {  	v17 =	vbroadcast v14, $0x7;
	v10 =	vadd.f32 v18, v19;
	v18 =	vadd.f32 s11, v11;
	(pc) =	sbr.rel @p1 .LBB2_5-.Ltmp1, $4  }
0x139: {  	v11 =	vadd.f32 s24, v15;
	v8 =	vadd.f32 v13, v16;
	s16 =	spop (v2sf)  }
0x13a: {  	v15 =	vmul.f32 v6, v17;
	v16 =	vbroadcast v10, $0x7;
	s14 =	sadd.f32 s16, s14;
	s16 =	spop (v2sf);
	(v2sf) =	vpush v10, $0x7  }
0x13b: {  	v13 =	vbroadcast v8, $0x7;
	[tilespmem:s30+$0x4000] =	vst v11;
	(v2sf) =	vpush v8, $0x7;
	s19 =	spop (v2sf)  }
0x13c: {  	p0 =	por !p0, !p0;
	v11 =	vadd.f32 v15, v14;
	v14 =	vmul.f32 v6, v16;
	s24 =	sadd.f32 s14, s24;
	[tilespmem:s23+$0x4000] =	vst v18;
	s23 =	spop (v2sf);
	(v2sf) =	vpush v10, $0xF  }
0x13d: {  	_ = 	snop  }
0x13e: {  	s10 =	spop (v2sf);
	s14 =	sadd.f32 s19, s16  }
0x13f: {  	s10 =	sadd.f32 s10, s25  }
0x140: {  	s11 =	sadd.f32 s14, s11;
	s16 =	spop (v2sf)  }
0x141: {  	s31 =	spop (v2sf);
	(v2sf) =	vpush v8, $0xF  }
0x142: {  	s10 =	sadd.f32 s10, s11;
	s25 =	spop (v2sf)  }
0x143: {  	s14 =	sadd.f32 s31, s25;
	s31 =	spop (v2sf)  }
0x144: {  	s16 =	sadd.f32 s31, s16  }
0x145: {  	v13 =	vmul.f32 v6, v13;
	v9 =	vadd.f32 s24, v9;
	s14 =	sadd.f32 s14, s24;
	s25 =	spop (v2sf)  }
0x146: {  	v12 =	vadd.f32 s11, v12;
	s31 =	sadd.f32 s23, s25  }
0x147: {  	[tilespmem:s30+$0x4010] =	vst v9;
	v8 =	vadd.f32 v13, v8;
	v7 =	vadd.f32 s14, v7;
	s14 =	sadd.f32 s16, s14  }
0x148: {  	v9 =	vadd.f32 v14, v10;
	[tilespmem:s1+$0x4000] =	vst v12;
	v10 =	vadd.f32 s10, v11;
	s16 =	sadd.f32 s31, s10  }
0x149: {  	s19 =	sshll.u32 s9, $0xB;
	s23 =	sshll.u32 s9, $0x5;
	[tilespmem:s30+$0x4020] =	vst v7;
	v7 =	vadd.f32 s14, v8  }
0x14a: {  	s24 =	sadd.s32 s7, s19;
	s25 =	sand.u32 $0x60, s23;
	[tilespmem:s3+$0x4000] =	vst v10;
	v8 =	vadd.f32 s16, v9  }
0x14b: {  	s1 =	sand.u32 $0x7FE000, s24;
	s3 =	sadd.s32 s4, s25;
	[tilespmem:s30+$0x4030] =	vst v7  }
0x14c: {  	s31 =	spop (v2sf);
	s1 =	sadd.s32 s1, s3;
	[tilespmem:s8+$0x4000] =	vst v8  }
0x14d: {  	[hbm4b:s1+s12] =	stream.strided.scatter [tilespmem:s15], [sflag:$0x5], $0x4000, s13, s12, $0x38;
	[tilespmem:$0x18000] =	vst v63  }
0x14e: {  	s10 =	spop (v2sf);
	s1 =	sadd.s32 $0x6, s29  }
0x14f: {  	s11 =	spop (v2sf);
	s3 =	sadd.s32 s6, s1  }
0x150: {  	s1 =	sshll.u32 s1, $0x4;
	s3 =	sshll.u32 s3, $0xA;
	s14 =	spop (v2sf)  }
0x151: {  	s1 =	sand.u32 $0x60, s1;
	s3 =	sand.u32 $0x7FE000, s3;
	_ =	swait.ge [sflag:s21], $0x4000  }
0x152: {  	s1 =	sor.u32 s1, s3;
	[sflag:s21] =	ssyncset.done $0x0  }
0x153: {  	s30 =	simm.s32 $0x0;
	s3 =	sadd.s32 s0, s1;
	[sflag:s21] =	ssyncadd.s32 $0xFFFFC000  }
0x154: {  	[tilespmem:s30], [sflag:$0x1] =	stream.strided.gather [hbm4b:s3+s12], $0x4000, s13, s12, $0x38;
	[tilespmem:$0x18000] =	vst v63  }
0x155: {  	s16 =	simm.s32 $0xC000;
	s1 =	sadd.s32 s2, s1  }
0x156: {  	[tilespmem:s16], [sflag:$0x1] =	stream.strided.gather [hbm4b:s1+s12], $0x4000, s13, s12, $0x38;
	[tilespmem:$0x18000] =	vst v63  }
0x157: {  	_ =	swait.ge [sflag:s22], $0x4000  }
0x158: {  	[sflag:s22] =	ssyncset.done $0x0  }
0x159: {  	[sflag:s22] =	ssyncadd.s32 $0xFFFFC000  }
0x15a: {  	p0 =	por $0x0, $0x0;
	_ =	swait.ge [sflag:s22], $0x4000  }
0x15b: {  	s19 =	sand.u32 $0x3F00, s30;
	s23 =	sand.u32 $0x40, s30;
	[sflag:s22] =	ssyncset.done $0x0  }
0x15c: {  	s8 =	simm.s32 $0x1;
	s29 =	sor.u32 s23, s19;
	[sflag:s22] =	ssyncadd.s32 $0xFFFFC000  }
0x15d: {  	s8 =	simm.s32 @!p0 $0x0;
	v7 =	vld [tilespmem:s29+$0x14020]  }
0x15e: {  	s24 =	sshll.u32 s8, $0x6;
	v8 =	vld [tilespmem:s29+$0x8020]  }
0x15f: {  	s8 =	sadd.s32 $0x0, s24;
	v9 =	vld [tilespmem:s29+$0x14000]  }
0x160: {  	s11 =	sor.u32 $0x80, s8;
	v10 =	vld [tilespmem:s29+$0x8000]  }
0x161: {  	s1 =	sadd.s32 $0x10, s8;
	v11 =	vld [tilespmem:s11+$0x8000]  }
0x162: {  	s1 =	sor.u32 $0x80, s1;
	v12 =	vld [tilespmem:s11+$0x14000]  }
0x163: {  	s25 =	sadd.s32 $0x20, s8;
	v13 =	vld [tilespmem:s1+$0x8000]  }
0x164: {  	s3 =	sor.u32 $0x80, s25;
	v14 =	vld [tilespmem:s1+$0x14000]  }
0x165: {  	v15 =	vld [tilespmem:s3+$0x14000]  }
0x166: {  	v16 =	vld [tilespmem:s29+$0x8010]  }
0x167: {  	v20 =	vld [tilespmem:s29+$0x8030]  }
0x168: {  	v44 =	vld [tilespmem:s29+$0x14030]  }
0x169: {  	v7 =	vmul.f32 v7, v8;
	v8 =	vld [tilespmem:s3+$0x8000];
	v9 =	vmul.f32 v9, v10  }
0x16a: {  	v11 =	vmul.f32 v12, v11;
	v12 =	vld [tilespmem:s29+$0x14010];
	v13 =	vmul.f32 v14, v13  }
0x16b: {  	v10 =	vperm.xlane v7, v2;
	v14 =	vperm.xlane v9, v2  }
0x16c: {  	v17 =	vperm.xlane v11, v2;
	v18 =	vperm.xlane v13, v2  }
0x16d: {  	v10 =	vmul.f32 v0, v10;
	v14 =	vmul.f32 v0, v14  }
0x16e: {  	s8 =	sadd.s32 $0x30, s8;
	v8 =	vmul.f32 v15, v8;
	v15 =	vmul.f32 v0, v17  }
0x16f: {  	s8 =	sor.u32 $0x80, s8;
	v12 =	vmul.f32 v12, v16;
	v16 =	vmul.f32 v44, v20;
	v7 =	vadd.f32 v10, v7  }
0x170: {  	v40 =	vld [tilespmem:s8+$0x14000];
	v10 =	vmul.f32 v0, v18;
	v9 =	vadd.f32 v14, v9;
	v14 =	vperm.xlane v8, v2  }
0x171: {  	v11 =	vadd.f32 v15, v11;
	v15 =	vld [tilespmem:s8+$0x8000];
	v50 =	vperm.xlane v16, v2;
	v37 =	vperm.xlane v7, v4  }
0x172: {  	v10 =	vadd.f32 v10, v13;
	v13 =	vperm.xlane v9, v4;
	v14 =	vmul.f32 v0, v14  }
0x173: {  	v19 =	vperm.xlane v11, v4;
	v38 =	vmul.f32 v1, v37  }
0x174: {  	v39 =	vperm.xlane v10, v4;
	v13 =	vmul.f32 v1, v13;
	v8 =	vadd.f32 v14, v8  }
0x175: {  	v14 =	vperm.xlane v12, v2;
	v42 =	vmul.f32 v1, v19;
	v7 =	vadd.f32 v38, v7  }
0x176: {  	v41 =	vmul.f32 v1, v39;
	v9 =	vadd.f32 v13, v9;
	v15 =	vmul.f32 v40, v15  }
0x177: {  	v43 =	vperm.xlane v8, v4;
	v14 =	vmul.f32 v0, v14;
	v11 =	vadd.f32 v42, v11  }
0x178: {  	v13 =	vperm.xlane v7, v5;
	v10 =	vadd.f32 v41, v10;
	v46 =	vperm.xlane v9, v5  }
0x179: {  	v49 =	vperm.xlane v15, v2;
	v45 =	vmul.f32 v1, v43  }
0x17a: {  	v12 =	vadd.f32 v14, v12;
	v47 =	vperm.xlane v11, v5;
	v14 =	vperm.xlane v10, v5  }
0x17b: {  	v48 =	vmul.f32 v3, v46;
	v13 =	vmul.f32 v3, v13;
	v8 =	vadd.f32 v45, v8  }
0x17c: {  	v21 =	vperm.xlane v12, v4;
	v14 =	vmul.f32 v3, v14  }
0x17d: {  	v18 =	vmul.f32 v3, v47;
	v17 =	vadd.f32 v48, v9;
	v9 =	vperm.xlane v8, v5  }
0x17e: {  	v7 =	vadd.f32 v13, v7;
	v14 =	vadd.f32 v14, v10;
	v10 =	vmul.f32 v1, v21  }
0x17f: {  	v11 =	vadd.f32 v18, v11;
	(v2sf) =	vpush v17, $0x7;
	v9 =	vmul.f32 v3, v9  }
0x180: {  	v19 =	vmul.f32 v0, v49;
	(v2sf) =	vpush v14, $0x7;
	v10 =	vadd.f32 v10, v12  }
0x181: {  	v52 =	vbroadcast v17, $0x7;
	v51 =	vadd.f32 v9, v8;
	(v2sf) =	vpush v17, $0xF  }
0x182: {  	v9 =	vadd.f32 v19, v15;
	v15 =	vmul.f32 v0, v50;
	(v2sf) =	vpush v11, $0x7  }
0x183: {  	v58 =	vbroadcast v7, $0x7;
	v12 =	vbroadcast v11, $0x7;
	(v2sf) =	vpush v11, $0xF  }
0x184: {  	v53 =	vperm.xlane v10, v5;
	v15 =	vadd.f32 v15, v16;
	(v2sf) =	vpush v51, $0xF  }
0x185: {  	v12 =	vmul.f32 v6, v12;
	v54 =	vperm.xlane v9, v4  }
0x186: {  	v19 =	vmul.f32 v3, v53;
	v55 =	vperm.xlane v15, v4;
	(v2sf) =	vpush v14, $0xF  }
0x187: {  	v56 =	vmul.f32 v6, v52;
	v13 =	vmul.f32 v1, v54  }
0x188: {  	v11 =	vadd.f32 v12, v11;
	v10 =	vadd.f32 v19, v10;
	v57 =	vmul.f32 v1, v55  }
0x189: {  	v59 =	vmul.f32 v6, v58;
	(v2sf) =	vpush v7, $0x7;
	v13 =	vadd.f32 v13, v9  }
0x18a: {  	v8 =	vbroadcast v14, $0x7;
	(v2sf) =	vpush v10, $0xF;
	v15 =	vadd.f32 v57, v15  }
0x18b: {  	v9 =	vbroadcast v10, $0x7;
	(v2sf) =	vpush v10, $0x7;
	v60 =	vperm.xlane v13, v5  }
0x18c: {  	s10 =	simm.f32 $0.0e+00;
	v16 =	vadd.f32 v56, v17;
	(v2sf) =	vpush v7, $0xF;
	v12 =	vperm.xlane v15, v5  }
0x18d: {  	v62 =	vadd.f32 s10, v11;
	v9 =	vmul.f32 v6, v9;
	v61 =	vmul.f32 v3, v60  }
0x18e: {  	v7 =	vadd.f32 v59, v7;
	s9 =	spop (v2sf);
	(v2sf) =	vpush v51, $0x7;
	v12 =	vmul.f32 v3, v12  }
0x18f: {  	v9 =	vadd.f32 v9, v10;
	v10 =	vadd.f32 v61, v13;
	v13 =	vbroadcast v51, $0x7;
	s24 =	spop (v2sf)  }
0x190: {  	v11 =	vmul.f32 v6, v8;
	v8 =	vadd.f32 v12, v15;
	v15 =	vadd.f32 s10, v16;
	s31 =	spop (v2sf)  }
0x191: {  	v63 =	vmul.f32 v6, v13;
	v18 =	vbroadcast v10, $0x7;
	(v2sf) =	vpush v10, $0x7;
	s14 =	sadd.f32 s31, s9;
	s16 =	spop (v2sf)  }
0x192: {  	p0 =	por !p0, !p0;
	v12 =	vadd.f32 v11, v14;
	v13 =	vbroadcast v8, $0x7;
	[tilespmem:s29+$0x8000] =	vst v15;
	(v2sf) =	vpush v8, $0x7;
	s19 =	spop (v2sf)  }
0x193: {  	s9 =	simm.s32 $0x40;
	v11 =	vadd.f32 v63, v51;
	v14 =	vmul.f32 v6, v18;
	[tilespmem:s11+$0x8000] =	vst v62;
	(v2sf) =	vpush v10, $0xF;
	s23 =	sadd.f32 s14, s10;
	s11 =	spop (v2sf)  }
.LBB2_7:
0x194: {  	s14 =	sadd.f32 s19, s16  }
0x195: {  	s30 =	sadd.s32 $0x80, s30;
	s16 =	spop (v2sf);
	(v2sf) =	vpush v8, $0xF;
	s19 =	smov.u32 s9  }
0x196: {  	p1 =	sne.s32 s9, $0x1FC0;
	s9 =	sadd.s32 $0x40, s9;
	v10 =	vadd.f32 v14, v10;
	v9 =	vadd.f32 s23, v9;
	s16 =	sadd.f32 s16, s24  }
0x197: {  	s10 =	sadd.f32 s14, s10  }
0x198: {  	[tilespmem:s29+$0x8010] =	vst v9;
	s14 =	spop (v2sf)  }
0x199: {  	v9 =	vadd.f32 s10, v12;
	s10 =	sadd.f32 s16, s10;
	s16 =	spop (v2sf)  }
0x19a: {  	s24 =	spop (v2sf)  }
0x19b: {  	s16 =	sadd.f32 s16, s24;
	[tilespmem:s1+$0x8000] =	vst v9;
	s1 =	spop (v2sf)  }
0x19c: {  	s1 =	sadd.f32 s1, s14  }
0x19d: {  	v9 =	vmul.f32 v6, v13;
	s14 =	sadd.f32 s16, s23;
	s16 =	spop (v2sf)  }
0x19e: {  	s11 =	sadd.f32 s11, s16  }
0x19f: {  	v8 =	vadd.f32 v9, v8;
	v7 =	vadd.f32 s14, v7;
	s1 =	sadd.f32 s1, s14  }
0x1a0: {  	v9 =	vadd.f32 s10, v11;
	s10 =	sadd.f32 s11, s10  }
0x1a1: {  	[tilespmem:s29+$0x8020] =	vst v7;
	v7 =	vadd.f32 s1, v8;
	s14 =	spop (v2sf)  }
0x1a2: {  	s16 =	simm.s32 $0x1;
	s11 =	sand.u32 $0x3F00, s30;
	[tilespmem:s3+$0x8000] =	vst v9;
	v8 =	vadd.f32 s10, v10;
	s3 =	spop (v2sf)  }
0x1a3: {  	s19 =	sand.u32 $0x40, s19;
	s16 =	simm.s32 @!p0 $0x0;
	[tilespmem:s29+$0x8030] =	vst v7;
	s23 =	spop (v2sf)  }
0x1a4: {  	s16 =	sshll.u32 s16, $0x6;
	s29 =	sor.u32 s19, s11;
	[tilespmem:s8+$0x8000] =	vst v8;
	s8 =	spop (v2sf)  }
0x1a5: {  	s16 =	sadd.s32 s16, s30;
	v7 =	vld [tilespmem:s29+$0x14020];
	s3 =	sadd.f32 s8, s3  }
0x1a6: {  	s11 =	sor.u32 $0x80, s16;
	s14 =	sadd.f32 s23, s14;
	s8 =	sadd.s32 $0x10, s16;
	v8 =	vld [tilespmem:s29+$0x8020]  }
0x1a7: {  	s19 =	sadd.s32 $0x30, s16;
	v9 =	vld [tilespmem:s29+$0x14000];
	s23 =	sadd.f32 s3, s1  }
0x1a8: {  	s10 =	sadd.f32 s14, s10;
	s1 =	sor.u32 $0x80, s8;
	v10 =	vld [tilespmem:s29+$0x8000]  }
0x1a9: {  	v11 =	vld [tilespmem:s11+$0x8000]  }
0x1aa: {  	v12 =	vld [tilespmem:s11+$0x14000]  }
0x1ab: {  	s3 =	sadd.s32 $0x20, s16;
	v13 =	vld [tilespmem:s1+$0x8000];
	v7 =	vmul.f32 v7, v8  }
0x1ac: {  	s3 =	sor.u32 $0x80, s3;
	v8 =	vld [tilespmem:s1+$0x14000]  }
0x1ad: {  	v9 =	vmul.f32 v9, v10;
	v10 =	vld [tilespmem:s3+$0x8000];
	v14 =	vperm.xlane v7, v2  }
0x1ae: {  	v15 =	vld [tilespmem:s3+$0x14000]  }
0x1af: {  	v11 =	vmul.f32 v12, v11;
	v12 =	vmul.f32 v0, v14  }
0x1b0: {  	v16 =	vperm.xlane v9, v2;
	v14 =	vld [tilespmem:s29+$0x14010]  }
0x1b1: {  	s8 =	sor.u32 $0x80, s19;
	v17 =	vld [tilespmem:s29+$0x8010];
	v8 =	vmul.f32 v8, v13;
	v13 =	vperm.xlane v11, v2;
	v7 =	vadd.f32 v12, v7  }
0x1b2: {  	v16 =	vmul.f32 v0, v16;
	v12 =	vld [tilespmem:s8+$0x8000]  }
0x1b3: {  	v10 =	vmul.f32 v15, v10;
	v15 =	vld [tilespmem:s8+$0x14000];
	v18 =	vperm.xlane v8, v2  }
0x1b4: {  	v13 =	vmul.f32 v0, v13;
	v9 =	vadd.f32 v16, v9;
	v16 =	vperm.xlane v7, v4  }
0x1b5: {  	v19 =	vperm.xlane v10, v2;
	v18 =	vmul.f32 v0, v18  }
0x1b6: {  	v11 =	vadd.f32 v13, v11;
	v13 =	vmul.f32 v1, v16;
	v14 =	vmul.f32 v14, v17  }
0x1b7: {  	v16 =	vperm.xlane v9, v4;
	v8 =	vadd.f32 v18, v8  }
0x1b8: {  	v17 =	vmul.f32 v0, v19;
	v18 =	vperm.xlane v11, v4;
	v7 =	vadd.f32 v13, v7  }
0x1b9: {  	v13 =	vperm.xlane v14, v2;
	v19 =	vperm.xlane v8, v4  }
0x1ba: {  	v16 =	vmul.f32 v1, v16;
	v10 =	vadd.f32 v17, v10;
	v17 =	vperm.xlane v7, v5  }
0x1bb: {  	v18 =	vmul.f32 v1, v18;
	v20 =	vld [tilespmem:s29+$0x8030];
	v19 =	vmul.f32 v1, v19  }
0x1bc: {  	v12 =	vmul.f32 v15, v12;
	v9 =	vadd.f32 v16, v9;
	v15 =	vperm.xlane v10, v4;
	v21 =	vld [tilespmem:s29+$0x14030]  }
0x1bd: {  	v13 =	vmul.f32 v0, v13;
	v11 =	vadd.f32 v18, v11;
	v8 =	vadd.f32 v19, v8  }
0x1be: {  	v16 =	vperm.xlane v9, v5;
	v15 =	vmul.f32 v1, v15  }
0x1bf: {  	v13 =	vadd.f32 v13, v14;
	v14 =	vperm.xlane v11, v5;
	v18 =	vperm.xlane v8, v5  }
0x1c0: {  	v19 =	vperm.xlane v12, v2;
	v10 =	vadd.f32 v15, v10;
	v15 =	vmul.f32 v3, v16  }
0x1c1: {  	v16 =	vmul.f32 v21, v20;
	v18 =	vmul.f32 v3, v18  }
0x1c2: {  	v20 =	vperm.xlane v13, v4;
	v21 =	vperm.xlane v10, v5;
	v15 =	vadd.f32 v15, v9  }
0x1c3: {  	v14 =	vmul.f32 v3, v14;
	v9 =	vmul.f32 v0, v19;
	v8 =	vadd.f32 v18, v8  }
0x1c4: {  	v18 =	vmul.f32 v1, v20;
	v19 =	vmul.f32 v3, v21;
	(v2sf) =	vpush v15, $0x7  }
0x1c5: {  	v11 =	vadd.f32 v14, v11;
	v20 =	vperm.xlane v16, v2;
	(v2sf) =	vpush v8, $0x7  }
0x1c6: {  	v13 =	vadd.f32 v18, v13;
	v14 =	vadd.f32 v19, v10;
	v10 =	vbroadcast v8, $0x7  }
0x1c7: {  	v9 =	vadd.f32 v9, v12;
	v12 =	vbroadcast v11, $0x7;
	(v2sf) =	vpush v15, $0xF  }
0x1c8: {  	v18 =	vmul.f32 v0, v20;
	v19 =	vbroadcast v15, $0x7;
	(v2sf) =	vpush v11, $0x7  }
0x1c9: {  	v20 =	vperm.xlane v9, v4;
	v21 =	vperm.xlane v13, v5;
	(v2sf) =	vpush v11, $0xF  }
0x1ca: {  	v17 =	vmul.f32 v3, v17;
	v16 =	vadd.f32 v18, v16;
	(v2sf) =	vpush v14, $0xF  }
0x1cb: {  	v12 =	vmul.f32 v6, v12;
	v18 =	vmul.f32 v3, v21;
	(v2sf) =	vpush v8, $0xF  }
0x1cc: {  	v7 =	vadd.f32 v17, v7;
	v20 =	vmul.f32 v1, v20;
	v21 =	vperm.xlane v16, v4  }
0x1cd: {  	v17 =	vmul.f32 v6, v19;
	v11 =	vadd.f32 v12, v11;
	v13 =	vadd.f32 v18, v13  }
0x1ce: {  	v12 =	vmul.f32 v1, v21;
	v18 =	vbroadcast v7, $0x7;
	(v2sf) =	vpush v7, $0x7  }
0x1cf: {  	v19 =	vadd.f32 v20, v9;
	v9 =	vbroadcast v13, $0x7;
	(v2sf) =	vpush v13, $0xF  }
0x1d0: {  	v16 =	vadd.f32 v12, v16;
	v12 =	vmul.f32 v6, v18;
	(v2sf) =	vpush v13, $0x7  }
0x1d1: {  	v18 =	vperm.xlane v19, v5;
	v9 =	vmul.f32 v6, v9;
	(v2sf) =	vpush v7, $0xF  }
0x1d2: {  	v10 =	vmul.f32 v6, v10;
	v20 =	vperm.xlane v16, v5;
	v7 =	vadd.f32 v12, v7  }
0x1d3: {  	v18 =	vmul.f32 v3, v18;
	v9 =	vadd.f32 v9, v13;
	s14 =	spop (v2sf);
	(v2sf) =	vpush v14, $0x7  }
0x1d4: {  	v15 =	vadd.f32 v17, v15;
	v13 =	vmul.f32 v3, v20;
	v12 =	vadd.f32 v10, v8;
	s24 =	spop (v2sf)  }
.Ltmp2:
0x1d5: {  	v17 =	vbroadcast v14, $0x7;
	v10 =	vadd.f32 v18, v19;
	v18 =	vadd.f32 s10, v11;
	(pc) =	sbr.rel @p1 .LBB2_7-.Ltmp2, $4  }
0x1d6: {  	v11 =	vadd.f32 s23, v15;
	v8 =	vadd.f32 v13, v16;
	s16 =	spop (v2sf)  }
0x1d7: {  	v15 =	vmul.f32 v6, v17;
	v16 =	vbroadcast v10, $0x7;
	s14 =	sadd.f32 s16, s14;
	s16 =	spop (v2sf);
	(v2sf) =	vpush v10, $0x7  }
0x1d8: {  	v13 =	vbroadcast v8, $0x7;
	[tilespmem:s29+$0x8000] =	vst v11;
	(v2sf) =	vpush v8, $0x7;
	s19 =	spop (v2sf)  }
0x1d9: {  	p0 =	por !p0, !p0;
	v11 =	vadd.f32 v15, v14;
	v14 =	vmul.f32 v6, v16;
	s23 =	sadd.f32 s14, s23;
	[tilespmem:s11+$0x8000] =	vst v18;
	s11 =	spop (v2sf);
	(v2sf) =	vpush v10, $0xF  }
0x1da: {  	_ = 	snop  }
0x1db: {  	s9 =	spop (v2sf);
	s14 =	sadd.f32 s19, s16  }
0x1dc: {  	(v2sf) =	vpush v8, $0xF;
	s9 =	sadd.f32 s9, s24  }
0x1dd: {  	s10 =	sadd.f32 s14, s10;
	s31 =	spop (v2sf)  }
0x1de: {  	s24 =	spop (v2sf)  }
0x1df: {  	s9 =	sadd.f32 s9, s10;
	s25 =	spop (v2sf)  }
0x1e0: {  	s14 =	sadd.f32 s24, s25;
	s30 =	spop (v2sf)  }
0x1e1: {  	s16 =	sadd.f32 s30, s31  }
0x1e2: {  	v13 =	vmul.f32 v6, v13;
	v9 =	vadd.f32 s23, v9;
	s14 =	sadd.f32 s14, s23;
	s31 =	spop (v2sf)  }
0x1e3: {  	v12 =	vadd.f32 s10, v12;
	s11 =	sadd.f32 s11, s31  }
0x1e4: {  	s19 =	sadd.s32 $0x2, s28;
	v8 =	vadd.f32 v13, v8;
	[tilespmem:s29+$0x8010] =	vst v9;
	v7 =	vadd.f32 s14, v7;
	s14 =	sadd.f32 s16, s14  }
0x1e5: {  	s26 =	sadd.s32 $0x1, s26;
	v62 =	vadd.f32 v14, v10;
	[tilespmem:s1+$0x8000] =	vst v12;
	v63 =	vadd.f32 s9, v11;
	s23 =	sshll.u32 s19, $0xB;
	s16 =	sadd.f32 s11, s9  }
0x1e6: {  	p0 =	sne.s32 s26, $0x15;
	s24 =	sadd.s32 s7, s23;
	s9 =	sshll.u32 s19, $0x5;
	[tilespmem:s29+$0x8020] =	vst v7;
	v7 =	vadd.f32 s14, v8  }
.Ltmp3:
0x1e7: {  	s25 =	sand.u32 $0x60, s9;
	s28 =	spop (v2sf);
	[tilespmem:s3+$0x8000] =	vst v63;
	v8 =	vadd.f32 s16, v62;
	(pc) =	sbr.rel @p0 .LBB2_2-.Ltmp3, $4  }
0x1e8: {  	s1 =	sand.u32 $0x7FE000, s24;
	s3 =	sadd.s32 s4, s25;
	[tilespmem:s29+$0x8030] =	vst v7;
	s29 =	spop (v2sf)  }
0x1e9: {  	s1 =	sadd.s32 s1, s3;
	[tilespmem:s8+$0x8000] =	vst v8;
	s30 =	spop (v2sf)  }
0x1ea: {  	[hbm4b:s1+s12] =	stream.strided.scatter [tilespmem:s18], [sflag:$0x6], $0x4000, s13, s12, $0x38;
	[tilespmem:$0x18000] =	vst v63  }
0x1eb: {  	s31 =	spop (v2sf)  }
0x1ec: {  	s1 =	simm.s32 $0x5  }
0x1ed: {  	_ =	swait.ge [sflag:s1], $0x4000  }
0x1ee: {  	[sflag:s1] =	ssyncset.done $0x0  }
0x1ef: {  	[sflag:s1] =	ssyncadd.s32 $0xFFFFC000  }
0x1f0: {  	_ =	swait.ge [sflag:s17], $0x4000  }
0x1f1: {  	[sflag:s17] =	ssyncset.done $0x0  }
0x1f2: {  	[sflag:s17] =	ssyncadd.s32 $0xFFFFC000  }
0x1f3: {  	s28 =	simm.s32 $0x0;
	p0 =	por $0x0, $0x0;
	_ =	swait.ge [sflag:s17], $0x4000  }
0x1f4: {  	s29 =	sand.u32 $0x3F00, s28;
	s3 =	sand.u32 $0x40, s28;
	[sflag:s17] =	ssyncset.done $0x0  }
0x1f5: {  	s8 =	simm.s32 $0x1;
	s26 =	sor.u32 s3, s29;
	[sflag:s17] =	ssyncadd.s32 $0xFFFFC000  }
0x1f6: {  	s8 =	simm.s32 @!p0 $0x0;
	v7 =	vld [tilespmem:s26+$0xC020]  }
0x1f7: {  	s30 =	sshll.u32 s8, $0x6;
	v8 =	vld [tilespmem:s26+$0x20]  }
0x1f8: {  	s8 =	sadd.s32 $0x0, s30;
	v9 =	vld [tilespmem:s26+$0xC000]  }
0x1f9: {  	s11 =	sor.u32 $0x80, s8;
	v10 =	vld [tilespmem:s26+$0x0]  }
0x1fa: {  	s1 =	sadd.s32 $0x10, s8;
	v11 =	vld [tilespmem:s11+$0x0]  }
0x1fb: {  	s1 =	sor.u32 $0x80, s1;
	v12 =	vld [tilespmem:s11+$0xC000]  }
0x1fc: {  	s31 =	sadd.s32 $0x20, s8;
	v13 =	vld [tilespmem:s1+$0x0]  }
0x1fd: {  	s3 =	sor.u32 $0x80, s31;
	v14 =	vld [tilespmem:s1+$0xC000]  }
0x1fe: {  	v15 =	vld [tilespmem:s3+$0xC000]  }
0x1ff: {  	v16 =	vld [tilespmem:s26+$0x10]  }
0x200: {  	v20 =	vld [tilespmem:s26+$0x30]  }
0x201: {  	v44 =	vld [tilespmem:s26+$0xC030]  }
0x202: {  	v7 =	vmul.f32 v7, v8;
	v8 =	vld [tilespmem:s3+$0x0];
	v9 =	vmul.f32 v9, v10  }
0x203: {  	v11 =	vmul.f32 v12, v11;
	v12 =	vld [tilespmem:s26+$0xC010];
	v13 =	vmul.f32 v14, v13  }
0x204: {  	v10 =	vperm.xlane v7, v2;
	v14 =	vperm.xlane v9, v2  }
0x205: {  	v17 =	vperm.xlane v11, v2;
	v18 =	vperm.xlane v13, v2  }
0x206: {  	v10 =	vmul.f32 v0, v10;
	v14 =	vmul.f32 v0, v14  }
0x207: {  	s8 =	sadd.s32 $0x30, s8;
	v8 =	vmul.f32 v15, v8;
	v15 =	vmul.f32 v0, v17  }
0x208: {  	s8 =	sor.u32 $0x80, s8;
	v12 =	vmul.f32 v12, v16;
	v16 =	vmul.f32 v44, v20;
	v7 =	vadd.f32 v10, v7  }
0x209: {  	v40 =	vld [tilespmem:s8+$0xC000];
	v10 =	vmul.f32 v0, v18;
	v9 =	vadd.f32 v14, v9;
	v14 =	vperm.xlane v8, v2  }
0x20a: {  	v11 =	vadd.f32 v15, v11;
	v15 =	vld [tilespmem:s8+$0x0];
	v50 =	vperm.xlane v16, v2;
	v37 =	vperm.xlane v7, v4  }
0x20b: {  	v10 =	vadd.f32 v10, v13;
	v13 =	vperm.xlane v9, v4;
	v14 =	vmul.f32 v0, v14  }
0x20c: {  	v19 =	vperm.xlane v11, v4;
	v38 =	vmul.f32 v1, v37  }
0x20d: {  	v39 =	vperm.xlane v10, v4;
	v13 =	vmul.f32 v1, v13;
	v8 =	vadd.f32 v14, v8  }
0x20e: {  	v14 =	vperm.xlane v12, v2;
	v42 =	vmul.f32 v1, v19;
	v7 =	vadd.f32 v38, v7  }
0x20f: {  	v41 =	vmul.f32 v1, v39;
	v9 =	vadd.f32 v13, v9;
	v15 =	vmul.f32 v40, v15  }
0x210: {  	v43 =	vperm.xlane v8, v4;
	v14 =	vmul.f32 v0, v14;
	v11 =	vadd.f32 v42, v11  }
0x211: {  	v13 =	vperm.xlane v7, v5;
	v10 =	vadd.f32 v41, v10;
	v46 =	vperm.xlane v9, v5  }
0x212: {  	v49 =	vperm.xlane v15, v2;
	v45 =	vmul.f32 v1, v43  }
0x213: {  	v12 =	vadd.f32 v14, v12;
	v47 =	vperm.xlane v11, v5;
	v14 =	vperm.xlane v10, v5  }
0x214: {  	v48 =	vmul.f32 v3, v46;
	v13 =	vmul.f32 v3, v13;
	v8 =	vadd.f32 v45, v8  }
0x215: {  	v21 =	vperm.xlane v12, v4;
	v14 =	vmul.f32 v3, v14  }
0x216: {  	v18 =	vmul.f32 v3, v47;
	v17 =	vadd.f32 v48, v9;
	v9 =	vperm.xlane v8, v5  }
0x217: {  	v7 =	vadd.f32 v13, v7;
	v14 =	vadd.f32 v14, v10;
	v10 =	vmul.f32 v1, v21  }
0x218: {  	v11 =	vadd.f32 v18, v11;
	(v2sf) =	vpush v17, $0x7;
	v9 =	vmul.f32 v3, v9  }
0x219: {  	v19 =	vmul.f32 v0, v49;
	(v2sf) =	vpush v14, $0x7;
	v10 =	vadd.f32 v10, v12  }
0x21a: {  	v52 =	vbroadcast v17, $0x7;
	v51 =	vadd.f32 v9, v8;
	(v2sf) =	vpush v17, $0xF  }
0x21b: {  	v9 =	vadd.f32 v19, v15;
	v15 =	vmul.f32 v0, v50;
	(v2sf) =	vpush v11, $0x7  }
0x21c: {  	v58 =	vbroadcast v7, $0x7;
	v12 =	vbroadcast v11, $0x7;
	(v2sf) =	vpush v11, $0xF  }
0x21d: {  	v53 =	vperm.xlane v10, v5;
	v15 =	vadd.f32 v15, v16;
	(v2sf) =	vpush v51, $0xF  }
0x21e: {  	v12 =	vmul.f32 v6, v12;
	v54 =	vperm.xlane v9, v4  }
0x21f: {  	v19 =	vmul.f32 v3, v53;
	v55 =	vperm.xlane v15, v4;
	(v2sf) =	vpush v14, $0xF  }
0x220: {  	v56 =	vmul.f32 v6, v52;
	v13 =	vmul.f32 v1, v54  }
0x221: {  	v11 =	vadd.f32 v12, v11;
	v10 =	vadd.f32 v19, v10;
	v57 =	vmul.f32 v1, v55  }
0x222: {  	v59 =	vmul.f32 v6, v58;
	(v2sf) =	vpush v7, $0x7;
	v13 =	vadd.f32 v13, v9  }
0x223: {  	v8 =	vbroadcast v14, $0x7;
	(v2sf) =	vpush v10, $0xF;
	v15 =	vadd.f32 v57, v15  }
0x224: {  	v9 =	vbroadcast v10, $0x7;
	(v2sf) =	vpush v10, $0x7;
	v60 =	vperm.xlane v13, v5  }
0x225: {  	s10 =	simm.f32 $0.0e+00;
	v16 =	vadd.f32 v56, v17;
	(v2sf) =	vpush v7, $0xF;
	v12 =	vperm.xlane v15, v5  }
0x226: {  	v62 =	vadd.f32 s10, v11;
	v9 =	vmul.f32 v6, v9;
	v61 =	vmul.f32 v3, v60  }
0x227: {  	v7 =	vadd.f32 v59, v7;
	s9 =	spop (v2sf);
	(v2sf) =	vpush v51, $0x7;
	v12 =	vmul.f32 v3, v12  }
0x228: {  	v9 =	vadd.f32 v9, v10;
	v10 =	vadd.f32 v61, v13;
	v13 =	vbroadcast v51, $0x7;
	s24 =	spop (v2sf)  }
0x229: {  	v11 =	vmul.f32 v6, v8;
	v8 =	vadd.f32 v12, v15;
	v15 =	vadd.f32 s10, v16;
	s14 =	spop (v2sf)  }
0x22a: {  	v63 =	vmul.f32 v6, v13;
	v18 =	vbroadcast v10, $0x7;
	(v2sf) =	vpush v10, $0x7;
	s14 =	sadd.f32 s14, s9;
	s16 =	spop (v2sf)  }
0x22b: {  	p0 =	por !p0, !p0;
	v12 =	vadd.f32 v11, v14;
	v13 =	vbroadcast v8, $0x7;
	[tilespmem:s26+$0x0] =	vst v15;
	(v2sf) =	vpush v8, $0x7;
	s25 =	spop (v2sf)  }
0x22c: {  	s9 =	simm.s32 $0x40;
	v11 =	vadd.f32 v63, v51;
	v14 =	vmul.f32 v6, v18;
	[tilespmem:s11+$0x0] =	vst v62;
	(v2sf) =	vpush v10, $0xF;
	s23 =	sadd.f32 s14, s10;
	s11 =	spop (v2sf)  }
.LBB2_10:
0x22d: {  	s14 =	sadd.f32 s25, s16  }
0x22e: {  	s28 =	sadd.s32 $0x80, s28;
	s16 =	spop (v2sf);
	(v2sf) =	vpush v8, $0xF;
	s19 =	smov.u32 s9  }
0x22f: {  	p1 =	sne.s32 s9, $0x1FC0;
	s9 =	sadd.s32 $0x40, s9;
	v10 =	vadd.f32 v14, v10;
	v9 =	vadd.f32 s23, v9;
	s16 =	sadd.f32 s16, s24  }
0x230: {  	s10 =	sadd.f32 s14, s10  }
0x231: {  	[tilespmem:s26+$0x10] =	vst v9;
	s14 =	spop (v2sf)  }
0x232: {  	v9 =	vadd.f32 s10, v12;
	s10 =	sadd.f32 s16, s10;
	s16 =	spop (v2sf)  }
0x233: {  	s24 =	spop (v2sf)  }
0x234: {  	s16 =	sadd.f32 s16, s24;
	[tilespmem:s1+$0x0] =	vst v9;
	s1 =	spop (v2sf)  }
0x235: {  	s1 =	sadd.f32 s1, s14  }
0x236: {  	v9 =	vmul.f32 v6, v13;
	s14 =	sadd.f32 s16, s23;
	s16 =	spop (v2sf)  }
0x237: {  	s11 =	sadd.f32 s11, s16  }
0x238: {  	v8 =	vadd.f32 v9, v8;
	v7 =	vadd.f32 s14, v7;
	s1 =	sadd.f32 s1, s14  }
0x239: {  	v9 =	vadd.f32 s10, v11;
	s10 =	sadd.f32 s11, s10  }
0x23a: {  	[tilespmem:s26+$0x20] =	vst v7;
	v7 =	vadd.f32 s1, v8;
	s14 =	spop (v2sf)  }
0x23b: {  	s16 =	simm.s32 $0x1;
	s11 =	sand.u32 $0x3F00, s28;
	[tilespmem:s3+$0x0] =	vst v9;
	v8 =	vadd.f32 s10, v10;
	s3 =	spop (v2sf)  }
0x23c: {  	s19 =	sand.u32 $0x40, s19;
	s16 =	simm.s32 @!p0 $0x0;
	[tilespmem:s26+$0x30] =	vst v7;
	s23 =	spop (v2sf)  }
0x23d: {  	s16 =	sshll.u32 s16, $0x6;
	s26 =	sor.u32 s19, s11;
	[tilespmem:s8+$0x0] =	vst v8;
	s8 =	spop (v2sf)  }
0x23e: {  	s16 =	sadd.s32 s16, s28;
	v7 =	vld [tilespmem:s26+$0xC020];
	s3 =	sadd.f32 s8, s3  }
0x23f: {  	s11 =	sor.u32 $0x80, s16;
	s14 =	sadd.f32 s23, s14;
	s8 =	sadd.s32 $0x10, s16;
	v8 =	vld [tilespmem:s26+$0x20]  }
0x240: {  	s19 =	sadd.s32 $0x30, s16;
	v9 =	vld [tilespmem:s26+$0xC000];
	s23 =	sadd.f32 s3, s1  }
0x241: {  	s10 =	sadd.f32 s14, s10;
	s1 =	sor.u32 $0x80, s8;
	v10 =	vld [tilespmem:s26+$0x0]  }
0x242: {  	v11 =	vld [tilespmem:s11+$0x0]  }
0x243: {  	v12 =	vld [tilespmem:s11+$0xC000]  }
0x244: {  	s3 =	sadd.s32 $0x20, s16;
	v13 =	vld [tilespmem:s1+$0x0];
	v7 =	vmul.f32 v7, v8  }
0x245: {  	s3 =	sor.u32 $0x80, s3;
	v8 =	vld [tilespmem:s1+$0xC000]  }
0x246: {  	v9 =	vmul.f32 v9, v10;
	v10 =	vld [tilespmem:s3+$0x0];
	v14 =	vperm.xlane v7, v2  }
0x247: {  	v15 =	vld [tilespmem:s3+$0xC000]  }
0x248: {  	v11 =	vmul.f32 v12, v11;
	v12 =	vmul.f32 v0, v14  }
0x249: {  	v16 =	vperm.xlane v9, v2;
	v14 =	vld [tilespmem:s26+$0xC010]  }
0x24a: {  	s8 =	sor.u32 $0x80, s19;
	v17 =	vld [tilespmem:s26+$0x10];
	v8 =	vmul.f32 v8, v13;
	v13 =	vperm.xlane v11, v2;
	v7 =	vadd.f32 v12, v7  }
0x24b: {  	v16 =	vmul.f32 v0, v16;
	v12 =	vld [tilespmem:s8+$0x0]  }
0x24c: {  	v10 =	vmul.f32 v15, v10;
	v15 =	vld [tilespmem:s8+$0xC000];
	v18 =	vperm.xlane v8, v2  }
0x24d: {  	v13 =	vmul.f32 v0, v13;
	v9 =	vadd.f32 v16, v9;
	v16 =	vperm.xlane v7, v4  }
0x24e: {  	v19 =	vperm.xlane v10, v2;
	v18 =	vmul.f32 v0, v18  }
0x24f: {  	v11 =	vadd.f32 v13, v11;
	v13 =	vmul.f32 v1, v16;
	v14 =	vmul.f32 v14, v17  }
0x250: {  	v16 =	vperm.xlane v9, v4;
	v8 =	vadd.f32 v18, v8  }
0x251: {  	v17 =	vmul.f32 v0, v19;
	v18 =	vperm.xlane v11, v4;
	v7 =	vadd.f32 v13, v7  }
0x252: {  	v13 =	vperm.xlane v14, v2;
	v19 =	vperm.xlane v8, v4  }
0x253: {  	v16 =	vmul.f32 v1, v16;
	v10 =	vadd.f32 v17, v10;
	v17 =	vperm.xlane v7, v5  }
0x254: {  	v18 =	vmul.f32 v1, v18;
	v20 =	vld [tilespmem:s26+$0x30];
	v19 =	vmul.f32 v1, v19  }
0x255: {  	v12 =	vmul.f32 v15, v12;
	v9 =	vadd.f32 v16, v9;
	v15 =	vperm.xlane v10, v4;
	v21 =	vld [tilespmem:s26+$0xC030]  }
0x256: {  	v13 =	vmul.f32 v0, v13;
	v11 =	vadd.f32 v18, v11;
	v8 =	vadd.f32 v19, v8  }
0x257: {  	v16 =	vperm.xlane v9, v5;
	v15 =	vmul.f32 v1, v15  }
0x258: {  	v13 =	vadd.f32 v13, v14;
	v14 =	vperm.xlane v11, v5;
	v18 =	vperm.xlane v8, v5  }
0x259: {  	v19 =	vperm.xlane v12, v2;
	v10 =	vadd.f32 v15, v10;
	v15 =	vmul.f32 v3, v16  }
0x25a: {  	v16 =	vmul.f32 v21, v20;
	v18 =	vmul.f32 v3, v18  }
0x25b: {  	v20 =	vperm.xlane v13, v4;
	v21 =	vperm.xlane v10, v5;
	v15 =	vadd.f32 v15, v9  }
0x25c: {  	v14 =	vmul.f32 v3, v14;
	v9 =	vmul.f32 v0, v19;
	v8 =	vadd.f32 v18, v8  }
0x25d: {  	v18 =	vmul.f32 v1, v20;
	v19 =	vmul.f32 v3, v21;
	(v2sf) =	vpush v15, $0x7  }
0x25e: {  	v11 =	vadd.f32 v14, v11;
	v20 =	vperm.xlane v16, v2;
	(v2sf) =	vpush v8, $0x7  }
0x25f: {  	v13 =	vadd.f32 v18, v13;
	v14 =	vadd.f32 v19, v10;
	v10 =	vbroadcast v8, $0x7  }
0x260: {  	v9 =	vadd.f32 v9, v12;
	v12 =	vbroadcast v11, $0x7;
	(v2sf) =	vpush v15, $0xF  }
0x261: {  	v18 =	vmul.f32 v0, v20;
	v19 =	vbroadcast v15, $0x7;
	(v2sf) =	vpush v11, $0x7  }
0x262: {  	v20 =	vperm.xlane v9, v4;
	v21 =	vperm.xlane v13, v5;
	(v2sf) =	vpush v11, $0xF  }
0x263: {  	v17 =	vmul.f32 v3, v17;
	v16 =	vadd.f32 v18, v16;
	(v2sf) =	vpush v14, $0xF  }
0x264: {  	v12 =	vmul.f32 v6, v12;
	v18 =	vmul.f32 v3, v21;
	(v2sf) =	vpush v8, $0xF  }
0x265: {  	v7 =	vadd.f32 v17, v7;
	v20 =	vmul.f32 v1, v20;
	v21 =	vperm.xlane v16, v4  }
0x266: {  	v17 =	vmul.f32 v6, v19;
	v11 =	vadd.f32 v12, v11;
	v13 =	vadd.f32 v18, v13  }
0x267: {  	v12 =	vmul.f32 v1, v21;
	v18 =	vbroadcast v7, $0x7;
	(v2sf) =	vpush v7, $0x7  }
0x268: {  	v19 =	vadd.f32 v20, v9;
	v9 =	vbroadcast v13, $0x7;
	(v2sf) =	vpush v13, $0xF  }
0x269: {  	v16 =	vadd.f32 v12, v16;
	v12 =	vmul.f32 v6, v18;
	(v2sf) =	vpush v13, $0x7  }
0x26a: {  	v18 =	vperm.xlane v19, v5;
	v9 =	vmul.f32 v6, v9;
	(v2sf) =	vpush v7, $0xF  }
0x26b: {  	v10 =	vmul.f32 v6, v10;
	v20 =	vperm.xlane v16, v5;
	v7 =	vadd.f32 v12, v7  }
0x26c: {  	v18 =	vmul.f32 v3, v18;
	v9 =	vadd.f32 v9, v13;
	s14 =	spop (v2sf);
	(v2sf) =	vpush v14, $0x7  }
0x26d: {  	v15 =	vadd.f32 v17, v15;
	v13 =	vmul.f32 v3, v20;
	v12 =	vadd.f32 v10, v8;
	s24 =	spop (v2sf)  }
.Ltmp4:
0x26e: {  	v17 =	vbroadcast v14, $0x7;
	v10 =	vadd.f32 v18, v19;
	v18 =	vadd.f32 s10, v11;
	(pc) =	sbr.rel @p1 .LBB2_10-.Ltmp4, $4  }
0x26f: {  	v11 =	vadd.f32 s23, v15;
	v8 =	vadd.f32 v13, v16;
	s16 =	spop (v2sf)  }
0x270: {  	v15 =	vmul.f32 v6, v17;
	v16 =	vbroadcast v10, $0x7;
	s14 =	sadd.f32 s16, s14;
	s16 =	spop (v2sf);
	(v2sf) =	vpush v10, $0x7  }
0x271: {  	v13 =	vbroadcast v8, $0x7;
	[tilespmem:s26+$0x0] =	vst v11;
	(v2sf) =	vpush v8, $0x7;
	s25 =	spop (v2sf)  }
0x272: {  	p0 =	por !p0, !p0;
	v11 =	vadd.f32 v15, v14;
	v14 =	vmul.f32 v6, v16;
	s23 =	sadd.f32 s14, s23;
	[tilespmem:s11+$0x0] =	vst v18;
	s11 =	spop (v2sf);
	(v2sf) =	vpush v10, $0xF  }
0x273: {  	(v2sf) =	vpush v8, $0xF  }
0x274: {  	s9 =	spop (v2sf);
	s14 =	sadd.f32 s25, s16  }
0x275: {  	s9 =	sadd.f32 s9, s24  }
0x276: {  	s10 =	sadd.f32 s14, s10;
	s28 =	spop (v2sf)  }
0x277: {  	s19 =	spop (v2sf)  }
0x278: {  	s9 =	sadd.f32 s9, s10;
	s29 =	spop (v2sf)  }
0x279: {  	s14 =	sadd.f32 s19, s29;
	s30 =	spop (v2sf)  }
0x27a: {  	s16 =	sadd.f32 s30, s28  }
0x27b: {  	v13 =	vmul.f32 v6, v13;
	v9 =	vadd.f32 s23, v9;
	s14 =	sadd.f32 s14, s23;
	s31 =	spop (v2sf)  }
0x27c: {  	v12 =	vadd.f32 s10, v12;
	s11 =	sadd.f32 s11, s31  }
0x27d: {  	v8 =	vadd.f32 v13, v8;
	[tilespmem:s26+$0x10] =	vst v9;
	v7 =	vadd.f32 s14, v7;
	s19 =	sadd.f32 s16, s14  }
0x27e: {  	v62 =	vadd.f32 v14, v10;
	[tilespmem:s1+$0x0] =	vst v12;
	v63 =	vadd.f32 s9, v11;
	s23 =	sadd.f32 s11, s9  }
0x27f: {  	[tilespmem:s26+$0x20] =	vst v7;
	v7 =	vadd.f32 s19, v8;
	s24 =	spop (v2sf)  }
0x280: {  	[tilespmem:s3+$0x0] =	vst v63;
	v8 =	vadd.f32 s23, v62;
	s25 =	spop (v2sf)  }
0x281: {  	[tilespmem:s26+$0x30] =	vst v7;
	s26 =	spop (v2sf)  }
0x282: {  	s1 =	rddreg [dreg:$0x6];
	s29 =	simm.s32 $0x6;
	[tilespmem:s8+$0x0] =	vst v8;
	s28 =	spop (v2sf)  }
0x283: {  	[hbm4b:s1+s12] =	stream.strided.scatter [tilespmem:s5], [sflag:$0x4], $0x4000, s13, s12, $0x38;
	[tilespmem:$0x18000] =	vst v63  }
0x284: {  	_ =	swait.ge [sflag:s29], $0x4000  }
0x285: {  	[sflag:s29] =	ssyncset.done $0x0  }
0x286: {  	[sflag:s29] =	ssyncadd.s32 $0xFFFFC000  }
0x287: {  	_ =	swait.ge [sflag:s21], $0x4000  }
0x288: {  	s30 =	rddreg [dreg:$0x8]  }
0x289: {  	s31 =	rddreg [dreg:$0x7];
	s3 =	sadd.s32 $0x1, s30  }
0x28a: {  	p0 =	sne.s32 s3, s31  }
.Ltmp5:
0x28b: {  	_ = 	snop;
	(pc) =	sbr.rel @p0 .LBB2_1-.Ltmp5, $3  }
0x28c: {  	_ =	sdelay $0x1  }
0x28d: {  	[sflag:s21] =	ssyncset.done $0x0  }
0x28e: {  	[sflag:s21] =	ssyncadd.s32 $0xFFFFC000  }
0x28f: {  	_ =	sfence.sel $0x180000  }
0x290: {  	[bflag:$0x0] =	sbarrier.arrive $0xFFFF  }
0x291: {  	_ =	strace $0x90000047  }
0x292: {  	s0 =	stileid.u32;
	[bflag:$0x2] =	sbarrier.arrive $0xFFFF  }
0x293: {  	p0 =	sne.s32 s0, $0x0;
	s0 =	rddreg [dreg:$0x3]  }
0x294: {  	s0 =	sadd.s32 @!p0 $0x100000, s0  }
0x295: {  	[sflag:s0] =	ssyncadd.tile.s32 @!p0 $0x1;
	_ =	shalt  }
.Lfunc_end2:
_tile_overlayer_lowered:
.L_overlay_start_2:
0x296: {  	(tag) =	ssettag $0x2  }
0x297: {  	s0 =	rddreg [dreg:$0x0];
	s2 =	stileid.u32  }
0x298: {  	s1 =	rddreg [dreg:$0x1];
	p0 =	sne.s32 s2, $0x0  }
0x299: {  	s3 =	rddreg [dreg:$0x2];
	[bflag:$0x3] =	sbarrier.arrive $0xFFFF;
	s2 =	simm.s32 @!p0 $0x1C07  }
0x29a: {  	[timem:s3], [sflag:s2] =	dma.local @!p0 [hbm:s0], s1  }
0x29b: {  	s0 =	simm.s32 @!p0 $0x7  }
0x29c: {  	_ =	swait.ge @!p0 [sflag:s0], s1  }
0x29d: {  	s1 =	ssub.s32 @!p0 $0x0, s1;
	[sflag:s0] =	ssyncset.done @!p0 $0x0  }
0x29e: {  	[sflag:s0] =	ssyncadd.s32 @!p0 s1  }
0x29f: {  	[bflag:$0x3] =	sbarrier.arrive $0xFFFF  }
0x2a0: {  	_ =	shalt  }

</sc_bundles>
